<compile_context>
chip_gen: v7x
topology: tpu7x:2x2x1
jax: 0.10.2.dev20260603
libtpu: 0.0.44.dev20260713+nightly
codegen_flags: <defaults>
</compile_context>

<pallas_src>
import jax
import jax.numpy as jnp
from jax import lax
from jax.experimental import pallas as pl
from jax.experimental.pallas import tpu as pltpu
from jax.experimental.pallas import tpu_sc as plsc

VOC = 1000000
DIM = 64
B = 16384
L = 50

NC = 2
NS = 16
NW = NC * NS
B_PER_W = B // NW
CB = 2
C_PER_W = B_PER_W // CB
NBUF = 8
NLANE = 16
ND = DIM // NLANE
SCALE = 1.0 / L

BC = 16384
BCH = BC // 2
NBLK = (VOC + BC - 1) // BC
VOCP = NBLK * BC


def _format_body(tt_ref, out_ref):
    out_ref[...] = jnp.concatenate(
        [tt_ref[:, :BCH].T, tt_ref[:, BCH:].T], axis=1)


def _gather_body(items_hbm, table_hbm, out_hbm, idx_v, rows_v, out_v, *sems):
    wid = lax.axis_index("s") * NC + lax.axis_index("c")

    pltpu.sync_copy(items_hbm.at[pl.ds(wid * C_PER_W, C_PER_W)], idx_v)

    def issue(chunk, buf):
        return pltpu.async_copy(
            table_hbm.at[idx_v.at[chunk]], rows_v.at[buf], sems[buf])

    for b in range(NBUF):
        issue(b, b)

    def reduce_chunk(chunk, buf):
        for cb in range(CB):
            def accum(l, accs):
                return tuple(
                    accs[d] + rows_v[buf, cb * L + l, pl.ds(d * NLANE, NLANE)]
                    for d in range(ND))

            accs = lax.fori_loop(
                0, L, accum,
                tuple(jnp.zeros((NLANE,), jnp.float32) for _ in range(ND)),
                unroll=2)
            for d in range(ND):
                out_v[chunk * CB + cb, pl.ds(d * NLANE, NLANE)] = (
                    accs[d] * SCALE)

    @pl.loop(0, C_PER_W, step=NBUF)
    def _(c):
        for b in range(NBUF):
            cc = c + b
            pltpu.make_async_copy(
                table_hbm.at[idx_v.at[cc]], rows_v.at[b], sems[b]).wait()
            reduce_chunk(cc, b)
            nxt = cc + NBUF

            @pl.when(nxt < C_PER_W)
            def _():
                issue(nxt, b)

    pltpu.sync_copy(out_v, out_hbm.at[pl.ds(wid * B_PER_W, B_PER_W)])


def _format_table(table_t):
    return pl.pallas_call(
        _format_body,
        grid=(NBLK,),
        in_specs=[pl.BlockSpec((DIM, BC), lambda i: (0, i))],
        out_specs=pl.BlockSpec((BCH, 2 * DIM), lambda i: (i, 0)),
        out_shape=jax.ShapeDtypeStruct((VOCP // 2, 2 * DIM), jnp.float32),
        compiler_params=pltpu.CompilerParams(
            dimension_semantics=("parallel",)),
    )(table_t)


def _gather_mean(items2, table_lin):
    mesh = plsc.VectorSubcoreMesh(core_axis_name="c", subcore_axis_name="s")
    return pl.kernel(
        _gather_body,
        out_type=jax.ShapeDtypeStruct((B, DIM), jnp.float32),
        mesh=mesh,
        scratch_types=[
            pltpu.VMEM((C_PER_W, CB * L), jnp.int32),
            pltpu.VMEM((NBUF, CB * L, DIM), jnp.float32),
            pltpu.VMEM((B_PER_W, DIM), jnp.float32),
        ] + [pltpu.SemaphoreType.DMA] * NBUF,
        compiler_params=pltpu.CompilerParams(use_tc_tiling_on_sc=False),
    )(items2, table_lin)


@jax.jit
def _run(items, table):
    table_lin = _format_table(table.T).reshape(VOCP, DIM)
    i = items.astype(jnp.int32)
    idx = (i & ~(BC - 1)) | ((i & (BCH - 1)) << 1) | (
        (i & BCH) >> (BCH.bit_length() - 1))
    return _gather_mean(idx.reshape(B // CB, CB * L), table_lin)


def kernel(items, table):
    return _run(items, table)

# --- scband reference (transcript-rebuilt; emitter-appended) ---
"""Pipeline reference for scband-item-embedding-26285199852118 (READ-ONLY COPY).

The authoritative reference and input builder live on the scoring server;
editing this copy changes nothing except your own understanding.
"""

import jax, jax.numpy as jnp
import numpy as np

VOC = 1000000
DIM = 64
B = 16384
L = 50

def setup_inputs(seed: int = 0) -> dict:
    key = jax.random.key(seed)
    k_items, k_table = jax.random.split(key)
    items = jax.random.randint(k_items, (B, L), 0, VOC, dtype=jnp.int64 if jax.config.jax_enable_x64 else jnp.int32)
    # nn.Embedding weight initialized uniform(-0.1, 0.1) per init_weights()
    table = jax.random.uniform(k_table, (VOC, DIM), dtype=jnp.float32, minval=-0.1, maxval=0.1)
    return {"items": items, "table": table}

def reference(items, table):
    # embedding lookup: gather rows of the table
    embedding = jnp.take(table, items, axis=0)  # [B, L, DIM]
    # embedding_mode == 'mean': mean over the history dimension (dim=-2)
    embedding = jnp.mean(embedding, axis=-2)    # [B, DIM]
    return embedding

if __name__ == "__main__":
    import jax
    _d = setup_inputs()
    print(jax.jit(kernel)(*tuple(_d.values())))

</pallas_src>

<mosaic_0001>
#map = affine_map<(d0, d1) -> (0, 0)>
module attributes {stable_mosaic.version = 14 : i64} {
  func.func @_gather_body(%arg0: i32, %arg1: i32, %arg2: memref<8192x100xi32, #tpu.memory_space<hbm>>, %arg3: memref<1015808x64xf32, #tpu.memory_space<hbm>>, %arg4: memref<16384x64xf32, #tpu.memory_space<hbm>>, %arg5: memref<256x100xi32, #tpu.memory_space<vmem>>, %arg6: memref<8x100x64xf32, #tpu.memory_space<vmem>>, %arg7: memref<512x64xf32, #tpu.memory_space<vmem>>, %arg8: memref<!tpu.dma_semaphore, #tpu.memory_space<semaphore_mem>>, %arg9: memref<!tpu.dma_semaphore, #tpu.memory_space<semaphore_mem>>, %arg10: memref<!tpu.dma_semaphore, #tpu.memory_space<semaphore_mem>>, %arg11: memref<!tpu.dma_semaphore, #tpu.memory_space<semaphore_mem>>, %arg12: memref<!tpu.dma_semaphore, #tpu.memory_space<semaphore_mem>>, %arg13: memref<!tpu.dma_semaphore, #tpu.memory_space<semaphore_mem>>, %arg14: memref<!tpu.dma_semaphore, #tpu.memory_space<semaphore_mem>>, %arg15: memref<!tpu.dma_semaphore, #tpu.memory_space<semaphore_mem>>) attributes {dimension_semantics = [#tpu.dimension_semantics<core_parallel>, #tpu.dimension_semantics<subcore_parallel>], iteration_bounds = array<i64: 2, 16>, scalar_prefetch = 0 : i64, scratch_operands = 11 : i64, tpu.core_type = #tpu.core_type<sc_vector_subcore>, window_params = [{transform_indices = #map}, {transform_indices = #map}, {transform_indices = #map}]} {
    %mul3A = arith.constant 2 : i32
    %mul3A_0 = arith.muli %arg1, %mul3A : i32
    %add3A = arith.addi %mul3A_0, %arg0 : i32
    %mul3A_1 = arith.constant 256 : i32
    %mul3A_2 = arith.muli %add3A, %mul3A_1 : i32
    "tpu.region"() ({
      %run_scoped3A = tpu.sem_alloc : memref<!tpu.dma_semaphore, #tpu.memory_space<semaphore_mem>>
      %dma_start3A_104 = arith.constant 0 : i32
      %dma_start3A_105 = tpu.memref_slice %arg2[%mul3A_2, %dma_start3A_104] : memref<8192x100xi32, #tpu.memory_space<hbm>> -> memref<256x100xi32, #tpu.memory_space<hbm>>
      %dma_start3A_106 = arith.constant 0 : i32
      %dma_start3A_107 = tpu.memref_slice %arg2[%mul3A_2, %dma_start3A_106] : memref<8192x100xi32, #tpu.memory_space<hbm>> -> memref<256x100xi32, #tpu.memory_space<hbm>>
      tpu.enqueue_dma source(%dma_start3A_107 : memref<256x100xi32, #tpu.memory_space<hbm>>) target(%arg5 : memref<256x100xi32, #tpu.memory_space<vmem>>) target_semaphore(%run_scoped3A : memref<!tpu.dma_semaphore, #tpu.memory_space<semaphore_mem>>)
      %dma_wait3A = arith.constant 0 : i32
      %dma_wait3A_108 = tpu.memref_slice %arg2[%mul3A_2, %dma_wait3A] : memref<8192x100xi32, #tpu.memory_space<hbm>> -> memref<256x100xi32, #tpu.memory_space<hbm>>
      %dma_wait3A_109 = arith.constant 0 : i32
      %dma_wait3A_110 = tpu.memref_slice %arg2[%mul3A_2, %dma_wait3A_109] : memref<8192x100xi32, #tpu.memory_space<hbm>> -> memref<256x100xi32, #tpu.memory_space<hbm>>
      tpu.wait_dma2 semaphore(%run_scoped3A : memref<!tpu.dma_semaphore, #tpu.memory_space<semaphore_mem>>) src(%dma_wait3A_110 : memref<256x100xi32, #tpu.memory_space<hbm>>) dst(%arg5 : memref<256x100xi32, #tpu.memory_space<vmem>>)
      tpu.yield
    }) : () -> ()
    %dma_start3A = arith.constant 0 : i32
    %dma_start3A_3 = arith.constant 0 : i32
    %dma_start3A_4 = arith.constant 0 : i32
    %dma_start3A_5 = arith.constant 0 : i32
    %dma_start3A_6 = tpu.memref_slice %arg6[%dma_start3A_3, %dma_start3A_4, %dma_start3A_5] : memref<8x100x64xf32, #tpu.memory_space<vmem>> -> memref<1x100x64xf32, #tpu.memory_space<vmem>>
    %dma_start3A_7 = tpu.memref_squeeze %dma_start3A_6 : memref<1x100x64xf32, #tpu.memory_space<vmem>> -> memref<100x64xf32, #tpu.memory_space<vmem>>
    %dma_start3A_8 = arith.constant 0 : i32
    %dma_start3A_9 = tpu.memref_slice %arg5[%dma_start3A, %dma_start3A_8] : memref<256x100xi32, #tpu.memory_space<vmem>> -> memref<1x100xi32, #tpu.memory_space<vmem>>
    %dma_start3A_10 = tpu.memref_squeeze %dma_start3A_9 : memref<1x100xi32, #tpu.memory_space<vmem>> -> memref<100xi32, #tpu.memory_space<vmem>>
    %dma_start3A_11 = arith.constant 0 : i32
    %dma_start3A_12 = arith.constant 0 : i32
    %dma_start3A_13 = tpu.memref_slice %arg3[%dma_start3A_11, %dma_start3A_12] : memref<1015808x64xf32, #tpu.memory_space<hbm>> -> memref<1015808x64xf32, #tpu.memory_space<hbm>>
    tpu.enqueue_indirect_dma source(%dma_start3A_13 : memref<1015808x64xf32, #tpu.memory_space<hbm>>) target(%dma_start3A_7 : memref<100x64xf32, #tpu.memory_space<vmem>>) offsets(%dma_start3A_10 : memref<100xi32, #tpu.memory_space<vmem>>) semaphore(%arg8 : memref<!tpu.dma_semaphore, #tpu.memory_space<semaphore_mem>>)
    %dma_start3A_14 = arith.constant 1 : i32
    %dma_start3A_15 = arith.constant 1 : i32
    %dma_start3A_16 = arith.constant 0 : i32
    %dma_start3A_17 = arith.constant 0 : i32
    %dma_start3A_18 = tpu.memref_slice %arg6[%dma_start3A_15, %dma_start3A_16, %dma_start3A_17] : memref<8x100x64xf32, #tpu.memory_space<vmem>> -> memref<1x100x64xf32, #tpu.memory_space<vmem>>
    %dma_start3A_19 = tpu.memref_squeeze %dma_start3A_18 : memref<1x100x64xf32, #tpu.memory_space<vmem>> -> memref<100x64xf32, #tpu.memory_space<vmem>>
    %dma_start3A_20 = arith.constant 0 : i32
    %dma_start3A_21 = tpu.memref_slice %arg5[%dma_start3A_14, %dma_start3A_20] : memref<256x100xi32, #tpu.memory_space<vmem>> -> memref<1x100xi32, #tpu.memory_space<vmem>>
    %dma_start3A_22 = tpu.memref_squeeze %dma_start3A_21 : memref<1x100xi32, #tpu.memory_space<vmem>> -> memref<100xi32, #tpu.memory_space<vmem>>
    %dma_start3A_23 = arith.constant 0 : i32
    %dma_start3A_24 = arith.constant 0 : i32
    %dma_start3A_25 = tpu.memref_slice %arg3[%dma_start3A_23, %dma_start3A_24] : memref<1015808x64xf32, #tpu.memory_space<hbm>> -> memref<1015808x64xf32, #tpu.memory_space<hbm>>
    tpu.enqueue_indirect_dma source(%dma_start3A_25 : memref<1015808x64xf32, #tpu.memory_space<hbm>>) target(%dma_start3A_19 : memref<100x64xf32, #tpu.memory_space<vmem>>) offsets(%dma_start3A_22 : memref<100xi32, #tpu.memory_space<vmem>>) semaphore(%arg9 : memref<!tpu.dma_semaphore, #tpu.memory_space<semaphore_mem>>)
    %dma_start3A_26 = arith.constant 2 : i32
    %dma_start3A_27 = arith.constant 2 : i32
    %dma_start3A_28 = arith.constant 0 : i32
    %dma_start3A_29 = arith.constant 0 : i32
    %dma_start3A_30 = tpu.memref_slice %arg6[%dma_start3A_27, %dma_start3A_28, %dma_start3A_29] : memref<8x100x64xf32, #tpu.memory_space<vmem>> -> memref<1x100x64xf32, #tpu.memory_space<vmem>>
    %dma_start3A_31 = tpu.memref_squeeze %dma_start3A_30 : memref<1x100x64xf32, #tpu.memory_space<vmem>> -> memref<100x64xf32, #tpu.memory_space<vmem>>
    %dma_start3A_32 = arith.constant 0 : i32
    %dma_start3A_33 = tpu.memref_slice %arg5[%dma_start3A_26, %dma_start3A_32] : memref<256x100xi32, #tpu.memory_space<vmem>> -> memref<1x100xi32, #tpu.memory_space<vmem>>
    %dma_start3A_34 = tpu.memref_squeeze %dma_start3A_33 : memref<1x100xi32, #tpu.memory_space<vmem>> -> memref<100xi32, #tpu.memory_space<vmem>>
    %dma_start3A_35 = arith.constant 0 : i32
    %dma_start3A_36 = arith.constant 0 : i32
    %dma_start3A_37 = tpu.memref_slice %arg3[%dma_start3A_35, %dma_start3A_36] : memref<1015808x64xf32, #tpu.memory_space<hbm>> -> memref<1015808x64xf32, #tpu.memory_space<hbm>>
    tpu.enqueue_indirect_dma source(%dma_start3A_37 : memref<1015808x64xf32, #tpu.memory_space<hbm>>) target(%dma_start3A_31 : memref<100x64xf32, #tpu.memory_space<vmem>>) offsets(%dma_start3A_34 : memref<100xi32, #tpu.memory_space<vmem>>) semaphore(%arg10 : memref<!tpu.dma_semaphore, #tpu.memory_space<semaphore_mem>>)
    %dma_start3A_38 = arith.constant 3 : i32
    %dma_start3A_39 = arith.constant 3 : i32
    %dma_start3A_40 = arith.constant 0 : i32
    %dma_start3A_41 = arith.constant 0 : i32
    %dma_start3A_42 = tpu.memref_slice %arg6[%dma_start3A_39, %dma_start3A_40, %dma_start3A_41] : memref<8x100x64xf32, #tpu.memory_space<vmem>> -> memref<1x100x64xf32, #tpu.memory_space<vmem>>
    %dma_start3A_43 = tpu.memref_squeeze %dma_start3A_42 : memref<1x100x64xf32, #tpu.memory_space<vmem>> -> memref<100x64xf32, #tpu.memory_space<vmem>>
    %dma_start3A_44 = arith.constant 0 : i32
    %dma_start3A_45 = tpu.memref_slice %arg5[%dma_start3A_38, %dma_start3A_44] : memref<256x100xi32, #tpu.memory_space<vmem>> -> memref<1x100xi32, #tpu.memory_space<vmem>>
    %dma_start3A_46 = tpu.memref_squeeze %dma_start3A_45 : memref<1x100xi32, #tpu.memory_space<vmem>> -> memref<100xi32, #tpu.memory_space<vmem>>
    %dma_start3A_47 = arith.constant 0 : i32
    %dma_start3A_48 = arith.constant 0 : i32
    %dma_start3A_49 = tpu.memref_slice %arg3[%dma_start3A_47, %dma_start3A_48] : memref<1015808x64xf32, #tpu.memory_space<hbm>> -> memref<1015808x64xf32, #tpu.memory_space<hbm>>
    tpu.enqueue_indirect_dma source(%dma_start3A_49 : memref<1015808x64xf32, #tpu.memory_space<hbm>>) target(%dma_start3A_43 : memref<100x64xf32, #tpu.memory_space<vmem>>) offsets(%dma_start3A_46 : memref<100xi32, #tpu.memory_space<vmem>>) semaphore(%arg11 : memref<!tpu.dma_semaphore, #tpu.memory_space<semaphore_mem>>)
    %dma_start3A_50 = arith.constant 4 : i32
    %dma_start3A_51 = arith.constant 4 : i32
    %dma_start3A_52 = arith.constant 0 : i32
    %dma_start3A_53 = arith.constant 0 : i32
    %dma_start3A_54 = tpu.memref_slice %arg6[%dma_start3A_51, %dma_start3A_52, %dma_start3A_53] : memref<8x100x64xf32, #tpu.memory_space<vmem>> -> memref<1x100x64xf32, #tpu.memory_space<vmem>>
    %dma_start3A_55 = tpu.memref_squeeze %dma_start3A_54 : memref<1x100x64xf32, #tpu.memory_space<vmem>> -> memref<100x64xf32, #tpu.memory_space<vmem>>
    %dma_start3A_56 = arith.constant 0 : i32
    %dma_start3A_57 = tpu.memref_slice %arg5[%dma_start3A_50, %dma_start3A_56] : memref<256x100xi32, #tpu.memory_space<vmem>> -> memref<1x100xi32, #tpu.memory_space<vmem>>
    %dma_start3A_58 = tpu.memref_squeeze %dma_start3A_57 : memref<1x100xi32, #tpu.memory_space<vmem>> -> memref<100xi32, #tpu.memory_space<vmem>>
    %dma_start3A_59 = arith.constant 0 : i32
    %dma_start3A_60 = arith.constant 0 : i32
    %dma_start3A_61 = tpu.memref_slice %arg3[%dma_start3A_59, %dma_start3A_60] : memref<1015808x64xf32, #tpu.memory_space<hbm>> -> memref<1015808x64xf32, #tpu.memory_space<hbm>>
    tpu.enqueue_indirect_dma source(%dma_start3A_61 : memref<1015808x64xf32, #tpu.memory_space<hbm>>) target(%dma_start3A_55 : memref<100x64xf32, #tpu.memory_space<vmem>>) offsets(%dma_start3A_58 : memref<100xi32, #tpu.memory_space<vmem>>) semaphore(%arg12 : memref<!tpu.dma_semaphore, #tpu.memory_space<semaphore_mem>>)
    %dma_start3A_62 = arith.constant 5 : i32
    %dma_start3A_63 = arith.constant 5 : i32
    %dma_start3A_64 = arith.constant 0 : i32
    %dma_start3A_65 = arith.constant 0 : i32
    %dma_start3A_66 = tpu.memref_slice %arg6[%dma_start3A_63, %dma_start3A_64, %dma_start3A_65] : memref<8x100x64xf32, #tpu.memory_space<vmem>> -> memref<1x100x64xf32, #tpu.memory_space<vmem>>
    %dma_start3A_67 = tpu.memref_squeeze %dma_start3A_66 : memref<1x100x64xf32, #tpu.memory_space<vmem>> -> memref<100x64xf32, #tpu.memory_space<vmem>>
    %dma_start3A_68 = arith.constant 0 : i32
    %dma_start3A_69 = tpu.memref_slice %arg5[%dma_start3A_62, %dma_start3A_68] : memref<256x100xi32, #tpu.memory_space<vmem>> -> memref<1x100xi32, #tpu.memory_space<vmem>>
    %dma_start3A_70 = tpu.memref_squeeze %dma_start3A_69 : memref<1x100xi32, #tpu.memory_space<vmem>> -> memref<100xi32, #tpu.memory_space<vmem>>
    %dma_start3A_71 = arith.constant 0 : i32
    %dma_start3A_72 = arith.constant 0 : i32
    %dma_start3A_73 = tpu.memref_slice %arg3[%dma_start3A_71, %dma_start3A_72] : memref<1015808x64xf32, #tpu.memory_space<hbm>> -> memref<1015808x64xf32, #tpu.memory_space<hbm>>
    tpu.enqueue_indirect_dma source(%dma_start3A_73 : memref<1015808x64xf32, #tpu.memory_space<hbm>>) target(%dma_start3A_67 : memref<100x64xf32, #tpu.memory_space<vmem>>) offsets(%dma_start3A_70 : memref<100xi32, #tpu.memory_space<vmem>>) semaphore(%arg13 : memref<!tpu.dma_semaphore, #tpu.memory_space<semaphore_mem>>)
    %dma_start3A_74 = arith.constant 6 : i32
    %dma_start3A_75 = arith.constant 6 : i32
    %dma_start3A_76 = arith.constant 0 : i32
    %dma_start3A_77 = arith.constant 0 : i32
    %dma_start3A_78 = tpu.memref_slice %arg6[%dma_start3A_75, %dma_start3A_76, %dma_start3A_77] : memref<8x100x64xf32, #tpu.memory_space<vmem>> -> memref<1x100x64xf32, #tpu.memory_space<vmem>>
    %dma_start3A_79 = tpu.memref_squeeze %dma_start3A_78 : memref<1x100x64xf32, #tpu.memory_space<vmem>> -> memref<100x64xf32, #tpu.memory_space<vmem>>
    %dma_start3A_80 = arith.constant 0 : i32
    %dma_start3A_81 = tpu.memref_slice %arg5[%dma_start3A_74, %dma_start3A_80] : memref<256x100xi32, #tpu.memory_space<vmem>> -> memref<1x100xi32, #tpu.memory_space<vmem>>
    %dma_start3A_82 = tpu.memref_squeeze %dma_start3A_81 : memref<1x100xi32, #tpu.memory_space<vmem>> -> memref<100xi32, #tpu.memory_space<vmem>>
    %dma_start3A_83 = arith.constant 0 : i32
    %dma_start3A_84 = arith.constant 0 : i32
    %dma_start3A_85 = tpu.memref_slice %arg3[%dma_start3A_83, %dma_start3A_84] : memref<1015808x64xf32, #tpu.memory_space<hbm>> -> memref<1015808x64xf32, #tpu.memory_space<hbm>>
    tpu.enqueue_indirect_dma source(%dma_start3A_85 : memref<1015808x64xf32, #tpu.memory_space<hbm>>) target(%dma_start3A_79 : memref<100x64xf32, #tpu.memory_space<vmem>>) offsets(%dma_start3A_82 : memref<100xi32, #tpu.memory_space<vmem>>) semaphore(%arg14 : memref<!tpu.dma_semaphore, #tpu.memory_space<semaphore_mem>>)
    %dma_start3A_86 = arith.constant 7 : i32
    %dma_start3A_87 = arith.constant 7 : i32
    %dma_start3A_88 = arith.constant 0 : i32
    %dma_start3A_89 = arith.constant 0 : i32
    %dma_start3A_90 = tpu.memref_slice %arg6[%dma_start3A_87, %dma_start3A_88, %dma_start3A_89] : memref<8x100x64xf32, #tpu.memory_space<vmem>> -> memref<1x100x64xf32, #tpu.memory_space<vmem>>
    %dma_start3A_91 = tpu.memref_squeeze %dma_start3A_90 : memref<1x100x64xf32, #tpu.memory_space<vmem>> -> memref<100x64xf32, #tpu.memory_space<vmem>>
    %dma_start3A_92 = arith.constant 0 : i32
    %dma_start3A_93 = tpu.memref_slice %arg5[%dma_start3A_86, %dma_start3A_92] : memref<256x100xi32, #tpu.memory_space<vmem>> -> memref<1x100xi32, #tpu.memory_space<vmem>>
    %dma_start3A_94 = tpu.memref_squeeze %dma_start3A_93 : memref<1x100xi32, #tpu.memory_space<vmem>> -> memref<100xi32, #tpu.memory_space<vmem>>
    %dma_start3A_95 = arith.constant 0 : i32
    %dma_start3A_96 = arith.constant 0 : i32
    %dma_start3A_97 = tpu.memref_slice %arg3[%dma_start3A_95, %dma_start3A_96] : memref<1015808x64xf32, #tpu.memory_space<hbm>> -> memref<1015808x64xf32, #tpu.memory_space<hbm>>
    tpu.enqueue_indirect_dma source(%dma_start3A_97 : memref<1015808x64xf32, #tpu.memory_space<hbm>>) target(%dma_start3A_91 : memref<100x64xf32, #tpu.memory_space<vmem>>) offsets(%dma_start3A_94 : memref<100xi32, #tpu.memory_space<vmem>>) semaphore(%arg15 : memref<!tpu.dma_semaphore, #tpu.memory_space<semaphore_mem>>)
    %scan3A = arith.constant 0 : i32
    %scan3A_98 = arith.constant 32 : i32
    %scan3A_99 = arith.addi %scan3A, %scan3A_98 : i32
    %scan3A_100 = arith.constant 1 : i32
    scf.for %scan3A_104 = %scan3A to %scan3A_99 step %scan3A_100  : i32 {
      %mul3A_105 = arith.constant 8 : i32
      %mul3A_106 = arith.muli %scan3A_104, %mul3A_105 : i32
      %add3A_107 = arith.constant 0 : i32
      %add3A_108 = arith.addi %add3A_107, %mul3A_106 : i32
      %add3A_109 = arith.constant 0 : i32
      %add3A_110 = arith.addi %add3A_108, %add3A_109 : i32
      %dma_wait3A = arith.constant 0 : i32
      %dma_wait3A_111 = arith.constant 0 : i32
      %dma_wait3A_112 = arith.constant 0 : i32
      %dma_wait3A_113 = tpu.memref_slice %arg6[%dma_wait3A, %dma_wait3A_111, %dma_wait3A_112] : memref<8x100x64xf32, #tpu.memory_space<vmem>> -> memref<1x100x64xf32, #tpu.memory_space<vmem>>
      %dma_wait3A_114 = tpu.memref_squeeze %dma_wait3A_113 : memref<1x100x64xf32, #tpu.memory_space<vmem>> -> memref<100x64xf32, #tpu.memory_space<vmem>>
      %dma_wait3A_115 = arith.constant 0 : i32
      %dma_wait3A_116 = tpu.memref_slice %arg5[%add3A_110, %dma_wait3A_115] : memref<256x100xi32, #tpu.memory_space<vmem>> -> memref<1x100xi32, #tpu.memory_space<vmem>>
      %dma_wait3A_117 = tpu.memref_squeeze %dma_wait3A_116 : memref<1x100xi32, #tpu.memory_space<vmem>> -> memref<100xi32, #tpu.memory_space<vmem>>
      %dma_wait3A_118 = arith.constant 0 : i32
      %dma_wait3A_119 = arith.constant 0 : i32
      %dma_wait3A_120 = tpu.memref_slice %arg3[%dma_wait3A_118, %dma_wait3A_119] : memref<1015808x64xf32, #tpu.memory_space<hbm>> -> memref<1015808x64xf32, #tpu.memory_space<hbm>>
      tpu.wait_indirect_dma semaphore(%arg8 : memref<!tpu.dma_semaphore, #tpu.memory_space<semaphore_mem>>) src(%dma_wait3A_120 : memref<1015808x64xf32, #tpu.memory_space<hbm>>) dst(%dma_wait3A_114 : memref<100x64xf32, #tpu.memory_space<vmem>>)
      %broadcast_in_dim3A = arith.constant 0.000000e+00 : f32
      %broadcast_in_dim3A_121 = vector.broadcast %broadcast_in_dim3A : f32 to vector<16xf32>
      %broadcast_in_dim3A_122 = arith.constant 0.000000e+00 : f32
      %broadcast_in_dim3A_123 = vector.broadcast %broadcast_in_dim3A_122 : f32 to vector<16xf32>
      %broadcast_in_dim3A_124 = arith.constant 0.000000e+00 : f32
      %broadcast_in_dim3A_125 = vector.broadcast %broadcast_in_dim3A_124 : f32 to vector<16xf32>
      %broadcast_in_dim3A_126 = arith.constant 0.000000e+00 : f32
      %broadcast_in_dim3A_127 = vector.broadcast %broadcast_in_dim3A_126 : f32 to vector<16xf32>
      %scan3A_128 = arith.constant 0 : i32
      %scan3A_129 = arith.constant 50 : i32
      %scan3A_130 = arith.addi %scan3A_128, %scan3A_129 : i32
      %scan3A_131 = arith.constant 2 : i32
      %scan3A_132:4 = scf.for %scan3A_1255 = %scan3A_128 to %scan3A_130 step %scan3A_131 iter_args(%scan3A_1256 = %broadcast_in_dim3A_121, %scan3A_1257 = %broadcast_in_dim3A_123, %scan3A_1258 = %broadcast_in_dim3A_125, %scan3A_1259 = %broadcast_in_dim3A_127) -> (vector<16xf32>, vector<16xf32>, vector<16xf32>, vector<16xf32>)  : i32 {
        %add3A_1260 = arith.constant 0 : i32
        %add3A_1261 = arith.addi %add3A_1260, %scan3A_1255 : i32
        %get3A = arith.constant 0 : i32
        %get3A_1262 = arith.index_cast %get3A : i32 to index
        %get3A_1263 = arith.index_cast %add3A_1261 : i32 to index
        %get3A_1264 = arith.constant 0 : index
        %get3A_1265 = tpu.vector_load %arg6[%get3A_1262, %get3A_1263, %get3A_1264] {strides = array<i32>} : memref<8x100x64xf32, #tpu.memory_space<vmem>>, vector<1x1x16xf32>,
        %get3A_1266 = vector.shape_cast %get3A_1265 : vector<1x1x16xf32> to vector<16xf32>
        %add3A_1267 = arith.addf %scan3A_1256, %get3A_1266 : vector<16xf32>
        %add3A_1268 = arith.constant 0 : i32
        %add3A_1269 = arith.addi %add3A_1268, %scan3A_1255 : i32
        %get3A_1270 = arith.constant 0 : i32
        %get3A_1271 = arith.index_cast %get3A_1270 : i32 to index
        %get3A_1272 = arith.index_cast %add3A_1269 : i32 to index
        %get3A_1273 = arith.constant 16 : index
        %get3A_1274 = tpu.vector_load %arg6[%get3A_1271, %get3A_1272, %get3A_1273] {strides = array<i32>} : memref<8x100x64xf32, #tpu.memory_space<vmem>>, vector<1x1x16xf32>,
        %get3A_1275 = vector.shape_cast %get3A_1274 : vector<1x1x16xf32> to vector<16xf32>
        %add3A_1276 = arith.addf %scan3A_1257, %get3A_1275 : vector<16xf32>
        %add3A_1277 = arith.constant 0 : i32
        %add3A_1278 = arith.addi %add3A_1277, %scan3A_1255 : i32
        %get3A_1279 = arith.constant 0 : i32
        %get3A_1280 = arith.index_cast %get3A_1279 : i32 to index
        %get3A_1281 = arith.index_cast %add3A_1278 : i32 to index
        %get3A_1282 = arith.constant 32 : index
        %get3A_1283 = tpu.vector_load %arg6[%get3A_1280, %get3A_1281, %get3A_1282] {strides = array<i32>} : memref<8x100x64xf32, #tpu.memory_space<vmem>>, vector<1x1x16xf32>,
        %get3A_1284 = vector.shape_cast %get3A_1283 : vector<1x1x16xf32> to vector<16xf32>
        %add3A_1285 = arith.addf %scan3A_1258, %get3A_1284 : vector<16xf32>
        %add3A_1286 = arith.constant 0 : i32
        %add3A_1287 = arith.addi %add3A_1286, %scan3A_1255 : i32
        %get3A_1288 = arith.constant 0 : i32
        %get3A_1289 = arith.index_cast %get3A_1288 : i32 to index
        %get3A_1290 = arith.index_cast %add3A_1287 : i32 to index
        %get3A_1291 = arith.constant 48 : index
        %get3A_1292 = tpu.vector_load %arg6[%get3A_1289, %get3A_1290, %get3A_1291] {strides = array<i32>} : memref<8x100x64xf32, #tpu.memory_space<vmem>>, vector<1x1x16xf32>,
        %get3A_1293 = vector.shape_cast %get3A_1292 : vector<1x1x16xf32> to vector<16xf32>
        %add3A_1294 = arith.addf %scan3A_1259, %get3A_1293 : vector<16xf32>
        %scan3A_1295 = arith.constant 1 : i32
        %scan3A_1296 = arith.addi %scan3A_1255, %scan3A_1295 : i32
        %add3A_1297 = arith.constant 0 : i32
        %add3A_1298 = arith.addi %add3A_1297, %scan3A_1296 : i32
        %get3A_1299 = arith.constant 0 : i32
        %get3A_1300 = arith.index_cast %get3A_1299 : i32 to index
        %get3A_1301 = arith.index_cast %add3A_1298 : i32 to index
        %get3A_1302 = arith.constant 0 : index
        %get3A_1303 = tpu.vector_load %arg6[%get3A_1300, %get3A_1301, %get3A_1302] {strides = array<i32>} : memref<8x100x64xf32, #tpu.memory_space<vmem>>, vector<1x1x16xf32>,
        %get3A_1304 = vector.shape_cast %get3A_1303 : vector<1x1x16xf32> to vector<16xf32>
        %add3A_1305 = arith.addf %add3A_1267, %get3A_1304 : vector<16xf32>
        %add3A_1306 = arith.constant 0 : i32
        %add3A_1307 = arith.addi %add3A_1306, %scan3A_1296 : i32
        %get3A_1308 = arith.constant 0 : i32
        %get3A_1309 = arith.index_cast %get3A_1308 : i32 to index
        %get3A_1310 = arith.index_cast %add3A_1307 : i32 to index
        %get3A_1311 = arith.constant 16 : index
        %get3A_1312 = tpu.vector_load %arg6[%get3A_1309, %get3A_1310, %get3A_1311] {strides = array<i32>} : memref<8x100x64xf32, #tpu.memory_space<vmem>>, vector<1x1x16xf32>,
        %get3A_1313 = vector.shape_cast %get3A_1312 : vector<1x1x16xf32> to vector<16xf32>
        %add3A_1314 = arith.addf %add3A_1276, %get3A_1313 : vector<16xf32>
        %add3A_1315 = arith.constant 0 : i32
        %add3A_1316 = arith.addi %add3A_1315, %scan3A_1296 : i32
        %get3A_1317 = arith.constant 0 : i32
        %get3A_1318 = arith.index_cast %get3A_1317 : i32 to index
        %get3A_1319 = arith.index_cast %add3A_1316 : i32 to index
        %get3A_1320 = arith.constant 32 : index
        %get3A_1321 = tpu.vector_load %arg6[%get3A_1318, %get3A_1319, %get3A_1320] {strides = array<i32>} : memref<8x100x64xf32, #tpu.memory_space<vmem>>, vector<1x1x16xf32>,
        %get3A_1322 = vector.shape_cast %get3A_1321 : vector<1x1x16xf32> to vector<16xf32>
        %add3A_1323 = arith.addf %add3A_1285, %get3A_1322 : vector<16xf32>
        %add3A_1324 = arith.constant 0 : i32
        %add3A_1325 = arith.addi %add3A_1324, %scan3A_1296 : i32
        %get3A_1326 = arith.constant 0 : i32
        %get3A_1327 = arith.index_cast %get3A_1326 : i32 to index
        %get3A_1328 = arith.index_cast %add3A_1325 : i32 to index
        %get3A_1329 = arith.constant 48 : index
        %get3A_1330 = tpu.vector_load %arg6[%get3A_1327, %get3A_1328, %get3A_1329] {strides = array<i32>} : memref<8x100x64xf32, #tpu.memory_space<vmem>>, vector<1x1x16xf32>,
        %get3A_1331 = vector.shape_cast %get3A_1330 : vector<1x1x16xf32> to vector<16xf32>
        %add3A_1332 = arith.addf %add3A_1294, %get3A_1331 : vector<16xf32>
        scf.yield %add3A_1305, %add3A_1314, %add3A_1323, %add3A_1332 : vector<16xf32>, vector<16xf32>, vector<16xf32>, vector<16xf32>
      }
      %scan3A_133 = arith.constant 50 : i32
      %mul3A_134 = arith.constant 2.000000e-02 : f32
      %mul3A_135 = vector.broadcast %mul3A_134 : f32 to vector<16xf32>
      %mul3A_136 = arith.mulf %scan3A_132#0, %mul3A_135 : vector<16xf32>
      %mul3A_137 = arith.constant 2 : i32
      %mul3A_138 = arith.muli %add3A_110, %mul3A_137 : i32
      %add3A_139 = arith.constant 0 : i32
      %add3A_140 = arith.addi %mul3A_138, %add3A_139 : i32
      %swap3A = arith.index_cast %add3A_140 : i32 to index
      %swap3A_141 = arith.constant 0 : index
      %swap3A_142 = tpu.vector_load %arg7[%swap3A, %swap3A_141] {strides = array<i32>} : memref<512x64xf32, #tpu.memory_space<vmem>>, vector<1x16xf32>,
      %swap3A_143 = vector.shape_cast %swap3A_142 : vector<1x16xf32> to vector<16xf32>
      %swap3A_144 = vector.shape_cast %mul3A_136 : vector<16xf32> to vector<1x16xf32>
      tpu.vector_store %arg7[%swap3A, %swap3A_141], %swap3A_144 {strides = array<i32>} : memref<512x64xf32, #tpu.memory_space<vmem>>, vector<1x16xf32>,
      %mul3A_145 = arith.constant 2.000000e-02 : f32
      %mul3A_146 = vector.broadcast %mul3A_145 : f32 to vector<16xf32>
      %mul3A_147 = arith.mulf %scan3A_132#1, %mul3A_146 : vector<16xf32>
      %mul3A_148 = arith.constant 2 : i32
      %mul3A_149 = arith.muli %add3A_110, %mul3A_148 : i32
      %add3A_150 = arith.constant 0 : i32
      %add3A_151 = arith.addi %mul3A_149, %add3A_150 : i32
      %swap3A_152 = arith.index_cast %add3A_151 : i32 to index
      %swap3A_153 = arith.constant 16 : index
      %swap3A_154 = tpu.vector_load %arg7[%swap3A_152, %swap3A_153] {strides = array<i32>} : memref<512x64xf32, #tpu.memory_space<vmem>>, vector<1x16xf32>,
      %swap3A_155 = vector.shape_cast %swap3A_154 : vector<1x16xf32> to vector<16xf32>
      %swap3A_156 = vector.shape_cast %mul3A_147 : vector<16xf32> to vector<1x16xf32>
      tpu.vector_store %arg7[%swap3A_152, %swap3A_153], %swap3A_156 {strides = array<i32>} : memref<512x64xf32, #tpu.memory_space<vmem>>, vector<1x16xf32>,
      %mul3A_157 = arith.constant 2.000000e-02 : f32
      %mul3A_158 = vector.broadcast %mul3A_157 : f32 to vector<16xf32>
      %mul3A_159 = arith.mulf %scan3A_132#2, %mul3A_158 : vector<16xf32>
      %mul3A_160 = arith.constant 2 : i32
      %mul3A_161 = arith.muli %add3A_110, %mul3A_160 : i32
      %add3A_162 = arith.constant 0 : i32
      %add3A_163 = arith.addi %mul3A_161, %add3A_162 : i32
      %swap3A_164 = arith.index_cast %add3A_163 : i32 to index
      %swap3A_165 = arith.constant 32 : index
      %swap3A_166 = tpu.vector_load %arg7[%swap3A_164, %swap3A_165] {strides = array<i32>} : memref<512x64xf32, #tpu.memory_space<vmem>>, vector<1x16xf32>,
      %swap3A_167 = vector.shape_cast %swap3A_166 : vector<1x16xf32> to vector<16xf32>
      %swap3A_168 = vector.shape_cast %mul3A_159 : vector<16xf32> to vector<1x16xf32>
      tpu.vector_store %arg7[%swap3A_164, %swap3A_165], %swap3A_168 {strides = array<i32>} : memref<512x64xf32, #tpu.memory_space<vmem>>, vector<1x16xf32>,
      %mul3A_169 = arith.constant 2.000000e-02 : f32
      %mul3A_170 = vector.broadcast %mul3A_169 : f32 to vector<16xf32>
      %mul3A_171 = arith.mulf %scan3A_132#3, %mul3A_170 : vector<16xf32>
      %mul3A_172 = arith.constant 2 : i32
      %mul3A_173 = arith.muli %add3A_110, %mul3A_172 : i32
      %add3A_174 = arith.constant 0 : i32
      %add3A_175 = arith.addi %mul3A_173, %add3A_174 : i32
      %swap3A_176 = arith.index_cast %add3A_175 : i32 to index
      %swap3A_177 = arith.constant 48 : index
      %swap3A_178 = tpu.vector_load %arg7[%swap3A_176, %swap3A_177] {strides = array<i32>} : memref<512x64xf32, #tpu.memory_space<vmem>>, vector<1x16xf32>,
      %swap3A_179 = vector.shape_cast %swap3A_178 : vector<1x16xf32> to vector<16xf32>
      %swap3A_180 = vector.shape_cast %mul3A_171 : vector<16xf32> to vector<1x16xf32>
      tpu.vector_store %arg7[%swap3A_176, %swap3A_177], %swap3A_180 {strides = array<i32>} : memref<512x64xf32, #tpu.memory_space<vmem>>, vector<1x16xf32>,
      %broadcast_in_dim3A_181 = arith.constant 0.000000e+00 : f32
      %broadcast_in_dim3A_182 = vector.broadcast %broadcast_in_dim3A_181 : f32 to vector<16xf32>
      %broadcast_in_dim3A_183 = arith.constant 0.000000e+00 : f32
      %broadcast_in_dim3A_184 = vector.broadcast %broadcast_in_dim3A_183 : f32 to vector<16xf32>
      %broadcast_in_dim3A_185 = arith.constant 0.000000e+00 : f32
      %broadcast_in_dim3A_186 = vector.broadcast %broadcast_in_dim3A_185 : f32 to vector<16xf32>
      %broadcast_in_dim3A_187 = arith.constant 0.000000e+00 : f32
      %broadcast_in_dim3A_188 = vector.broadcast %broadcast_in_dim3A_187 : f32 to vector<16xf32>
      %scan3A_189 = arith.constant 0 : i32
      %scan3A_190 = arith.constant 50 : i32
      %scan3A_191 = arith.addi %scan3A_189, %scan3A_190 : i32
      %scan3A_192 = arith.constant 2 : i32
      %scan3A_193:4 = scf.for %scan3A_1255 = %scan3A_189 to %scan3A_191 step %scan3A_192 iter_args(%scan3A_1256 = %broadcast_in_dim3A_182, %scan3A_1257 = %broadcast_in_dim3A_184, %scan3A_1258 = %broadcast_in_dim3A_186, %scan3A_1259 = %broadcast_in_dim3A_188) -> (vector<16xf32>, vector<16xf32>, vector<16xf32>, vector<16xf32>)  : i32 {
        %add3A_1260 = arith.constant 50 : i32
        %add3A_1261 = arith.addi %add3A_1260, %scan3A_1255 : i32
        %get3A = arith.constant 0 : i32
        %get3A_1262 = arith.index_cast %get3A : i32 to index
        %get3A_1263 = arith.index_cast %add3A_1261 : i32 to index
        %get3A_1264 = arith.constant 0 : index
        %get3A_1265 = tpu.vector_load %arg6[%get3A_1262, %get3A_1263, %get3A_1264] {strides = array<i32>} : memref<8x100x64xf32, #tpu.memory_space<vmem>>, vector<1x1x16xf32>,
        %get3A_1266 = vector.shape_cast %get3A_1265 : vector<1x1x16xf32> to vector<16xf32>
        %add3A_1267 = arith.addf %scan3A_1256, %get3A_1266 : vector<16xf32>
        %add3A_1268 = arith.constant 50 : i32
        %add3A_1269 = arith.addi %add3A_1268, %scan3A_1255 : i32
        %get3A_1270 = arith.constant 0 : i32
        %get3A_1271 = arith.index_cast %get3A_1270 : i32 to index
        %get3A_1272 = arith.index_cast %add3A_1269 : i32 to index
        %get3A_1273 = arith.constant 16 : index
        %get3A_1274 = tpu.vector_load %arg6[%get3A_1271, %get3A_1272, %get3A_1273] {strides = array<i32>} : memref<8x100x64xf32, #tpu.memory_space<vmem>>, vector<1x1x16xf32>,
        %get3A_1275 = vector.shape_cast %get3A_1274 : vector<1x1x16xf32> to vector<16xf32>
        %add3A_1276 = arith.addf %scan3A_1257, %get3A_1275 : vector<16xf32>
        %add3A_1277 = arith.constant 50 : i32
        %add3A_1278 = arith.addi %add3A_1277, %scan3A_1255 : i32
        %get3A_1279 = arith.constant 0 : i32
        %get3A_1280 = arith.index_cast %get3A_1279 : i32 to index
        %get3A_1281 = arith.index_cast %add3A_1278 : i32 to index
        %get3A_1282 = arith.constant 32 : index
        %get3A_1283 = tpu.vector_load %arg6[%get3A_1280, %get3A_1281, %get3A_1282] {strides = array<i32>} : memref<8x100x64xf32, #tpu.memory_space<vmem>>, vector<1x1x16xf32>,
        %get3A_1284 = vector.shape_cast %get3A_1283 : vector<1x1x16xf32> to vector<16xf32>
        %add3A_1285 = arith.addf %scan3A_1258, %get3A_1284 : vector<16xf32>
        %add3A_1286 = arith.constant 50 : i32
        %add3A_1287 = arith.addi %add3A_1286, %scan3A_1255 : i32
        %get3A_1288 = arith.constant 0 : i32
        %get3A_1289 = arith.index_cast %get3A_1288 : i32 to index
        %get3A_1290 = arith.index_cast %add3A_1287 : i32 to index
        %get3A_1291 = arith.constant 48 : index
        %get3A_1292 = tpu.vector_load %arg6[%get3A_1289, %get3A_1290, %get3A_1291] {strides = array<i32>} : memref<8x100x64xf32, #tpu.memory_space<vmem>>, vector<1x1x16xf32>,
        %get3A_1293 = vector.shape_cast %get3A_1292 : vector<1x1x16xf32> to vector<16xf32>
        %add3A_1294 = arith.addf %scan3A_1259, %get3A_1293 : vector<16xf32>
        %scan3A_1295 = arith.constant 1 : i32
        %scan3A_1296 = arith.addi %scan3A_1255, %scan3A_1295 : i32
        %add3A_1297 = arith.constant 50 : i32
        %add3A_1298 = arith.addi %add3A_1297, %scan3A_1296 : i32
        %get3A_1299 = arith.constant 0 : i32
        %get3A_1300 = arith.index_cast %get3A_1299 : i32 to index
        %get3A_1301 = arith.index_cast %add3A_1298 : i32 to index
        %get3A_1302 = arith.constant 0 : index
        %get3A_1303 = tpu.vector_load %arg6[%get3A_1300, %get3A_1301, %get3A_1302] {strides = array<i32>} : memref<8x100x64xf32, #tpu.memory_space<vmem>>, vector<1x1x16xf32>,
        %get3A_1304 = vector.shape_cast %get3A_1303 : vector<1x1x16xf32> to vector<16xf32>
        %add3A_1305 = arith.addf %add3A_1267, %get3A_1304 : vector<16xf32>
        %add3A_1306 = arith.constant 50 : i32
        %add3A_1307 = arith.addi %add3A_1306, %scan3A_1296 : i32
        %get3A_1308 = arith.constant 0 : i32
        %get3A_1309 = arith.index_cast %get3A_1308 : i32 to index
        %get3A_1310 = arith.index_cast %add3A_1307 : i32 to index
        %get3A_1311 = arith.constant 16 : index
        %get3A_1312 = tpu.vector_load %arg6[%get3A_1309, %get3A_1310, %get3A_1311] {strides = array<i32>} : memref<8x100x64xf32, #tpu.memory_space<vmem>>, vector<1x1x16xf32>,
        %get3A_1313 = vector.shape_cast %get3A_1312 : vector<1x1x16xf32> to vector<16xf32>
        %add3A_1314 = arith.addf %add3A_1276, %get3A_1313 : vector<16xf32>
        %add3A_1315 = arith.constant 50 : i32
        %add3A_1316 = arith.addi %add3A_1315, %scan3A_1296 : i32
        %get3A_1317 = arith.constant 0 : i32
        %get3A_1318 = arith.index_cast %get3A_1317 : i32 to index
        %get3A_1319 = arith.index_cast %add3A_1316 : i32 to index
        %get3A_1320 = arith.constant 32 : index
        %get3A_1321 = tpu.vector_load %arg6[%get3A_1318, %get3A_1319, %get3A_1320] {strides = array<i32>} : memref<8x100x64xf32, #tpu.memory_space<vmem>>, vector<1x1x16xf32>,
        %get3A_1322 = vector.shape_cast %get3A_1321 : vector<1x1x16xf32> to vector<16xf32>
        %add3A_1323 = arith.addf %add3A_1285, %get3A_1322 : vector<16xf32>
        %add3A_1324 = arith.constant 50 : i32
        %add3A_1325 = arith.addi %add3A_1324, %scan3A_1296 : i32
        %get3A_1326 = arith.constant 0 : i32
        %get3A_1327 = arith.index_cast %get3A_1326 : i32 to index
        %get3A_1328 = arith.index_cast %add3A_1325 : i32 to index
        %get3A_1329 = arith.constant 48 : index
        %get3A_1330 = tpu.vector_load %arg6[%get3A_1327, %get3A_1328, %get3A_1329] {strides = array<i32>} : memref<8x100x64xf32, #tpu.memory_space<vmem>>, vector<1x1x16xf32>,
        %get3A_1331 = vector.shape_cast %get3A_1330 : vector<1x1x16xf32> to vector<16xf32>
        %add3A_1332 = arith.addf %add3A_1294, %get3A_1331 : vector<16xf32>
        scf.yield %add3A_1305, %add3A_1314, %add3A_1323, %add3A_1332 : vector<16xf32>, vector<16xf32>, vector<16xf32>, vector<16xf32>
      }
      %scan3A_194 = arith.constant 50 : i32
      %mul3A_195 = arith.constant 2.000000e-02 : f32
      %mul3A_196 = vector.broadcast %mul3A_195 : f32 to vector<16xf32>
      %mul3A_197 = arith.mulf %scan3A_193#0, %mul3A_196 : vector<16xf32>
      %mul3A_198 = arith.constant 2 : i32
      %mul3A_199 = arith.muli %add3A_110, %mul3A_198 : i32
      %add3A_200 = arith.constant 1 : i32
      %add3A_201 = arith.addi %mul3A_199, %add3A_200 : i32
      %swap3A_202 = arith.index_cast %add3A_201 : i32 to index
      %swap3A_203 = arith.constant 0 : index
      %swap3A_204 = tpu.vector_load %arg7[%swap3A_202, %swap3A_203] {strides = array<i32>} : memref<512x64xf32, #tpu.memory_space<vmem>>, vector<1x16xf32>,
      %swap3A_205 = vector.shape_cast %swap3A_204 : vector<1x16xf32> to vector<16xf32>
      %swap3A_206 = vector.shape_cast %mul3A_197 : vector<16xf32> to vector<1x16xf32>
      tpu.vector_store %arg7[%swap3A_202, %swap3A_203], %swap3A_206 {strides = array<i32>} : memref<512x64xf32, #tpu.memory_space<vmem>>, vector<1x16xf32>,
      %mul3A_207 = arith.constant 2.000000e-02 : f32
      %mul3A_208 = vector.broadcast %mul3A_207 : f32 to vector<16xf32>
      %mul3A_209 = arith.mulf %scan3A_193#1, %mul3A_208 : vector<16xf32>
      %mul3A_210 = arith.constant 2 : i32
      %mul3A_211 = arith.muli %add3A_110, %mul3A_210 : i32
      %add3A_212 = arith.constant 1 : i32
      %add3A_213 = arith.addi %mul3A_211, %add3A_212 : i32
      %swap3A_214 = arith.index_cast %add3A_213 : i32 to index
      %swap3A_215 = arith.constant 16 : index
      %swap3A_216 = tpu.vector_load %arg7[%swap3A_214, %swap3A_215] {strides = array<i32>} : memref<512x64xf32, #tpu.memory_space<vmem>>, vector<1x16xf32>,
      %swap3A_217 = vector.shape_cast %swap3A_216 : vector<1x16xf32> to vector<16xf32>
      %swap3A_218 = vector.shape_cast %mul3A_209 : vector<16xf32> to vector<1x16xf32>
      tpu.vector_store %arg7[%swap3A_214, %swap3A_215], %swap3A_218 {strides = array<i32>} : memref<512x64xf32, #tpu.memory_space<vmem>>, vector<1x16xf32>,
      %mul3A_219 = arith.constant 2.000000e-02 : f32
      %mul3A_220 = vector.broadcast %mul3A_219 : f32 to vector<16xf32>
      %mul3A_221 = arith.mulf %scan3A_193#2, %mul3A_220 : vector<16xf32>
      %mul3A_222 = arith.constant 2 : i32
      %mul3A_223 = arith.muli %add3A_110, %mul3A_222 : i32
      %add3A_224 = arith.constant 1 : i32
      %add3A_225 = arith.addi %mul3A_223, %add3A_224 : i32
      %swap3A_226 = arith.index_cast %add3A_225 : i32 to index
      %swap3A_227 = arith.constant 32 : index
      %swap3A_228 = tpu.vector_load %arg7[%swap3A_226, %swap3A_227] {strides = array<i32>} : memref<512x64xf32, #tpu.memory_space<vmem>>, vector<1x16xf32>,
      %swap3A_229 = vector.shape_cast %swap3A_228 : vector<1x16xf32> to vector<16xf32>
      %swap3A_230 = vector.shape_cast %mul3A_221 : vector<16xf32> to vector<1x16xf32>
      tpu.vector_store %arg7[%swap3A_226, %swap3A_227], %swap3A_230 {strides = array<i32>} : memref<512x64xf32, #tpu.memory_space<vmem>>, vector<1x16xf32>,
      %mul3A_231 = arith.constant 2.000000e-02 : f32
      %mul3A_232 = vector.broadcast %mul3A_231 : f32 to vector<16xf32>
      %mul3A_233 = arith.mulf %scan3A_193#3, %mul3A_232 : vector<16xf32>
      %mul3A_234 = arith.constant 2 : i32
      %mul3A_235 = arith.muli %add3A_110, %mul3A_234 : i32
      %add3A_236 = arith.constant 1 : i32
      %add3A_237 = arith.addi %mul3A_235, %add3A_236 : i32
      %swap3A_238 = arith.index_cast %add3A_237 : i32 to index
      %swap3A_239 = arith.constant 48 : index
      %swap3A_240 = tpu.vector_load %arg7[%swap3A_238, %swap3A_239] {strides = array<i32>} : memref<512x64xf32, #tpu.memory_space<vmem>>, vector<1x16xf32>,
      %swap3A_241 = vector.shape_cast %swap3A_240 : vector<1x16xf32> to vector<16xf32>
      %swap3A_242 = vector.shape_cast %mul3A_233 : vector<16xf32> to vector<1x16xf32>
      tpu.vector_store %arg7[%swap3A_238, %swap3A_239], %swap3A_242 {strides = array<i32>} : memref<512x64xf32, #tpu.memory_space<vmem>>, vector<1x16xf32>,
      %add3A_243 = arith.constant 8 : i32
      %add3A_244 = arith.addi %add3A_110, %add3A_243 : i32
      %lt3A = arith.constant 256 : i32
      %lt3A_245 = arith.cmpi slt, %add3A_244, %lt3A : i32
      %convert_element_type3A = arith.extui %lt3A_245 : i1 to i32
      %cond3A = arith.constant 0 : i32
      %cond3A_246 = arith.cmpi ne, %convert_element_type3A, %cond3A : i32
      scf.if %cond3A_246 {
        %dma_start3A_1255 = arith.constant 0 : i32
        %dma_start3A_1256 = arith.constant 0 : i32
        %dma_start3A_1257 = arith.constant 0 : i32
        %dma_start3A_1258 = tpu.memref_slice %arg6[%dma_start3A_1255, %dma_start3A_1256, %dma_start3A_1257] : memref<8x100x64xf32, #tpu.memory_space<vmem>> -> memref<1x100x64xf32, #tpu.memory_space<vmem>>
        %dma_start3A_1259 = tpu.memref_squeeze %dma_start3A_1258 : memref<1x100x64xf32, #tpu.memory_space<vmem>> -> memref<100x64xf32, #tpu.memory_space<vmem>>
        %dma_start3A_1260 = arith.constant 0 : i32
        %dma_start3A_1261 = tpu.memref_slice %arg5[%add3A_244, %dma_start3A_1260] : memref<256x100xi32, #tpu.memory_space<vmem>> -> memref<1x100xi32, #tpu.memory_space<vmem>>
        %dma_start3A_1262 = tpu.memref_squeeze %dma_start3A_1261 : memref<1x100xi32, #tpu.memory_space<vmem>> -> memref<100xi32, #tpu.memory_space<vmem>>
        %dma_start3A_1263 = arith.constant 0 : i32
        %dma_start3A_1264 = arith.constant 0 : i32
        %dma_start3A_1265 = tpu.memref_slice %arg3[%dma_start3A_1263, %dma_start3A_1264] : memref<1015808x64xf32, #tpu.memory_space<hbm>> -> memref<1015808x64xf32, #tpu.memory_space<hbm>>
        tpu.enqueue_indirect_dma source(%dma_start3A_1265 : memref<1015808x64xf32, #tpu.memory_space<hbm>>) target(%dma_start3A_1259 : memref<100x64xf32, #tpu.memory_space<vmem>>) offsets(%dma_start3A_1262 : memref<100xi32, #tpu.memory_space<vmem>>) semaphore(%arg8 : memref<!tpu.dma_semaphore, #tpu.memory_space<semaphore_mem>>)
      } else {
      }
      %add3A_247 = arith.constant 1 : i32
      %add3A_248 = arith.addi %add3A_108, %add3A_247 : i32
      %dma_wait3A_249 = arith.constant 1 : i32
      %dma_wait3A_250 = arith.constant 0 : i32
      %dma_wait3A_251 = arith.constant 0 : i32
      %dma_wait3A_252 = tpu.memref_slice %arg6[%dma_wait3A_249, %dma_wait3A_250, %dma_wait3A_251] : memref<8x100x64xf32, #tpu.memory_space<vmem>> -> memref<1x100x64xf32, #tpu.memory_space<vmem>>
      %dma_wait3A_253 = tpu.memref_squeeze %dma_wait3A_252 : memref<1x100x64xf32, #tpu.memory_space<vmem>> -> memref<100x64xf32, #tpu.memory_space<vmem>>
      %dma_wait3A_254 = arith.constant 0 : i32
      %dma_wait3A_255 = tpu.memref_slice %arg5[%add3A_248, %dma_wait3A_254] : memref<256x100xi32, #tpu.memory_space<vmem>> -> memref<1x100xi32, #tpu.memory_space<vmem>>
      %dma_wait3A_256 = tpu.memref_squeeze %dma_wait3A_255 : memref<1x100xi32, #tpu.memory_space<vmem>> -> memref<100xi32, #tpu.memory_space<vmem>>
      %dma_wait3A_257 = arith.constant 0 : i32
      %dma_wait3A_258 = arith.constant 0 : i32
      %dma_wait3A_259 = tpu.memref_slice %arg3[%dma_wait3A_257, %dma_wait3A_258] : memref<1015808x64xf32, #tpu.memory_space<hbm>> -> memref<1015808x64xf32, #tpu.memory_space<hbm>>
      tpu.wait_indirect_dma semaphore(%arg9 : memref<!tpu.dma_semaphore, #tpu.memory_space<semaphore_mem>>) src(%dma_wait3A_259 : memref<1015808x64xf32, #tpu.memory_space<hbm>>) dst(%dma_wait3A_253 : memref<100x64xf32, #tpu.memory_space<vmem>>)
      %broadcast_in_dim3A_260 = arith.constant 0.000000e+00 : f32
      %broadcast_in_dim3A_261 = vector.broadcast %broadcast_in_dim3A_260 : f32 to vector<16xf32>
      %broadcast_in_dim3A_262 = arith.constant 0.000000e+00 : f32
      %broadcast_in_dim3A_263 = vector.broadcast %broadcast_in_dim3A_262 : f32 to vector<16xf32>
      %broadcast_in_dim3A_264 = arith.constant 0.000000e+00 : f32
      %broadcast_in_dim3A_265 = vector.broadcast %broadcast_in_dim3A_264 : f32 to vector<16xf32>
      %broadcast_in_dim3A_266 = arith.constant 0.000000e+00 : f32
      %broadcast_in_dim3A_267 = vector.broadcast %broadcast_in_dim3A_266 : f32 to vector<16xf32>
      %scan3A_268 = arith.constant 0 : i32
      %scan3A_269 = arith.constant 50 : i32
      %scan3A_270 = arith.addi %scan3A_268, %scan3A_269 : i32
      %scan3A_271 = arith.constant 2 : i32
      %scan3A_272:4 = scf.for %scan3A_1255 = %scan3A_268 to %scan3A_270 step %scan3A_271 iter_args(%scan3A_1256 = %broadcast_in_dim3A_261, %scan3A_1257 = %broadcast_in_dim3A_263, %scan3A_1258 = %broadcast_in_dim3A_265, %scan3A_1259 = %broadcast_in_dim3A_267) -> (vector<16xf32>, vector<16xf32>, vector<16xf32>, vector<16xf32>)  : i32 {
        %add3A_1260 = arith.constant 0 : i32
        %add3A_1261 = arith.addi %add3A_1260, %scan3A_1255 : i32
        %get3A = arith.constant 1 : i32
        %get3A_1262 = arith.index_cast %get3A : i32 to index
        %get3A_1263 = arith.index_cast %add3A_1261 : i32 to index
        %get3A_1264 = arith.constant 0 : index
        %get3A_1265 = tpu.vector_load %arg6[%get3A_1262, %get3A_1263, %get3A_1264] {strides = array<i32>} : memref<8x100x64xf32, #tpu.memory_space<vmem>>, vector<1x1x16xf32>,
        %get3A_1266 = vector.shape_cast %get3A_1265 : vector<1x1x16xf32> to vector<16xf32>
        %add3A_1267 = arith.addf %scan3A_1256, %get3A_1266 : vector<16xf32>
        %add3A_1268 = arith.constant 0 : i32
        %add3A_1269 = arith.addi %add3A_1268, %scan3A_1255 : i32
        %get3A_1270 = arith.constant 1 : i32
        %get3A_1271 = arith.index_cast %get3A_1270 : i32 to index
        %get3A_1272 = arith.index_cast %add3A_1269 : i32 to index
        %get3A_1273 = arith.constant 16 : index
        %get3A_1274 = tpu.vector_load %arg6[%get3A_1271, %get3A_1272, %get3A_1273] {strides = array<i32>} : memref<8x100x64xf32, #tpu.memory_space<vmem>>, vector<1x1x16xf32>,
        %get3A_1275 = vector.shape_cast %get3A_1274 : vector<1x1x16xf32> to vector<16xf32>
        %add3A_1276 = arith.addf %scan3A_1257, %get3A_1275 : vector<16xf32>
        %add3A_1277 = arith.constant 0 : i32
        %add3A_1278 = arith.addi %add3A_1277, %scan3A_1255 : i32
        %get3A_1279 = arith.constant 1 : i32
        %get3A_1280 = arith.index_cast %get3A_1279 : i32 to index
        %get3A_1281 = arith.index_cast %add3A_1278 : i32 to index
        %get3A_1282 = arith.constant 32 : index
        %get3A_1283 = tpu.vector_load %arg6[%get3A_1280, %get3A_1281, %get3A_1282] {strides = array<i32>} : memref<8x100x64xf32, #tpu.memory_space<vmem>>, vector<1x1x16xf32>,
        %get3A_1284 = vector.shape_cast %get3A_1283 : vector<1x1x16xf32> to vector<16xf32>
        %add3A_1285 = arith.addf %scan3A_1258, %get3A_1284 : vector<16xf32>
        %add3A_1286 = arith.constant 0 : i32
        %add3A_1287 = arith.addi %add3A_1286, %scan3A_1255 : i32
        %get3A_1288 = arith.constant 1 : i32
        %get3A_1289 = arith.index_cast %get3A_1288 : i32 to index
        %get3A_1290 = arith.index_cast %add3A_1287 : i32 to index
        %get3A_1291 = arith.constant 48 : index
        %get3A_1292 = tpu.vector_load %arg6[%get3A_1289, %get3A_1290, %get3A_1291] {strides = array<i32>} : memref<8x100x64xf32, #tpu.memory_space<vmem>>, vector<1x1x16xf32>,
        %get3A_1293 = vector.shape_cast %get3A_1292 : vector<1x1x16xf32> to vector<16xf32>
        %add3A_1294 = arith.addf %scan3A_1259, %get3A_1293 : vector<16xf32>
        %scan3A_1295 = arith.constant 1 : i32
        %scan3A_1296 = arith.addi %scan3A_1255, %scan3A_1295 : i32
        %add3A_1297 = arith.constant 0 : i32
        %add3A_1298 = arith.addi %add3A_1297, %scan3A_1296 : i32
        %get3A_1299 = arith.constant 1 : i32
        %get3A_1300 = arith.index_cast %get3A_1299 : i32 to index
        %get3A_1301 = arith.index_cast %add3A_1298 : i32 to index
        %get3A_1302 = arith.constant 0 : index
        %get3A_1303 = tpu.vector_load %arg6[%get3A_1300, %get3A_1301, %get3A_1302] {strides = array<i32>} : memref<8x100x64xf32, #tpu.memory_space<vmem>>, vector<1x1x16xf32>,
        %get3A_1304 = vector.shape_cast %get3A_1303 : vector<1x1x16xf32> to vector<16xf32>
        %add3A_1305 = arith.addf %add3A_1267, %get3A_1304 : vector<16xf32>
        %add3A_1306 = arith.constant 0 : i32
        %add3A_1307 = arith.addi %add3A_1306, %scan3A_1296 : i32
        %get3A_1308 = arith.constant 1 : i32
        %get3A_1309 = arith.index_cast %get3A_1308 : i32 to index
        %get3A_1310 = arith.index_cast %add3A_1307 : i32 to index
        %get3A_1311 = arith.constant 16 : index
        %get3A_1312 = tpu.vector_load %arg6[%get3A_1309, %get3A_1310, %get3A_1311] {strides = array<i32>} : memref<8x100x64xf32, #tpu.memory_space<vmem>>, vector<1x1x16xf32>,
        %get3A_1313 = vector.shape_cast %get3A_1312 : vector<1x1x16xf32> to vector<16xf32>
        %add3A_1314 = arith.addf %add3A_1276, %get3A_1313 : vector<16xf32>
        %add3A_1315 = arith.constant 0 : i32
        %add3A_1316 = arith.addi %add3A_1315, %scan3A_1296 : i32
        %get3A_1317 = arith.constant 1 : i32
        %get3A_1318 = arith.index_cast %get3A_1317 : i32 to index
        %get3A_1319 = arith.index_cast %add3A_1316 : i32 to index
        %get3A_1320 = arith.constant 32 : index
        %get3A_1321 = tpu.vector_load %arg6[%get3A_1318, %get3A_1319, %get3A_1320] {strides = array<i32>} : memref<8x100x64xf32, #tpu.memory_space<vmem>>, vector<1x1x16xf32>,
        %get3A_1322 = vector.shape_cast %get3A_1321 : vector<1x1x16xf32> to vector<16xf32>
        %add3A_1323 = arith.addf %add3A_1285, %get3A_1322 : vector<16xf32>
        %add3A_1324 = arith.constant 0 : i32
        %add3A_1325 = arith.addi %add3A_1324, %scan3A_1296 : i32
        %get3A_1326 = arith.constant 1 : i32
        %get3A_1327 = arith.index_cast %get3A_1326 : i32 to index
        %get3A_1328 = arith.index_cast %add3A_1325 : i32 to index
        %get3A_1329 = arith.constant 48 : index
        %get3A_1330 = tpu.vector_load %arg6[%get3A_1327, %get3A_1328, %get3A_1329] {strides = array<i32>} : memref<8x100x64xf32, #tpu.memory_space<vmem>>, vector<1x1x16xf32>,
        %get3A_1331 = vector.shape_cast %get3A_1330 : vector<1x1x16xf32> to vector<16xf32>
        %add3A_1332 = arith.addf %add3A_1294, %get3A_1331 : vector<16xf32>
        scf.yield %add3A_1305, %add3A_1314, %add3A_1323, %add3A_1332 : vector<16xf32>, vector<16xf32>, vector<16xf32>, vector<16xf32>
      }
      %scan3A_273 = arith.constant 50 : i32
      %mul3A_274 = arith.constant 2.000000e-02 : f32
      %mul3A_275 = vector.broadcast %mul3A_274 : f32 to vector<16xf32>
      %mul3A_276 = arith.mulf %scan3A_272#0, %mul3A_275 : vector<16xf32>
      %mul3A_277 = arith.constant 2 : i32
      %mul3A_278 = arith.muli %add3A_248, %mul3A_277 : i32
      %add3A_279 = arith.constant 0 : i32
      %add3A_280 = arith.addi %mul3A_278, %add3A_279 : i32
      %swap3A_281 = arith.index_cast %add3A_280 : i32 to index
      %swap3A_282 = arith.constant 0 : index
      %swap3A_283 = tpu.vector_load %arg7[%swap3A_281, %swap3A_282] {strides = array<i32>} : memref<512x64xf32, #tpu.memory_space<vmem>>, vector<1x16xf32>,
      %swap3A_284 = vector.shape_cast %swap3A_283 : vector<1x16xf32> to vector<16xf32>
      %swap3A_285 = vector.shape_cast %mul3A_276 : vector<16xf32> to vector<1x16xf32>
      tpu.vector_store %arg7[%swap3A_281, %swap3A_282], %swap3A_285 {strides = array<i32>} : memref<512x64xf32, #tpu.memory_space<vmem>>, vector<1x16xf32>,
      %mul3A_286 = arith.constant 2.000000e-02 : f32
      %mul3A_287 = vector.broadcast %mul3A_286 : f32 to vector<16xf32>
      %mul3A_288 = arith.mulf %scan3A_272#1, %mul3A_287 : vector<16xf32>
      %mul3A_289 = arith.constant 2 : i32
      %mul3A_290 = arith.muli %add3A_248, %mul3A_289 : i32
      %add3A_291 = arith.constant 0 : i32
      %add3A_292 = arith.addi %mul3A_290, %add3A_291 : i32
      %swap3A_293 = arith.index_cast %add3A_292 : i32 to index
      %swap3A_294 = arith.constant 16 : index
      %swap3A_295 = tpu.vector_load %arg7[%swap3A_293, %swap3A_294] {strides = array<i32>} : memref<512x64xf32, #tpu.memory_space<vmem>>, vector<1x16xf32>,
      %swap3A_296 = vector.shape_cast %swap3A_295 : vector<1x16xf32> to vector<16xf32>
      %swap3A_297 = vector.shape_cast %mul3A_288 : vector<16xf32> to vector<1x16xf32>
      tpu.vector_store %arg7[%swap3A_293, %swap3A_294], %swap3A_297 {strides = array<i32>} : memref<512x64xf32, #tpu.memory_space<vmem>>, vector<1x16xf32>,
      %mul3A_298 = arith.constant 2.000000e-02 : f32
      %mul3A_299 = vector.broadcast %mul3A_298 : f32 to vector<16xf32>
      %mul3A_300 = arith.mulf %scan3A_272#2, %mul3A_299 : vector<16xf32>
      %mul3A_301 = arith.constant 2 : i32
      %mul3A_302 = arith.muli %add3A_248, %mul3A_301 : i32
      %add3A_303 = arith.constant 0 : i32
      %add3A_304 = arith.addi %mul3A_302, %add3A_303 : i32
      %swap3A_305 = arith.index_cast %add3A_304 : i32 to index
      %swap3A_306 = arith.constant 32 : index
      %swap3A_307 = tpu.vector_load %arg7[%swap3A_305, %swap3A_306] {strides = array<i32>} : memref<512x64xf32, #tpu.memory_space<vmem>>, vector<1x16xf32>,
      %swap3A_308 = vector.shape_cast %swap3A_307 : vector<1x16xf32> to vector<16xf32>
      %swap3A_309 = vector.shape_cast %mul3A_300 : vector<16xf32> to vector<1x16xf32>
      tpu.vector_store %arg7[%swap3A_305, %swap3A_306], %swap3A_309 {strides = array<i32>} : memref<512x64xf32, #tpu.memory_space<vmem>>, vector<1x16xf32>,
      %mul3A_310 = arith.constant 2.000000e-02 : f32
      %mul3A_311 = vector.broadcast %mul3A_310 : f32 to vector<16xf32>
      %mul3A_312 = arith.mulf %scan3A_272#3, %mul3A_311 : vector<16xf32>
      %mul3A_313 = arith.constant 2 : i32
      %mul3A_314 = arith.muli %add3A_248, %mul3A_313 : i32
      %add3A_315 = arith.constant 0 : i32
      %add3A_316 = arith.addi %mul3A_314, %add3A_315 : i32
      %swap3A_317 = arith.index_cast %add3A_316 : i32 to index
      %swap3A_318 = arith.constant 48 : index
      %swap3A_319 = tpu.vector_load %arg7[%swap3A_317, %swap3A_318] {strides = array<i32>} : memref<512x64xf32, #tpu.memory_space<vmem>>, vector<1x16xf32>,
      %swap3A_320 = vector.shape_cast %swap3A_319 : vector<1x16xf32> to vector<16xf32>
      %swap3A_321 = vector.shape_cast %mul3A_312 : vector<16xf32> to vector<1x16xf32>
      tpu.vector_store %arg7[%swap3A_317, %swap3A_318], %swap3A_321 {strides = array<i32>} : memref<512x64xf32, #tpu.memory_space<vmem>>, vector<1x16xf32>,
      %broadcast_in_dim3A_322 = arith.constant 0.000000e+00 : f32
      %broadcast_in_dim3A_323 = vector.broadcast %broadcast_in_dim3A_322 : f32 to vector<16xf32>
      %broadcast_in_dim3A_324 = arith.constant 0.000000e+00 : f32
      %broadcast_in_dim3A_325 = vector.broadcast %broadcast_in_dim3A_324 : f32 to vector<16xf32>
      %broadcast_in_dim3A_326 = arith.constant 0.000000e+00 : f32
      %broadcast_in_dim3A_327 = vector.broadcast %broadcast_in_dim3A_326 : f32 to vector<16xf32>
      %broadcast_in_dim3A_328 = arith.constant 0.000000e+00 : f32
      %broadcast_in_dim3A_329 = vector.broadcast %broadcast_in_dim3A_328 : f32 to vector<16xf32>
      %scan3A_330 = arith.constant 0 : i32
      %scan3A_331 = arith.constant 50 : i32
      %scan3A_332 = arith.addi %scan3A_330, %scan3A_331 : i32
      %scan3A_333 = arith.constant 2 : i32
      %scan3A_334:4 = scf.for %scan3A_1255 = %scan3A_330 to %scan3A_332 step %scan3A_333 iter_args(%scan3A_1256 = %broadcast_in_dim3A_323, %scan3A_1257 = %broadcast_in_dim3A_325, %scan3A_1258 = %broadcast_in_dim3A_327, %scan3A_1259 = %broadcast_in_dim3A_329) -> (vector<16xf32>, vector<16xf32>, vector<16xf32>, vector<16xf32>)  : i32 {
        %add3A_1260 = arith.constant 50 : i32
        %add3A_1261 = arith.addi %add3A_1260, %scan3A_1255 : i32
        %get3A = arith.constant 1 : i32
        %get3A_1262 = arith.index_cast %get3A : i32 to index
        %get3A_1263 = arith.index_cast %add3A_1261 : i32 to index
        %get3A_1264 = arith.constant 0 : index
        %get3A_1265 = tpu.vector_load %arg6[%get3A_1262, %get3A_1263, %get3A_1264] {strides = array<i32>} : memref<8x100x64xf32, #tpu.memory_space<vmem>>, vector<1x1x16xf32>,
        %get3A_1266 = vector.shape_cast %get3A_1265 : vector<1x1x16xf32> to vector<16xf32>
        %add3A_1267 = arith.addf %scan3A_1256, %get3A_1266 : vector<16xf32>
        %add3A_1268 = arith.constant 50 : i32
        %add3A_1269 = arith.addi %add3A_1268, %scan3A_1255 : i32
        %get3A_1270 = arith.constant 1 : i32
        %get3A_1271 = arith.index_cast %get3A_1270 : i32 to index
        %get3A_1272 = arith.index_cast %add3A_1269 : i32 to index
        %get3A_1273 = arith.constant 16 : index
        %get3A_1274 = tpu.vector_load %arg6[%get3A_1271, %get3A_1272, %get3A_1273] {strides = array<i32>} : memref<8x100x64xf32, #tpu.memory_space<vmem>>, vector<1x1x16xf32>,
        %get3A_1275 = vector.shape_cast %get3A_1274 : vector<1x1x16xf32> to vector<16xf32>
        %add3A_1276 = arith.addf %scan3A_1257, %get3A_1275 : vector<16xf32>
        %add3A_1277 = arith.constant 50 : i32
        %add3A_1278 = arith.addi %add3A_1277, %scan3A_1255 : i32
        %get3A_1279 = arith.constant 1 : i32
        %get3A_1280 = arith.index_cast %get3A_1279 : i32 to index
        %get3A_1281 = arith.index_cast %add3A_1278 : i32 to index
        %get3A_1282 = arith.constant 32 : index
        %get3A_1283 = tpu.vector_load %arg6[%get3A_1280, %get3A_1281, %get3A_1282] {strides = array<i32>} : memref<8x100x64xf32, #tpu.memory_space<vmem>>, vector<1x1x16xf32>,
        %get3A_1284 = vector.shape_cast %get3A_1283 : vector<1x1x16xf32> to vector<16xf32>
        %add3A_1285 = arith.addf %scan3A_1258, %get3A_1284 : vector<16xf32>
        %add3A_1286 = arith.constant 50 : i32
        %add3A_1287 = arith.addi %add3A_1286, %scan3A_1255 : i32
        %get3A_1288 = arith.constant 1 : i32
        %get3A_1289 = arith.index_cast %get3A_1288 : i32 to index
        %get3A_1290 = arith.index_cast %add3A_1287 : i32 to index
        %get3A_1291 = arith.constant 48 : index
        %get3A_1292 = tpu.vector_load %arg6[%get3A_1289, %get3A_1290, %get3A_1291] {strides = array<i32>} : memref<8x100x64xf32, #tpu.memory_space<vmem>>, vector<1x1x16xf32>,
        %get3A_1293 = vector.shape_cast %get3A_1292 : vector<1x1x16xf32> to vector<16xf32>
        %add3A_1294 = arith.addf %scan3A_1259, %get3A_1293 : vector<16xf32>
        %scan3A_1295 = arith.constant 1 : i32
        %scan3A_1296 = arith.addi %scan3A_1255, %scan3A_1295 : i32
        %add3A_1297 = arith.constant 50 : i32
        %add3A_1298 = arith.addi %add3A_1297, %scan3A_1296 : i32
        %get3A_1299 = arith.constant 1 : i32
        %get3A_1300 = arith.index_cast %get3A_1299 : i32 to index
        %get3A_1301 = arith.index_cast %add3A_1298 : i32 to index
        %get3A_1302 = arith.constant 0 : index
        %get3A_1303 = tpu.vector_load %arg6[%get3A_1300, %get3A_1301, %get3A_1302] {strides = array<i32>} : memref<8x100x64xf32, #tpu.memory_space<vmem>>, vector<1x1x16xf32>,
        %get3A_1304 = vector.shape_cast %get3A_1303 : vector<1x1x16xf32> to vector<16xf32>
        %add3A_1305 = arith.addf %add3A_1267, %get3A_1304 : vector<16xf32>
        %add3A_1306 = arith.constant 50 : i32
        %add3A_1307 = arith.addi %add3A_1306, %scan3A_1296 : i32
        %get3A_1308 = arith.constant 1 : i32
        %get3A_1309 = arith.index_cast %get3A_1308 : i32 to index
        %get3A_1310 = arith.index_cast %add3A_1307 : i32 to index
        %get3A_1311 = arith.constant 16 : index
        %get3A_1312 = tpu.vector_load %arg6[%get3A_1309, %get3A_1310, %get3A_1311] {strides = array<i32>} : memref<8x100x64xf32, #tpu.memory_space<vmem>>, vector<1x1x16xf32>,
        %get3A_1313 = vector.shape_cast %get3A_1312 : vector<1x1x16xf32> to vector<16xf32>
        %add3A_1314 = arith.addf %add3A_1276, %get3A_1313 : vector<16xf32>
        %add3A_1315 = arith.constant 50 : i32
        %add3A_1316 = arith.addi %add3A_1315, %scan3A_1296 : i32
        %get3A_1317 = arith.constant 1 : i32
        %get3A_1318 = arith.index_cast %get3A_1317 : i32 to index
        %get3A_1319 = arith.index_cast %add3A_1316 : i32 to index
        %get3A_1320 = arith.constant 32 : index
        %get3A_1321 = tpu.vector_load %arg6[%get3A_1318, %get3A_1319, %get3A_1320] {strides = array<i32>} : memref<8x100x64xf32, #tpu.memory_space<vmem>>, vector<1x1x16xf32>,
        %get3A_1322 = vector.shape_cast %get3A_1321 : vector<1x1x16xf32> to vector<16xf32>
        %add3A_1323 = arith.addf %add3A_1285, %get3A_1322 : vector<16xf32>
        %add3A_1324 = arith.constant 50 : i32
        %add3A_1325 = arith.addi %add3A_1324, %scan3A_1296 : i32
        %get3A_1326 = arith.constant 1 : i32
        %get3A_1327 = arith.index_cast %get3A_1326 : i32 to index
        %get3A_1328 = arith.index_cast %add3A_1325 : i32 to index
        %get3A_1329 = arith.constant 48 : index
        %get3A_1330 = tpu.vector_load %arg6[%get3A_1327, %get3A_1328, %get3A_1329] {strides = array<i32>} : memref<8x100x64xf32, #tpu.memory_space<vmem>>, vector<1x1x16xf32>,
        %get3A_1331 = vector.shape_cast %get3A_1330 : vector<1x1x16xf32> to vector<16xf32>
        %add3A_1332 = arith.addf %add3A_1294, %get3A_1331 : vector<16xf32>
        scf.yield %add3A_1305, %add3A_1314, %add3A_1323, %add3A_1332 : vector<16xf32>, vector<16xf32>, vector<16xf32>, vector<16xf32>
      }
      %scan3A_335 = arith.constant 50 : i32
      %mul3A_336 = arith.constant 2.000000e-02 : f32
      %mul3A_337 = vector.broadcast %mul3A_336 : f32 to vector<16xf32>
      %mul3A_338 = arith.mulf %scan3A_334#0, %mul3A_337 : vector<16xf32>
      %mul3A_339 = arith.constant 2 : i32
      %mul3A_340 = arith.muli %add3A_248, %mul3A_339 : i32
      %add3A_341 = arith.constant 1 : i32
      %add3A_342 = arith.addi %mul3A_340, %add3A_341 : i32
      %swap3A_343 = arith.index_cast %add3A_342 : i32 to index
      %swap3A_344 = arith.constant 0 : index
      %swap3A_345 = tpu.vector_load %arg7[%swap3A_343, %swap3A_344] {strides = array<i32>} : memref<512x64xf32, #tpu.memory_space<vmem>>, vector<1x16xf32>,
      %swap3A_346 = vector.shape_cast %swap3A_345 : vector<1x16xf32> to vector<16xf32>
      %swap3A_347 = vector.shape_cast %mul3A_338 : vector<16xf32> to vector<1x16xf32>
      tpu.vector_store %arg7[%swap3A_343, %swap3A_344], %swap3A_347 {strides = array<i32>} : memref<512x64xf32, #tpu.memory_space<vmem>>, vector<1x16xf32>,
      %mul3A_348 = arith.constant 2.000000e-02 : f32
      %mul3A_349 = vector.broadcast %mul3A_348 : f32 to vector<16xf32>
      %mul3A_350 = arith.mulf %scan3A_334#1, %mul3A_349 : vector<16xf32>
      %mul3A_351 = arith.constant 2 : i32
      %mul3A_352 = arith.muli %add3A_248, %mul3A_351 : i32
      %add3A_353 = arith.constant 1 : i32
      %add3A_354 = arith.addi %mul3A_352, %add3A_353 : i32
      %swap3A_355 = arith.index_cast %add3A_354 : i32 to index
      %swap3A_356 = arith.constant 16 : index
      %swap3A_357 = tpu.vector_load %arg7[%swap3A_355, %swap3A_356] {strides = array<i32>} : memref<512x64xf32, #tpu.memory_space<vmem>>, vector<1x16xf32>,
      %swap3A_358 = vector.shape_cast %swap3A_357 : vector<1x16xf32> to vector<16xf32>
      %swap3A_359 = vector.shape_cast %mul3A_350 : vector<16xf32> to vector<1x16xf32>
      tpu.vector_store %arg7[%swap3A_355, %swap3A_356], %swap3A_359 {strides = array<i32>} : memref<512x64xf32, #tpu.memory_space<vmem>>, vector<1x16xf32>,
      %mul3A_360 = arith.constant 2.000000e-02 : f32
      %mul3A_361 = vector.broadcast %mul3A_360 : f32 to vector<16xf32>
      %mul3A_362 = arith.mulf %scan3A_334#2, %mul3A_361 : vector<16xf32>
      %mul3A_363 = arith.constant 2 : i32
      %mul3A_364 = arith.muli %add3A_248, %mul3A_363 : i32
      %add3A_365 = arith.constant 1 : i32
      %add3A_366 = arith.addi %mul3A_364, %add3A_365 : i32
      %swap3A_367 = arith.index_cast %add3A_366 : i32 to index
      %swap3A_368 = arith.constant 32 : index
      %swap3A_369 = tpu.vector_load %arg7[%swap3A_367, %swap3A_368] {strides = array<i32>} : memref<512x64xf32, #tpu.memory_space<vmem>>, vector<1x16xf32>,
      %swap3A_370 = vector.shape_cast %swap3A_369 : vector<1x16xf32> to vector<16xf32>
      %swap3A_371 = vector.shape_cast %mul3A_362 : vector<16xf32> to vector<1x16xf32>
      tpu.vector_store %arg7[%swap3A_367, %swap3A_368], %swap3A_371 {strides = array<i32>} : memref<512x64xf32, #tpu.memory_space<vmem>>, vector<1x16xf32>,
      %mul3A_372 = arith.constant 2.000000e-02 : f32
      %mul3A_373 = vector.broadcast %mul3A_372 : f32 to vector<16xf32>
      %mul3A_374 = arith.mulf %scan3A_334#3, %mul3A_373 : vector<16xf32>
      %mul3A_375 = arith.constant 2 : i32
      %mul3A_376 = arith.muli %add3A_248, %mul3A_375 : i32
      %add3A_377 = arith.constant 1 : i32
      %add3A_378 = arith.addi %mul3A_376, %add3A_377 : i32
      %swap3A_379 = arith.index_cast %add3A_378 : i32 to index
      %swap3A_380 = arith.constant 48 : index
      %swap3A_381 = tpu.vector_load %arg7[%swap3A_379, %swap3A_380] {strides = array<i32>} : memref<512x64xf32, #tpu.memory_space<vmem>>, vector<1x16xf32>,
      %swap3A_382 = vector.shape_cast %swap3A_381 : vector<1x16xf32> to vector<16xf32>
      %swap3A_383 = vector.shape_cast %mul3A_374 : vector<16xf32> to vector<1x16xf32>
      tpu.vector_store %arg7[%swap3A_379, %swap3A_380], %swap3A_383 {strides = array<i32>} : memref<512x64xf32, #tpu.memory_space<vmem>>, vector<1x16xf32>,
      %add3A_384 = arith.constant 8 : i32
      %add3A_385 = arith.addi %add3A_248, %add3A_384 : i32
      %lt3A_386 = arith.constant 256 : i32
      %lt3A_387 = arith.cmpi slt, %add3A_385, %lt3A_386 : i32
      %convert_element_type3A_388 = arith.extui %lt3A_387 : i1 to i32
      %cond3A_389 = arith.constant 0 : i32
      %cond3A_390 = arith.cmpi ne, %convert_element_type3A_388, %cond3A_389 : i32
      scf.if %cond3A_390 {
        %dma_start3A_1255 = arith.constant 1 : i32
        %dma_start3A_1256 = arith.constant 0 : i32
        %dma_start3A_1257 = arith.constant 0 : i32
        %dma_start3A_1258 = tpu.memref_slice %arg6[%dma_start3A_1255, %dma_start3A_1256, %dma_start3A_1257] : memref<8x100x64xf32, #tpu.memory_space<vmem>> -> memref<1x100x64xf32, #tpu.memory_space<vmem>>
        %dma_start3A_1259 = tpu.memref_squeeze %dma_start3A_1258 : memref<1x100x64xf32, #tpu.memory_space<vmem>> -> memref<100x64xf32, #tpu.memory_space<vmem>>
        %dma_start3A_1260 = arith.constant 0 : i32
        %dma_start3A_1261 = tpu.memref_slice %arg5[%add3A_385, %dma_start3A_1260] : memref<256x100xi32, #tpu.memory_space<vmem>> -> memref<1x100xi32, #tpu.memory_space<vmem>>
        %dma_start3A_1262 = tpu.memref_squeeze %dma_start3A_1261 : memref<1x100xi32, #tpu.memory_space<vmem>> -> memref<100xi32, #tpu.memory_space<vmem>>
        %dma_start3A_1263 = arith.constant 0 : i32
        %dma_start3A_1264 = arith.constant 0 : i32
        %dma_start3A_1265 = tpu.memref_slice %arg3[%dma_start3A_1263, %dma_start3A_1264] : memref<1015808x64xf32, #tpu.memory_space<hbm>> -> memref<1015808x64xf32, #tpu.memory_space<hbm>>
        tpu.enqueue_indirect_dma source(%dma_start3A_1265 : memref<1015808x64xf32, #tpu.memory_space<hbm>>) target(%dma_start3A_1259 : memref<100x64xf32, #tpu.memory_space<vmem>>) offsets(%dma_start3A_1262 : memref<100xi32, #tpu.memory_space<vmem>>) semaphore(%arg9 : memref<!tpu.dma_semaphore, #tpu.memory_space<semaphore_mem>>)
      } else {
      }
      %add3A_391 = arith.constant 2 : i32
      %add3A_392 = arith.addi %add3A_108, %add3A_391 : i32
      %dma_wait3A_393 = arith.constant 2 : i32
      %dma_wait3A_394 = arith.constant 0 : i32
      %dma_wait3A_395 = arith.constant 0 : i32
      %dma_wait3A_396 = tpu.memref_slice %arg6[%dma_wait3A_393, %dma_wait3A_394, %dma_wait3A_395] : memref<8x100x64xf32, #tpu.memory_space<vmem>> -> memref<1x100x64xf32, #tpu.memory_space<vmem>>
      %dma_wait3A_397 = tpu.memref_squeeze %dma_wait3A_396 : memref<1x100x64xf32, #tpu.memory_space<vmem>> -> memref<100x64xf32, #tpu.memory_space<vmem>>
      %dma_wait3A_398 = arith.constant 0 : i32
      %dma_wait3A_399 = tpu.memref_slice %arg5[%add3A_392, %dma_wait3A_398] : memref<256x100xi32, #tpu.memory_space<vmem>> -> memref<1x100xi32, #tpu.memory_space<vmem>>
      %dma_wait3A_400 = tpu.memref_squeeze %dma_wait3A_399 : memref<1x100xi32, #tpu.memory_space<vmem>> -> memref<100xi32, #tpu.memory_space<vmem>>
      %dma_wait3A_401 = arith.constant 0 : i32
      %dma_wait3A_402 = arith.constant 0 : i32
      %dma_wait3A_403 = tpu.memref_slice %arg3[%dma_wait3A_401, %dma_wait3A_402] : memref<1015808x64xf32, #tpu.memory_space<hbm>> -> memref<1015808x64xf32, #tpu.memory_space<hbm>>
      tpu.wait_indirect_dma semaphore(%arg10 : memref<!tpu.dma_semaphore, #tpu.memory_space<semaphore_mem>>) src(%dma_wait3A_403 : memref<1015808x64xf32, #tpu.memory_space<hbm>>) dst(%dma_wait3A_397 : memref<100x64xf32, #tpu.memory_space<vmem>>)
      %broadcast_in_dim3A_404 = arith.constant 0.000000e+00 : f32
      %broadcast_in_dim3A_405 = vector.broadcast %broadcast_in_dim3A_404 : f32 to vector<16xf32>
      %broadcast_in_dim3A_406 = arith.constant 0.000000e+00 : f32
      %broadcast_in_dim3A_407 = vector.broadcast %broadcast_in_dim3A_406 : f32 to vector<16xf32>
      %broadcast_in_dim3A_408 = arith.constant 0.000000e+00 : f32
      %broadcast_in_dim3A_409 = vector.broadcast %broadcast_in_dim3A_408 : f32 to vector<16xf32>
      %broadcast_in_dim3A_410 = arith.constant 0.000000e+00 : f32
      %broadcast_in_dim3A_411 = vector.broadcast %broadcast_in_dim3A_410 : f32 to vector<16xf32>
      %scan3A_412 = arith.constant 0 : i32
      %scan3A_413 = arith.constant 50 : i32
      %scan3A_414 = arith.addi %scan3A_412, %scan3A_413 : i32
      %scan3A_415 = arith.constant 2 : i32
      %scan3A_416:4 = scf.for %scan3A_1255 = %scan3A_412 to %scan3A_414 step %scan3A_415 iter_args(%scan3A_1256 = %broadcast_in_dim3A_405, %scan3A_1257 = %broadcast_in_dim3A_407, %scan3A_1258 = %broadcast_in_dim3A_409, %scan3A_1259 = %broadcast_in_dim3A_411) -> (vector<16xf32>, vector<16xf32>, vector<16xf32>, vector<16xf32>)  : i32 {
        %add3A_1260 = arith.constant 0 : i32
        %add3A_1261 = arith.addi %add3A_1260, %scan3A_1255 : i32
        %get3A = arith.constant 2 : i32
        %get3A_1262 = arith.index_cast %get3A : i32 to index
        %get3A_1263 = arith.index_cast %add3A_1261 : i32 to index
        %get3A_1264 = arith.constant 0 : index
        %get3A_1265 = tpu.vector_load %arg6[%get3A_1262, %get3A_1263, %get3A_1264] {strides = array<i32>} : memref<8x100x64xf32, #tpu.memory_space<vmem>>, vector<1x1x16xf32>,
        %get3A_1266 = vector.shape_cast %get3A_1265 : vector<1x1x16xf32> to vector<16xf32>
        %add3A_1267 = arith.addf %scan3A_1256, %get3A_1266 : vector<16xf32>
        %add3A_1268 = arith.constant 0 : i32
        %add3A_1269 = arith.addi %add3A_1268, %scan3A_1255 : i32
        %get3A_1270 = arith.constant 2 : i32
        %get3A_1271 = arith.index_cast %get3A_1270 : i32 to index
        %get3A_1272 = arith.index_cast %add3A_1269 : i32 to index
        %get3A_1273 = arith.constant 16 : index
        %get3A_1274 = tpu.vector_load %arg6[%get3A_1271, %get3A_1272, %get3A_1273] {strides = array<i32>} : memref<8x100x64xf32, #tpu.memory_space<vmem>>, vector<1x1x16xf32>,
        %get3A_1275 = vector.shape_cast %get3A_1274 : vector<1x1x16xf32> to vector<16xf32>
        %add3A_1276 = arith.addf %scan3A_1257, %get3A_1275 : vector<16xf32>
        %add3A_1277 = arith.constant 0 : i32
        %add3A_1278 = arith.addi %add3A_1277, %scan3A_1255 : i32
        %get3A_1279 = arith.constant 2 : i32
        %get3A_1280 = arith.index_cast %get3A_1279 : i32 to index
        %get3A_1281 = arith.index_cast %add3A_1278 : i32 to index
        %get3A_1282 = arith.constant 32 : index
        %get3A_1283 = tpu.vector_load %arg6[%get3A_1280, %get3A_1281, %get3A_1282] {strides = array<i32>} : memref<8x100x64xf32, #tpu.memory_space<vmem>>, vector<1x1x16xf32>,
        %get3A_1284 = vector.shape_cast %get3A_1283 : vector<1x1x16xf32> to vector<16xf32>
        %add3A_1285 = arith.addf %scan3A_1258, %get3A_1284 : vector<16xf32>
        %add3A_1286 = arith.constant 0 : i32
        %add3A_1287 = arith.addi %add3A_1286, %scan3A_1255 : i32
        %get3A_1288 = arith.constant 2 : i32
        %get3A_1289 = arith.index_cast %get3A_1288 : i32 to index
        %get3A_1290 = arith.index_cast %add3A_1287 : i32 to index
        %get3A_1291 = arith.constant 48 : index
        %get3A_1292 = tpu.vector_load %arg6[%get3A_1289, %get3A_1290, %get3A_1291] {strides = array<i32>} : memref<8x100x64xf32, #tpu.memory_space<vmem>>, vector<1x1x16xf32>,
        %get3A_1293 = vector.shape_cast %get3A_1292 : vector<1x1x16xf32> to vector<16xf32>
        %add3A_1294 = arith.addf %scan3A_1259, %get3A_1293 : vector<16xf32>
        %scan3A_1295 = arith.constant 1 : i32
        %scan3A_1296 = arith.addi %scan3A_1255, %scan3A_1295 : i32
        %add3A_1297 = arith.constant 0 : i32
        %add3A_1298 = arith.addi %add3A_1297, %scan3A_1296 : i32
        %get3A_1299 = arith.constant 2 : i32
        %get3A_1300 = arith.index_cast %get3A_1299 : i32 to index
        %get3A_1301 = arith.index_cast %add3A_1298 : i32 to index
        %get3A_1302 = arith.constant 0 : index
        %get3A_1303 = tpu.vector_load %arg6[%get3A_1300, %get3A_1301, %get3A_1302] {strides = array<i32>} : memref<8x100x64xf32, #tpu.memory_space<vmem>>, vector<1x1x16xf32>,
        %get3A_1304 = vector.shape_cast %get3A_1303 : vector<1x1x16xf32> to vector<16xf32>
        %add3A_1305 = arith.addf %add3A_1267, %get3A_1304 : vector<16xf32>
        %add3A_1306 = arith.constant 0 : i32
        %add3A_1307 = arith.addi %add3A_1306, %scan3A_1296 : i32
        %get3A_1308 = arith.constant 2 : i32
        %get3A_1309 = arith.index_cast %get3A_1308 : i32 to index
        %get3A_1310 = arith.index_cast %add3A_1307 : i32 to index
        %get3A_1311 = arith.constant 16 : index
        %get3A_1312 = tpu.vector_load %arg6[%get3A_1309, %get3A_1310, %get3A_1311] {strides = array<i32>} : memref<8x100x64xf32, #tpu.memory_space<vmem>>, vector<1x1x16xf32>,
        %get3A_1313 = vector.shape_cast %get3A_1312 : vector<1x1x16xf32> to vector<16xf32>
        %add3A_1314 = arith.addf %add3A_1276, %get3A_1313 : vector<16xf32>
        %add3A_1315 = arith.constant 0 : i32
        %add3A_1316 = arith.addi %add3A_1315, %scan3A_1296 : i32
        %get3A_1317 = arith.constant 2 : i32
        %get3A_1318 = arith.index_cast %get3A_1317 : i32 to index
        %get3A_1319 = arith.index_cast %add3A_1316 : i32 to index
        %get3A_1320 = arith.constant 32 : index
        %get3A_1321 = tpu.vector_load %arg6[%get3A_1318, %get3A_1319, %get3A_1320] {strides = array<i32>} : memref<8x100x64xf32, #tpu.memory_space<vmem>>, vector<1x1x16xf32>,
        %get3A_1322 = vector.shape_cast %get3A_1321 : vector<1x1x16xf32> to vector<16xf32>
        %add3A_1323 = arith.addf %add3A_1285, %get3A_1322 : vector<16xf32>
        %add3A_1324 = arith.constant 0 : i32
        %add3A_1325 = arith.addi %add3A_1324, %scan3A_1296 : i32
        %get3A_1326 = arith.constant 2 : i32
        %get3A_1327 = arith.index_cast %get3A_1326 : i32 to index
        %get3A_1328 = arith.index_cast %add3A_1325 : i32 to index
        %get3A_1329 = arith.constant 48 : index
        %get3A_1330 = tpu.vector_load %arg6[%get3A_1327, %get3A_1328, %get3A_1329] {strides = array<i32>} : memref<8x100x64xf32, #tpu.memory_space<vmem>>, vector<1x1x16xf32>,
        %get3A_1331 = vector.shape_cast %get3A_1330 : vector<1x1x16xf32> to vector<16xf32>
        %add3A_1332 = arith.addf %add3A_1294, %get3A_1331 : vector<16xf32>
        scf.yield %add3A_1305, %add3A_1314, %add3A_1323, %add3A_1332 : vector<16xf32>, vector<16xf32>, vector<16xf32>, vector<16xf32>
      }
      %scan3A_417 = arith.constant 50 : i32
      %mul3A_418 = arith.constant 2.000000e-02 : f32
      %mul3A_419 = vector.broadcast %mul3A_418 : f32 to vector<16xf32>
      %mul3A_420 = arith.mulf %scan3A_416#0, %mul3A_419 : vector<16xf32>
      %mul3A_421 = arith.constant 2 : i32
      %mul3A_422 = arith.muli %add3A_392, %mul3A_421 : i32
      %add3A_423 = arith.constant 0 : i32
      %add3A_424 = arith.addi %mul3A_422, %add3A_423 : i32
      %swap3A_425 = arith.index_cast %add3A_424 : i32 to index
      %swap3A_426 = arith.constant 0 : index
      %swap3A_427 = tpu.vector_load %arg7[%swap3A_425, %swap3A_426] {strides = array<i32>} : memref<512x64xf32, #tpu.memory_space<vmem>>, vector<1x16xf32>,
      %swap3A_428 = vector.shape_cast %swap3A_427 : vector<1x16xf32> to vector<16xf32>
      %swap3A_429 = vector.shape_cast %mul3A_420 : vector<16xf32> to vector<1x16xf32>
      tpu.vector_store %arg7[%swap3A_425, %swap3A_426], %swap3A_429 {strides = array<i32>} : memref<512x64xf32, #tpu.memory_space<vmem>>, vector<1x16xf32>,
      %mul3A_430 = arith.constant 2.000000e-02 : f32
      %mul3A_431 = vector.broadcast %mul3A_430 : f32 to vector<16xf32>
      %mul3A_432 = arith.mulf %scan3A_416#1, %mul3A_431 : vector<16xf32>
      %mul3A_433 = arith.constant 2 : i32
      %mul3A_434 = arith.muli %add3A_392, %mul3A_433 : i32
      %add3A_435 = arith.constant 0 : i32
      %add3A_436 = arith.addi %mul3A_434, %add3A_435 : i32
      %swap3A_437 = arith.index_cast %add3A_436 : i32 to index
      %swap3A_438 = arith.constant 16 : index
      %swap3A_439 = tpu.vector_load %arg7[%swap3A_437, %swap3A_438] {strides = array<i32>} : memref<512x64xf32, #tpu.memory_space<vmem>>, vector<1x16xf32>,
      %swap3A_440 = vector.shape_cast %swap3A_439 : vector<1x16xf32> to vector<16xf32>
      %swap3A_441 = vector.shape_cast %mul3A_432 : vector<16xf32> to vector<1x16xf32>
      tpu.vector_store %arg7[%swap3A_437, %swap3A_438], %swap3A_441 {strides = array<i32>} : memref<512x64xf32, #tpu.memory_space<vmem>>, vector<1x16xf32>,
      %mul3A_442 = arith.constant 2.000000e-02 : f32
      %mul3A_443 = vector.broadcast %mul3A_442 : f32 to vector<16xf32>
      %mul3A_444 = arith.mulf %scan3A_416#2, %mul3A_443 : vector<16xf32>
      %mul3A_445 = arith.constant 2 : i32
      %mul3A_446 = arith.muli %add3A_392, %mul3A_445 : i32
      %add3A_447 = arith.constant 0 : i32
      %add3A_448 = arith.addi %mul3A_446, %add3A_447 : i32
      %swap3A_449 = arith.index_cast %add3A_448 : i32 to index
      %swap3A_450 = arith.constant 32 : index
      %swap3A_451 = tpu.vector_load %arg7[%swap3A_449, %swap3A_450] {strides = array<i32>} : memref<512x64xf32, #tpu.memory_space<vmem>>, vector<1x16xf32>,
      %swap3A_452 = vector.shape_cast %swap3A_451 : vector<1x16xf32> to vector<16xf32>
      %swap3A_453 = vector.shape_cast %mul3A_444 : vector<16xf32> to vector<1x16xf32>
      tpu.vector_store %arg7[%swap3A_449, %swap3A_450], %swap3A_453 {strides = array<i32>} : memref<512x64xf32, #tpu.memory_space<vmem>>, vector<1x16xf32>,
      %mul3A_454 = arith.constant 2.000000e-02 : f32
      %mul3A_455 = vector.broadcast %mul3A_454 : f32 to vector<16xf32>
      %mul3A_456 = arith.mulf %scan3A_416#3, %mul3A_455 : vector<16xf32>
      %mul3A_457 = arith.constant 2 : i32
      %mul3A_458 = arith.muli %add3A_392, %mul3A_457 : i32
      %add3A_459 = arith.constant 0 : i32
      %add3A_460 = arith.addi %mul3A_458, %add3A_459 : i32
      %swap3A_461 = arith.index_cast %add3A_460 : i32 to index
      %swap3A_462 = arith.constant 48 : index
      %swap3A_463 = tpu.vector_load %arg7[%swap3A_461, %swap3A_462] {strides = array<i32>} : memref<512x64xf32, #tpu.memory_space<vmem>>, vector<1x16xf32>,
      %swap3A_464 = vector.shape_cast %swap3A_463 : vector<1x16xf32> to vector<16xf32>
      %swap3A_465 = vector.shape_cast %mul3A_456 : vector<16xf32> to vector<1x16xf32>
      tpu.vector_store %arg7[%swap3A_461, %swap3A_462], %swap3A_465 {strides = array<i32>} : memref<512x64xf32, #tpu.memory_space<vmem>>, vector<1x16xf32>,
      %broadcast_in_dim3A_466 = arith.constant 0.000000e+00 : f32
      %broadcast_in_dim3A_467 = vector.broadcast %broadcast_in_dim3A_466 : f32 to vector<16xf32>
      %broadcast_in_dim3A_468 = arith.constant 0.000000e+00 : f32
      %broadcast_in_dim3A_469 = vector.broadcast %broadcast_in_dim3A_468 : f32 to vector<16xf32>
      %broadcast_in_dim3A_470 = arith.constant 0.000000e+00 : f32
      %broadcast_in_dim3A_471 = vector.broadcast %broadcast_in_dim3A_470 : f32 to vector<16xf32>
      %broadcast_in_dim3A_472 = arith.constant 0.000000e+00 : f32
      %broadcast_in_dim3A_473 = vector.broadcast %broadcast_in_dim3A_472 : f32 to vector<16xf32>
      %scan3A_474 = arith.constant 0 : i32
      %scan3A_475 = arith.constant 50 : i32
      %scan3A_476 = arith.addi %scan3A_474, %scan3A_475 : i32
      %scan3A_477 = arith.constant 2 : i32
      %scan3A_478:4 = scf.for %scan3A_1255 = %scan3A_474 to %scan3A_476 step %scan3A_477 iter_args(%scan3A_1256 = %broadcast_in_dim3A_467, %scan3A_1257 = %broadcast_in_dim3A_469, %scan3A_1258 = %broadcast_in_dim3A_471, %scan3A_1259 = %broadcast_in_dim3A_473) -> (vector<16xf32>, vector<16xf32>, vector<16xf32>, vector<16xf32>)  : i32 {
        %add3A_1260 = arith.constant 50 : i32
        %add3A_1261 = arith.addi %add3A_1260, %scan3A_1255 : i32
        %get3A = arith.constant 2 : i32
        %get3A_1262 = arith.index_cast %get3A : i32 to index
        %get3A_1263 = arith.index_cast %add3A_1261 : i32 to index
        %get3A_1264 = arith.constant 0 : index
        %get3A_1265 = tpu.vector_load %arg6[%get3A_1262, %get3A_1263, %get3A_1264] {strides = array<i32>} : memref<8x100x64xf32, #tpu.memory_space<vmem>>, vector<1x1x16xf32>,
        %get3A_1266 = vector.shape_cast %get3A_1265 : vector<1x1x16xf32> to vector<16xf32>
        %add3A_1267 = arith.addf %scan3A_1256, %get3A_1266 : vector<16xf32>
        %add3A_1268 = arith.constant 50 : i32
        %add3A_1269 = arith.addi %add3A_1268, %scan3A_1255 : i32
        %get3A_1270 = arith.constant 2 : i32
        %get3A_1271 = arith.index_cast %get3A_1270 : i32 to index
        %get3A_1272 = arith.index_cast %add3A_1269 : i32 to index
        %get3A_1273 = arith.constant 16 : index
        %get3A_1274 = tpu.vector_load %arg6[%get3A_1271, %get3A_1272, %get3A_1273] {strides = array<i32>} : memref<8x100x64xf32, #tpu.memory_space<vmem>>, vector<1x1x16xf32>,
        %get3A_1275 = vector.shape_cast %get3A_1274 : vector<1x1x16xf32> to vector<16xf32>
        %add3A_1276 = arith.addf %scan3A_1257, %get3A_1275 : vector<16xf32>
        %add3A_1277 = arith.constant 50 : i32
        %add3A_1278 = arith.addi %add3A_1277, %scan3A_1255 : i32
        %get3A_1279 = arith.constant 2 : i32
        %get3A_1280 = arith.index_cast %get3A_1279 : i32 to index
        %get3A_1281 = arith.index_cast %add3A_1278 : i32 to index
        %get3A_1282 = arith.constant 32 : index
        %get3A_1283 = tpu.vector_load %arg6[%get3A_1280, %get3A_1281, %get3A_1282] {strides = array<i32>} : memref<8x100x64xf32, #tpu.memory_space<vmem>>, vector<1x1x16xf32>,
        %get3A_1284 = vector.shape_cast %get3A_1283 : vector<1x1x16xf32> to vector<16xf32>
        %add3A_1285 = arith.addf %scan3A_1258, %get3A_1284 : vector<16xf32>
        %add3A_1286 = arith.constant 50 : i32
        %add3A_1287 = arith.addi %add3A_1286, %scan3A_1255 : i32
        %get3A_1288 = arith.constant 2 : i32
        %get3A_1289 = arith.index_cast %get3A_1288 : i32 to index
        %get3A_1290 = arith.index_cast %add3A_1287 : i32 to index
        %get3A_1291 = arith.constant 48 : index
        %get3A_1292 = tpu.vector_load %arg6[%get3A_1289, %get3A_1290, %get3A_1291] {strides = array<i32>} : memref<8x100x64xf32, #tpu.memory_space<vmem>>, vector<1x1x16xf32>,
        %get3A_1293 = vector.shape_cast %get3A_1292 : vector<1x1x16xf32> to vector<16xf32>
        %add3A_1294 = arith.addf %scan3A_1259, %get3A_1293 : vector<16xf32>
        %scan3A_1295 = arith.constant 1 : i32
        %scan3A_1296 = arith.addi %scan3A_1255, %scan3A_1295 : i32
        %add3A_1297 = arith.constant 50 : i32
        %add3A_1298 = arith.addi %add3A_1297, %scan3A_1296 : i32
        %get3A_1299 = arith.constant 2 : i32
        %get3A_1300 = arith.index_cast %get3A_1299 : i32 to index
        %get3A_1301 = arith.index_cast %add3A_1298 : i32 to index
        %get3A_1302 = arith.constant 0 : index
        %get3A_1303 = tpu.vector_load %arg6[%get3A_1300, %get3A_1301, %get3A_1302] {strides = array<i32>} : memref<8x100x64xf32, #tpu.memory_space<vmem>>, vector<1x1x16xf32>,
        %get3A_1304 = vector.shape_cast %get3A_1303 : vector<1x1x16xf32> to vector<16xf32>
        %add3A_1305 = arith.addf %add3A_1267, %get3A_1304 : vector<16xf32>
        %add3A_1306 = arith.constant 50 : i32
        %add3A_1307 = arith.addi %add3A_1306, %scan3A_1296 : i32
        %get3A_1308 = arith.constant 2 : i32
        %get3A_1309 = arith.index_cast %get3A_1308 : i32 to index
        %get3A_1310 = arith.index_cast %add3A_1307 : i32 to index
        %get3A_1311 = arith.constant 16 : index
        %get3A_1312 = tpu.vector_load %arg6[%get3A_1309, %get3A_1310, %get3A_1311] {strides = array<i32>} : memref<8x100x64xf32, #tpu.memory_space<vmem>>, vector<1x1x16xf32>,
        %get3A_1313 = vector.shape_cast %get3A_1312 : vector<1x1x16xf32> to vector<16xf32>
        %add3A_1314 = arith.addf %add3A_1276, %get3A_1313 : vector<16xf32>
        %add3A_1315 = arith.constant 50 : i32
        %add3A_1316 = arith.addi %add3A_1315, %scan3A_1296 : i32
        %get3A_1317 = arith.constant 2 : i32
        %get3A_1318 = arith.index_cast %get3A_1317 : i32 to index
        %get3A_1319 = arith.index_cast %add3A_1316 : i32 to index
        %get3A_1320 = arith.constant 32 : index
        %get3A_1321 = tpu.vector_load %arg6[%get3A_1318, %get3A_1319, %get3A_1320] {strides = array<i32>} : memref<8x100x64xf32, #tpu.memory_space<vmem>>, vector<1x1x16xf32>,
        %get3A_1322 = vector.shape_cast %get3A_1321 : vector<1x1x16xf32> to vector<16xf32>
        %add3A_1323 = arith.addf %add3A_1285, %get3A_1322 : vector<16xf32>
        %add3A_1324 = arith.constant 50 : i32
        %add3A_1325 = arith.addi %add3A_1324, %scan3A_1296 : i32
        %get3A_1326 = arith.constant 2 : i32
        %get3A_1327 = arith.index_cast %get3A_1326 : i32 to index
        %get3A_1328 = arith.index_cast %add3A_1325 : i32 to index
        %get3A_1329 = arith.constant 48 : index
        %get3A_1330 = tpu.vector_load %arg6[%get3A_1327, %get3A_1328, %get3A_1329] {strides = array<i32>} : memref<8x100x64xf32, #tpu.memory_space<vmem>>, vector<1x1x16xf32>,
        %get3A_1331 = vector.shape_cast %get3A_1330 : vector<1x1x16xf32> to vector<16xf32>
        %add3A_1332 = arith.addf %add3A_1294, %get3A_1331 : vector<16xf32>
        scf.yield %add3A_1305, %add3A_1314, %add3A_1323, %add3A_1332 : vector<16xf32>, vector<16xf32>, vector<16xf32>, vector<16xf32>
      }
      %scan3A_479 = arith.constant 50 : i32
      %mul3A_480 = arith.constant 2.000000e-02 : f32
      %mul3A_481 = vector.broadcast %mul3A_480 : f32 to vector<16xf32>
      %mul3A_482 = arith.mulf %scan3A_478#0, %mul3A_481 : vector<16xf32>
      %mul3A_483 = arith.constant 2 : i32
      %mul3A_484 = arith.muli %add3A_392, %mul3A_483 : i32
      %add3A_485 = arith.constant 1 : i32
      %add3A_486 = arith.addi %mul3A_484, %add3A_485 : i32
      %swap3A_487 = arith.index_cast %add3A_486 : i32 to index
      %swap3A_488 = arith.constant 0 : index
      %swap3A_489 = tpu.vector_load %arg7[%swap3A_487, %swap3A_488] {strides = array<i32>} : memref<512x64xf32, #tpu.memory_space<vmem>>, vector<1x16xf32>,
      %swap3A_490 = vector.shape_cast %swap3A_489 : vector<1x16xf32> to vector<16xf32>
      %swap3A_491 = vector.shape_cast %mul3A_482 : vector<16xf32> to vector<1x16xf32>
      tpu.vector_store %arg7[%swap3A_487, %swap3A_488], %swap3A_491 {strides = array<i32>} : memref<512x64xf32, #tpu.memory_space<vmem>>, vector<1x16xf32>,
      %mul3A_492 = arith.constant 2.000000e-02 : f32
      %mul3A_493 = vector.broadcast %mul3A_492 : f32 to vector<16xf32>
      %mul3A_494 = arith.mulf %scan3A_478#1, %mul3A_493 : vector<16xf32>
      %mul3A_495 = arith.constant 2 : i32
      %mul3A_496 = arith.muli %add3A_392, %mul3A_495 : i32
      %add3A_497 = arith.constant 1 : i32
      %add3A_498 = arith.addi %mul3A_496, %add3A_497 : i32
      %swap3A_499 = arith.index_cast %add3A_498 : i32 to index
      %swap3A_500 = arith.constant 16 : index
      %swap3A_501 = tpu.vector_load %arg7[%swap3A_499, %swap3A_500] {strides = array<i32>} : memref<512x64xf32, #tpu.memory_space<vmem>>, vector<1x16xf32>,
      %swap3A_502 = vector.shape_cast %swap3A_501 : vector<1x16xf32> to vector<16xf32>
      %swap3A_503 = vector.shape_cast %mul3A_494 : vector<16xf32> to vector<1x16xf32>
      tpu.vector_store %arg7[%swap3A_499, %swap3A_500], %swap3A_503 {strides = array<i32>} : memref<512x64xf32, #tpu.memory_space<vmem>>, vector<1x16xf32>,
      %mul3A_504 = arith.constant 2.000000e-02 : f32
      %mul3A_505 = vector.broadcast %mul3A_504 : f32 to vector<16xf32>
      %mul3A_506 = arith.mulf %scan3A_478#2, %mul3A_505 : vector<16xf32>
      %mul3A_507 = arith.constant 2 : i32
      %mul3A_508 = arith.muli %add3A_392, %mul3A_507 : i32
      %add3A_509 = arith.constant 1 : i32
      %add3A_510 = arith.addi %mul3A_508, %add3A_509 : i32
      %swap3A_511 = arith.index_cast %add3A_510 : i32 to index
      %swap3A_512 = arith.constant 32 : index
      %swap3A_513 = tpu.vector_load %arg7[%swap3A_511, %swap3A_512] {strides = array<i32>} : memref<512x64xf32, #tpu.memory_space<vmem>>, vector<1x16xf32>,
      %swap3A_514 = vector.shape_cast %swap3A_513 : vector<1x16xf32> to vector<16xf32>
      %swap3A_515 = vector.shape_cast %mul3A_506 : vector<16xf32> to vector<1x16xf32>
      tpu.vector_store %arg7[%swap3A_511, %swap3A_512], %swap3A_515 {strides = array<i32>} : memref<512x64xf32, #tpu.memory_space<vmem>>, vector<1x16xf32>,
      %mul3A_516 = arith.constant 2.000000e-02 : f32
      %mul3A_517 = vector.broadcast %mul3A_516 : f32 to vector<16xf32>
      %mul3A_518 = arith.mulf %scan3A_478#3, %mul3A_517 : vector<16xf32>
      %mul3A_519 = arith.constant 2 : i32
      %mul3A_520 = arith.muli %add3A_392, %mul3A_519 : i32
      %add3A_521 = arith.constant 1 : i32
      %add3A_522 = arith.addi %mul3A_520, %add3A_521 : i32
      %swap3A_523 = arith.index_cast %add3A_522 : i32 to index
      %swap3A_524 = arith.constant 48 : index
      %swap3A_525 = tpu.vector_load %arg7[%swap3A_523, %swap3A_524] {strides = array<i32>} : memref<512x64xf32, #tpu.memory_space<vmem>>, vector<1x16xf32>,
      %swap3A_526 = vector.shape_cast %swap3A_525 : vector<1x16xf32> to vector<16xf32>
      %swap3A_527 = vector.shape_cast %mul3A_518 : vector<16xf32> to vector<1x16xf32>
      tpu.vector_store %arg7[%swap3A_523, %swap3A_524], %swap3A_527 {strides = array<i32>} : memref<512x64xf32, #tpu.memory_space<vmem>>, vector<1x16xf32>,
      %add3A_528 = arith.constant 8 : i32
      %add3A_529 = arith.addi %add3A_392, %add3A_528 : i32
      %lt3A_530 = arith.constant 256 : i32
      %lt3A_531 = arith.cmpi slt, %add3A_529, %lt3A_530 : i32
      %convert_element_type3A_532 = arith.extui %lt3A_531 : i1 to i32
      %cond3A_533 = arith.constant 0 : i32
      %cond3A_534 = arith.cmpi ne, %convert_element_type3A_532, %cond3A_533 : i32
      scf.if %cond3A_534 {
        %dma_start3A_1255 = arith.constant 2 : i32
        %dma_start3A_1256 = arith.constant 0 : i32
        %dma_start3A_1257 = arith.constant 0 : i32
        %dma_start3A_1258 = tpu.memref_slice %arg6[%dma_start3A_1255, %dma_start3A_1256, %dma_start3A_1257] : memref<8x100x64xf32, #tpu.memory_space<vmem>> -> memref<1x100x64xf32, #tpu.memory_space<vmem>>
        %dma_start3A_1259 = tpu.memref_squeeze %dma_start3A_1258 : memref<1x100x64xf32, #tpu.memory_space<vmem>> -> memref<100x64xf32, #tpu.memory_space<vmem>>
        %dma_start3A_1260 = arith.constant 0 : i32
        %dma_start3A_1261 = tpu.memref_slice %arg5[%add3A_529, %dma_start3A_1260] : memref<256x100xi32, #tpu.memory_space<vmem>> -> memref<1x100xi32, #tpu.memory_space<vmem>>
        %dma_start3A_1262 = tpu.memref_squeeze %dma_start3A_1261 : memref<1x100xi32, #tpu.memory_space<vmem>> -> memref<100xi32, #tpu.memory_space<vmem>>
        %dma_start3A_1263 = arith.constant 0 : i32
        %dma_start3A_1264 = arith.constant 0 : i32
        %dma_start3A_1265 = tpu.memref_slice %arg3[%dma_start3A_1263, %dma_start3A_1264] : memref<1015808x64xf32, #tpu.memory_space<hbm>> -> memref<1015808x64xf32, #tpu.memory_space<hbm>>
        tpu.enqueue_indirect_dma source(%dma_start3A_1265 : memref<1015808x64xf32, #tpu.memory_space<hbm>>) target(%dma_start3A_1259 : memref<100x64xf32, #tpu.memory_space<vmem>>) offsets(%dma_start3A_1262 : memref<100xi32, #tpu.memory_space<vmem>>) semaphore(%arg10 : memref<!tpu.dma_semaphore, #tpu.memory_space<semaphore_mem>>)
      } else {
      }
      %add3A_535 = arith.constant 3 : i32
      %add3A_536 = arith.addi %add3A_108, %add3A_535 : i32
      %dma_wait3A_537 = arith.constant 3 : i32
      %dma_wait3A_538 = arith.constant 0 : i32
      %dma_wait3A_539 = arith.constant 0 : i32
      %dma_wait3A_540 = tpu.memref_slice %arg6[%dma_wait3A_537, %dma_wait3A_538, %dma_wait3A_539] : memref<8x100x64xf32, #tpu.memory_space<vmem>> -> memref<1x100x64xf32, #tpu.memory_space<vmem>>
      %dma_wait3A_541 = tpu.memref_squeeze %dma_wait3A_540 : memref<1x100x64xf32, #tpu.memory_space<vmem>> -> memref<100x64xf32, #tpu.memory_space<vmem>>
      %dma_wait3A_542 = arith.constant 0 : i32
      %dma_wait3A_543 = tpu.memref_slice %arg5[%add3A_536, %dma_wait3A_542] : memref<256x100xi32, #tpu.memory_space<vmem>> -> memref<1x100xi32, #tpu.memory_space<vmem>>
      %dma_wait3A_544 = tpu.memref_squeeze %dma_wait3A_543 : memref<1x100xi32, #tpu.memory_space<vmem>> -> memref<100xi32, #tpu.memory_space<vmem>>
      %dma_wait3A_545 = arith.constant 0 : i32
      %dma_wait3A_546 = arith.constant 0 : i32
      %dma_wait3A_547 = tpu.memref_slice %arg3[%dma_wait3A_545, %dma_wait3A_546] : memref<1015808x64xf32, #tpu.memory_space<hbm>> -> memref<1015808x64xf32, #tpu.memory_space<hbm>>
      tpu.wait_indirect_dma semaphore(%arg11 : memref<!tpu.dma_semaphore, #tpu.memory_space<semaphore_mem>>) src(%dma_wait3A_547 : memref<1015808x64xf32, #tpu.memory_space<hbm>>) dst(%dma_wait3A_541 : memref<100x64xf32, #tpu.memory_space<vmem>>)
      %broadcast_in_dim3A_548 = arith.constant 0.000000e+00 : f32
      %broadcast_in_dim3A_549 = vector.broadcast %broadcast_in_dim3A_548 : f32 to vector<16xf32>
      %broadcast_in_dim3A_550 = arith.constant 0.000000e+00 : f32
      %broadcast_in_dim3A_551 = vector.broadcast %broadcast_in_dim3A_550 : f32 to vector<16xf32>
      %broadcast_in_dim3A_552 = arith.constant 0.000000e+00 : f32
      %broadcast_in_dim3A_553 = vector.broadcast %broadcast_in_dim3A_552 : f32 to vector<16xf32>
      %broadcast_in_dim3A_554 = arith.constant 0.000000e+00 : f32
      %broadcast_in_dim3A_555 = vector.broadcast %broadcast_in_dim3A_554 : f32 to vector<16xf32>
      %scan3A_556 = arith.constant 0 : i32
      %scan3A_557 = arith.constant 50 : i32
      %scan3A_558 = arith.addi %scan3A_556, %scan3A_557 : i32
      %scan3A_559 = arith.constant 2 : i32
      %scan3A_560:4 = scf.for %scan3A_1255 = %scan3A_556 to %scan3A_558 step %scan3A_559 iter_args(%scan3A_1256 = %broadcast_in_dim3A_549, %scan3A_1257 = %broadcast_in_dim3A_551, %scan3A_1258 = %broadcast_in_dim3A_553, %scan3A_1259 = %broadcast_in_dim3A_555) -> (vector<16xf32>, vector<16xf32>, vector<16xf32>, vector<16xf32>)  : i32 {
        %add3A_1260 = arith.constant 0 : i32
        %add3A_1261 = arith.addi %add3A_1260, %scan3A_1255 : i32
        %get3A = arith.constant 3 : i32
        %get3A_1262 = arith.index_cast %get3A : i32 to index
        %get3A_1263 = arith.index_cast %add3A_1261 : i32 to index
        %get3A_1264 = arith.constant 0 : index
        %get3A_1265 = tpu.vector_load %arg6[%get3A_1262, %get3A_1263, %get3A_1264] {strides = array<i32>} : memref<8x100x64xf32, #tpu.memory_space<vmem>>, vector<1x1x16xf32>,
        %get3A_1266 = vector.shape_cast %get3A_1265 : vector<1x1x16xf32> to vector<16xf32>
        %add3A_1267 = arith.addf %scan3A_1256, %get3A_1266 : vector<16xf32>
        %add3A_1268 = arith.constant 0 : i32
        %add3A_1269 = arith.addi %add3A_1268, %scan3A_1255 : i32
        %get3A_1270 = arith.constant 3 : i32
        %get3A_1271 = arith.index_cast %get3A_1270 : i32 to index
        %get3A_1272 = arith.index_cast %add3A_1269 : i32 to index
        %get3A_1273 = arith.constant 16 : index
        %get3A_1274 = tpu.vector_load %arg6[%get3A_1271, %get3A_1272, %get3A_1273] {strides = array<i32>} : memref<8x100x64xf32, #tpu.memory_space<vmem>>, vector<1x1x16xf32>,
        %get3A_1275 = vector.shape_cast %get3A_1274 : vector<1x1x16xf32> to vector<16xf32>
        %add3A_1276 = arith.addf %scan3A_1257, %get3A_1275 : vector<16xf32>
        %add3A_1277 = arith.constant 0 : i32
        %add3A_1278 = arith.addi %add3A_1277, %scan3A_1255 : i32
        %get3A_1279 = arith.constant 3 : i32
        %get3A_1280 = arith.index_cast %get3A_1279 : i32 to index
        %get3A_1281 = arith.index_cast %add3A_1278 : i32 to index
        %get3A_1282 = arith.constant 32 : index
        %get3A_1283 = tpu.vector_load %arg6[%get3A_1280, %get3A_1281, %get3A_1282] {strides = array<i32>} : memref<8x100x64xf32, #tpu.memory_space<vmem>>, vector<1x1x16xf32>,
        %get3A_1284 = vector.shape_cast %get3A_1283 : vector<1x1x16xf32> to vector<16xf32>
        %add3A_1285 = arith.addf %scan3A_1258, %get3A_1284 : vector<16xf32>
        %add3A_1286 = arith.constant 0 : i32
        %add3A_1287 = arith.addi %add3A_1286, %scan3A_1255 : i32
        %get3A_1288 = arith.constant 3 : i32
        %get3A_1289 = arith.index_cast %get3A_1288 : i32 to index
        %get3A_1290 = arith.index_cast %add3A_1287 : i32 to index
        %get3A_1291 = arith.constant 48 : index
        %get3A_1292 = tpu.vector_load %arg6[%get3A_1289, %get3A_1290, %get3A_1291] {strides = array<i32>} : memref<8x100x64xf32, #tpu.memory_space<vmem>>, vector<1x1x16xf32>,
        %get3A_1293 = vector.shape_cast %get3A_1292 : vector<1x1x16xf32> to vector<16xf32>
        %add3A_1294 = arith.addf %scan3A_1259, %get3A_1293 : vector<16xf32>
        %scan3A_1295 = arith.constant 1 : i32
        %scan3A_1296 = arith.addi %scan3A_1255, %scan3A_1295 : i32
        %add3A_1297 = arith.constant 0 : i32
        %add3A_1298 = arith.addi %add3A_1297, %scan3A_1296 : i32
        %get3A_1299 = arith.constant 3 : i32
        %get3A_1300 = arith.index_cast %get3A_1299 : i32 to index
        %get3A_1301 = arith.index_cast %add3A_1298 : i32 to index
        %get3A_1302 = arith.constant 0 : index
        %get3A_1303 = tpu.vector_load %arg6[%get3A_1300, %get3A_1301, %get3A_1302] {strides = array<i32>} : memref<8x100x64xf32, #tpu.memory_space<vmem>>, vector<1x1x16xf32>,
        %get3A_1304 = vector.shape_cast %get3A_1303 : vector<1x1x16xf32> to vector<16xf32>
        %add3A_1305 = arith.addf %add3A_1267, %get3A_1304 : vector<16xf32>
        %add3A_1306 = arith.constant 0 : i32
        %add3A_1307 = arith.addi %add3A_1306, %scan3A_1296 : i32
        %get3A_1308 = arith.constant 3 : i32
        %get3A_1309 = arith.index_cast %get3A_1308 : i32 to index
        %get3A_1310 = arith.index_cast %add3A_1307 : i32 to index
        %get3A_1311 = arith.constant 16 : index
        %get3A_1312 = tpu.vector_load %arg6[%get3A_1309, %get3A_1310, %get3A_1311] {strides = array<i32>} : memref<8x100x64xf32, #tpu.memory_space<vmem>>, vector<1x1x16xf32>,
        %get3A_1313 = vector.shape_cast %get3A_1312 : vector<1x1x16xf32> to vector<16xf32>
        %add3A_1314 = arith.addf %add3A_1276, %get3A_1313 : vector<16xf32>
        %add3A_1315 = arith.constant 0 : i32
        %add3A_1316 = arith.addi %add3A_1315, %scan3A_1296 : i32
        %get3A_1317 = arith.constant 3 : i32
        %get3A_1318 = arith.index_cast %get3A_1317 : i32 to index
        %get3A_1319 = arith.index_cast %add3A_1316 : i32 to index
        %get3A_1320 = arith.constant 32 : index
        %get3A_1321 = tpu.vector_load %arg6[%get3A_1318, %get3A_1319, %get3A_1320] {strides = array<i32>} : memref<8x100x64xf32, #tpu.memory_space<vmem>>, vector<1x1x16xf32>,
        %get3A_1322 = vector.shape_cast %get3A_1321 : vector<1x1x16xf32> to vector<16xf32>
        %add3A_1323 = arith.addf %add3A_1285, %get3A_1322 : vector<16xf32>
        %add3A_1324 = arith.constant 0 : i32
        %add3A_1325 = arith.addi %add3A_1324, %scan3A_1296 : i32
        %get3A_1326 = arith.constant 3 : i32
        %get3A_1327 = arith.index_cast %get3A_1326 : i32 to index
        %get3A_1328 = arith.index_cast %add3A_1325 : i32 to index
        %get3A_1329 = arith.constant 48 : index
        %get3A_1330 = tpu.vector_load %arg6[%get3A_1327, %get3A_1328, %get3A_1329] {strides = array<i32>} : memref<8x100x64xf32, #tpu.memory_space<vmem>>, vector<1x1x16xf32>,
        %get3A_1331 = vector.shape_cast %get3A_1330 : vector<1x1x16xf32> to vector<16xf32>
        %add3A_1332 = arith.addf %add3A_1294, %get3A_1331 : vector<16xf32>
        scf.yield %add3A_1305, %add3A_1314, %add3A_1323, %add3A_1332 : vector<16xf32>, vector<16xf32>, vector<16xf32>, vector<16xf32>
      }
      %scan3A_561 = arith.constant 50 : i32
      %mul3A_562 = arith.constant 2.000000e-02 : f32
      %mul3A_563 = vector.broadcast %mul3A_562 : f32 to vector<16xf32>
      %mul3A_564 = arith.mulf %scan3A_560#0, %mul3A_563 : vector<16xf32>
      %mul3A_565 = arith.constant 2 : i32
      %mul3A_566 = arith.muli %add3A_536, %mul3A_565 : i32
      %add3A_567 = arith.constant 0 : i32
      %add3A_568 = arith.addi %mul3A_566, %add3A_567 : i32
      %swap3A_569 = arith.index_cast %add3A_568 : i32 to index
      %swap3A_570 = arith.constant 0 : index
      %swap3A_571 = tpu.vector_load %arg7[%swap3A_569, %swap3A_570] {strides = array<i32>} : memref<512x64xf32, #tpu.memory_space<vmem>>, vector<1x16xf32>,
      %swap3A_572 = vector.shape_cast %swap3A_571 : vector<1x16xf32> to vector<16xf32>
      %swap3A_573 = vector.shape_cast %mul3A_564 : vector<16xf32> to vector<1x16xf32>
      tpu.vector_store %arg7[%swap3A_569, %swap3A_570], %swap3A_573 {strides = array<i32>} : memref<512x64xf32, #tpu.memory_space<vmem>>, vector<1x16xf32>,
      %mul3A_574 = arith.constant 2.000000e-02 : f32
      %mul3A_575 = vector.broadcast %mul3A_574 : f32 to vector<16xf32>
      %mul3A_576 = arith.mulf %scan3A_560#1, %mul3A_575 : vector<16xf32>
      %mul3A_577 = arith.constant 2 : i32
      %mul3A_578 = arith.muli %add3A_536, %mul3A_577 : i32
      %add3A_579 = arith.constant 0 : i32
      %add3A_580 = arith.addi %mul3A_578, %add3A_579 : i32
      %swap3A_581 = arith.index_cast %add3A_580 : i32 to index
      %swap3A_582 = arith.constant 16 : index
      %swap3A_583 = tpu.vector_load %arg7[%swap3A_581, %swap3A_582] {strides = array<i32>} : memref<512x64xf32, #tpu.memory_space<vmem>>, vector<1x16xf32>,
      %swap3A_584 = vector.shape_cast %swap3A_583 : vector<1x16xf32> to vector<16xf32>
      %swap3A_585 = vector.shape_cast %mul3A_576 : vector<16xf32> to vector<1x16xf32>
      tpu.vector_store %arg7[%swap3A_581, %swap3A_582], %swap3A_585 {strides = array<i32>} : memref<512x64xf32, #tpu.memory_space<vmem>>, vector<1x16xf32>,
      %mul3A_586 = arith.constant 2.000000e-02 : f32
      %mul3A_587 = vector.broadcast %mul3A_586 : f32 to vector<16xf32>
      %mul3A_588 = arith.mulf %scan3A_560#2, %mul3A_587 : vector<16xf32>
      %mul3A_589 = arith.constant 2 : i32
      %mul3A_590 = arith.muli %add3A_536, %mul3A_589 : i32
      %add3A_591 = arith.constant 0 : i32
      %add3A_592 = arith.addi %mul3A_590, %add3A_591 : i32
      %swap3A_593 = arith.index_cast %add3A_592 : i32 to index
      %swap3A_594 = arith.constant 32 : index
      %swap3A_595 = tpu.vector_load %arg7[%swap3A_593, %swap3A_594] {strides = array<i32>} : memref<512x64xf32, #tpu.memory_space<vmem>>, vector<1x16xf32>,
      %swap3A_596 = vector.shape_cast %swap3A_595 : vector<1x16xf32> to vector<16xf32>
      %swap3A_597 = vector.shape_cast %mul3A_588 : vector<16xf32> to vector<1x16xf32>
      tpu.vector_store %arg7[%swap3A_593, %swap3A_594], %swap3A_597 {strides = array<i32>} : memref<512x64xf32, #tpu.memory_space<vmem>>, vector<1x16xf32>,
      %mul3A_598 = arith.constant 2.000000e-02 : f32
      %mul3A_599 = vector.broadcast %mul3A_598 : f32 to vector<16xf32>
      %mul3A_600 = arith.mulf %scan3A_560#3, %mul3A_599 : vector<16xf32>
      %mul3A_601 = arith.constant 2 : i32
      %mul3A_602 = arith.muli %add3A_536, %mul3A_601 : i32
      %add3A_603 = arith.constant 0 : i32
      %add3A_604 = arith.addi %mul3A_602, %add3A_603 : i32
      %swap3A_605 = arith.index_cast %add3A_604 : i32 to index
      %swap3A_606 = arith.constant 48 : index
      %swap3A_607 = tpu.vector_load %arg7[%swap3A_605, %swap3A_606] {strides = array<i32>} : memref<512x64xf32, #tpu.memory_space<vmem>>, vector<1x16xf32>,
      %swap3A_608 = vector.shape_cast %swap3A_607 : vector<1x16xf32> to vector<16xf32>
      %swap3A_609 = vector.shape_cast %mul3A_600 : vector<16xf32> to vector<1x16xf32>
      tpu.vector_store %arg7[%swap3A_605, %swap3A_606], %swap3A_609 {strides = array<i32>} : memref<512x64xf32, #tpu.memory_space<vmem>>, vector<1x16xf32>,
      %broadcast_in_dim3A_610 = arith.constant 0.000000e+00 : f32
      %broadcast_in_dim3A_611 = vector.broadcast %broadcast_in_dim3A_610 : f32 to vector<16xf32>
      %broadcast_in_dim3A_612 = arith.constant 0.000000e+00 : f32
      %broadcast_in_dim3A_613 = vector.broadcast %broadcast_in_dim3A_612 : f32 to vector<16xf32>
      %broadcast_in_dim3A_614 = arith.constant 0.000000e+00 : f32
      %broadcast_in_dim3A_615 = vector.broadcast %broadcast_in_dim3A_614 : f32 to vector<16xf32>
      %broadcast_in_dim3A_616 = arith.constant 0.000000e+00 : f32
      %broadcast_in_dim3A_617 = vector.broadcast %broadcast_in_dim3A_616 : f32 to vector<16xf32>
      %scan3A_618 = arith.constant 0 : i32
      %scan3A_619 = arith.constant 50 : i32
      %scan3A_620 = arith.addi %scan3A_618, %scan3A_619 : i32
      %scan3A_621 = arith.constant 2 : i32
      %scan3A_622:4 = scf.for %scan3A_1255 = %scan3A_618 to %scan3A_620 step %scan3A_621 iter_args(%scan3A_1256 = %broadcast_in_dim3A_611, %scan3A_1257 = %broadcast_in_dim3A_613, %scan3A_1258 = %broadcast_in_dim3A_615, %scan3A_1259 = %broadcast_in_dim3A_617) -> (vector<16xf32>, vector<16xf32>, vector<16xf32>, vector<16xf32>)  : i32 {
        %add3A_1260 = arith.constant 50 : i32
        %add3A_1261 = arith.addi %add3A_1260, %scan3A_1255 : i32
        %get3A = arith.constant 3 : i32
        %get3A_1262 = arith.index_cast %get3A : i32 to index
        %get3A_1263 = arith.index_cast %add3A_1261 : i32 to index
        %get3A_1264 = arith.constant 0 : index
        %get3A_1265 = tpu.vector_load %arg6[%get3A_1262, %get3A_1263, %get3A_1264] {strides = array<i32>} : memref<8x100x64xf32, #tpu.memory_space<vmem>>, vector<1x1x16xf32>,
        %get3A_1266 = vector.shape_cast %get3A_1265 : vector<1x1x16xf32> to vector<16xf32>
        %add3A_1267 = arith.addf %scan3A_1256, %get3A_1266 : vector<16xf32>
        %add3A_1268 = arith.constant 50 : i32
        %add3A_1269 = arith.addi %add3A_1268, %scan3A_1255 : i32
        %get3A_1270 = arith.constant 3 : i32
        %get3A_1271 = arith.index_cast %get3A_1270 : i32 to index
        %get3A_1272 = arith.index_cast %add3A_1269 : i32 to index
        %get3A_1273 = arith.constant 16 : index
        %get3A_1274 = tpu.vector_load %arg6[%get3A_1271, %get3A_1272, %get3A_1273] {strides = array<i32>} : memref<8x100x64xf32, #tpu.memory_space<vmem>>, vector<1x1x16xf32>,
        %get3A_1275 = vector.shape_cast %get3A_1274 : vector<1x1x16xf32> to vector<16xf32>
        %add3A_1276 = arith.addf %scan3A_1257, %get3A_1275 : vector<16xf32>
        %add3A_1277 = arith.constant 50 : i32
        %add3A_1278 = arith.addi %add3A_1277, %scan3A_1255 : i32
        %get3A_1279 = arith.constant 3 : i32
        %get3A_1280 = arith.index_cast %get3A_1279 : i32 to index
        %get3A_1281 = arith.index_cast %add3A_1278 : i32 to index
        %get3A_1282 = arith.constant 32 : index
        %get3A_1283 = tpu.vector_load %arg6[%get3A_1280, %get3A_1281, %get3A_1282] {strides = array<i32>} : memref<8x100x64xf32, #tpu.memory_space<vmem>>, vector<1x1x16xf32>,
        %get3A_1284 = vector.shape_cast %get3A_1283 : vector<1x1x16xf32> to vector<16xf32>
        %add3A_1285 = arith.addf %scan3A_1258, %get3A_1284 : vector<16xf32>
        %add3A_1286 = arith.constant 50 : i32
        %add3A_1287 = arith.addi %add3A_1286, %scan3A_1255 : i32
        %get3A_1288 = arith.constant 3 : i32
        %get3A_1289 = arith.index_cast %get3A_1288 : i32 to index
        %get3A_1290 = arith.index_cast %add3A_1287 : i32 to index
        %get3A_1291 = arith.constant 48 : index
        %get3A_1292 = tpu.vector_load %arg6[%get3A_1289, %get3A_1290, %get3A_1291] {strides = array<i32>} : memref<8x100x64xf32, #tpu.memory_space<vmem>>, vector<1x1x16xf32>,
        %get3A_1293 = vector.shape_cast %get3A_1292 : vector<1x1x16xf32> to vector<16xf32>
        %add3A_1294 = arith.addf %scan3A_1259, %get3A_1293 : vector<16xf32>
        %scan3A_1295 = arith.constant 1 : i32
        %scan3A_1296 = arith.addi %scan3A_1255, %scan3A_1295 : i32
        %add3A_1297 = arith.constant 50 : i32
        %add3A_1298 = arith.addi %add3A_1297, %scan3A_1296 : i32
        %get3A_1299 = arith.constant 3 : i32
        %get3A_1300 = arith.index_cast %get3A_1299 : i32 to index
        %get3A_1301 = arith.index_cast %add3A_1298 : i32 to index
        %get3A_1302 = arith.constant 0 : index
        %get3A_1303 = tpu.vector_load %arg6[%get3A_1300, %get3A_1301, %get3A_1302] {strides = array<i32>} : memref<8x100x64xf32, #tpu.memory_space<vmem>>, vector<1x1x16xf32>,
        %get3A_1304 = vector.shape_cast %get3A_1303 : vector<1x1x16xf32> to vector<16xf32>
        %add3A_1305 = arith.addf %add3A_1267, %get3A_1304 : vector<16xf32>
        %add3A_1306 = arith.constant 50 : i32
        %add3A_1307 = arith.addi %add3A_1306, %scan3A_1296 : i32
        %get3A_1308 = arith.constant 3 : i32
        %get3A_1309 = arith.index_cast %get3A_1308 : i32 to index
        %get3A_1310 = arith.index_cast %add3A_1307 : i32 to index
        %get3A_1311 = arith.constant 16 : index
        %get3A_1312 = tpu.vector_load %arg6[%get3A_1309, %get3A_1310, %get3A_1311] {strides = array<i32>} : memref<8x100x64xf32, #tpu.memory_space<vmem>>, vector<1x1x16xf32>,
        %get3A_1313 = vector.shape_cast %get3A_1312 : vector<1x1x16xf32> to vector<16xf32>
        %add3A_1314 = arith.addf %add3A_1276, %get3A_1313 : vector<16xf32>
        %add3A_1315 = arith.constant 50 : i32
        %add3A_1316 = arith.addi %add3A_1315, %scan3A_1296 : i32
        %get3A_1317 = arith.constant 3 : i32
        %get3A_1318 = arith.index_cast %get3A_1317 : i32 to index
        %get3A_1319 = arith.index_cast %add3A_1316 : i32 to index
        %get3A_1320 = arith.constant 32 : index
        %get3A_1321 = tpu.vector_load %arg6[%get3A_1318, %get3A_1319, %get3A_1320] {strides = array<i32>} : memref<8x100x64xf32, #tpu.memory_space<vmem>>, vector<1x1x16xf32>,
        %get3A_1322 = vector.shape_cast %get3A_1321 : vector<1x1x16xf32> to vector<16xf32>
        %add3A_1323 = arith.addf %add3A_1285, %get3A_1322 : vector<16xf32>
        %add3A_1324 = arith.constant 50 : i32
        %add3A_1325 = arith.addi %add3A_1324, %scan3A_1296 : i32
        %get3A_1326 = arith.constant 3 : i32
        %get3A_1327 = arith.index_cast %get3A_1326 : i32 to index
        %get3A_1328 = arith.index_cast %add3A_1325 : i32 to index
        %get3A_1329 = arith.constant 48 : index
        %get3A_1330 = tpu.vector_load %arg6[%get3A_1327, %get3A_1328, %get3A_1329] {strides = array<i32>} : memref<8x100x64xf32, #tpu.memory_space<vmem>>, vector<1x1x16xf32>,
        %get3A_1331 = vector.shape_cast %get3A_1330 : vector<1x1x16xf32> to vector<16xf32>
        %add3A_1332 = arith.addf %add3A_1294, %get3A_1331 : vector<16xf32>
        scf.yield %add3A_1305, %add3A_1314, %add3A_1323, %add3A_1332 : vector<16xf32>, vector<16xf32>, vector<16xf32>, vector<16xf32>
      }
      %scan3A_623 = arith.constant 50 : i32
      %mul3A_624 = arith.constant 2.000000e-02 : f32
      %mul3A_625 = vector.broadcast %mul3A_624 : f32 to vector<16xf32>
      %mul3A_626 = arith.mulf %scan3A_622#0, %mul3A_625 : vector<16xf32>
      %mul3A_627 = arith.constant 2 : i32
      %mul3A_628 = arith.muli %add3A_536, %mul3A_627 : i32
      %add3A_629 = arith.constant 1 : i32
      %add3A_630 = arith.addi %mul3A_628, %add3A_629 : i32
      %swap3A_631 = arith.index_cast %add3A_630 : i32 to index
      %swap3A_632 = arith.constant 0 : index
      %swap3A_633 = tpu.vector_load %arg7[%swap3A_631, %swap3A_632] {strides = array<i32>} : memref<512x64xf32, #tpu.memory_space<vmem>>, vector<1x16xf32>,
      %swap3A_634 = vector.shape_cast %swap3A_633 : vector<1x16xf32> to vector<16xf32>
      %swap3A_635 = vector.shape_cast %mul3A_626 : vector<16xf32> to vector<1x16xf32>
      tpu.vector_store %arg7[%swap3A_631, %swap3A_632], %swap3A_635 {strides = array<i32>} : memref<512x64xf32, #tpu.memory_space<vmem>>, vector<1x16xf32>,
      %mul3A_636 = arith.constant 2.000000e-02 : f32
      %mul3A_637 = vector.broadcast %mul3A_636 : f32 to vector<16xf32>
      %mul3A_638 = arith.mulf %scan3A_622#1, %mul3A_637 : vector<16xf32>
      %mul3A_639 = arith.constant 2 : i32
      %mul3A_640 = arith.muli %add3A_536, %mul3A_639 : i32
      %add3A_641 = arith.constant 1 : i32
      %add3A_642 = arith.addi %mul3A_640, %add3A_641 : i32
      %swap3A_643 = arith.index_cast %add3A_642 : i32 to index
      %swap3A_644 = arith.constant 16 : index
      %swap3A_645 = tpu.vector_load %arg7[%swap3A_643, %swap3A_644] {strides = array<i32>} : memref<512x64xf32, #tpu.memory_space<vmem>>, vector<1x16xf32>,
      %swap3A_646 = vector.shape_cast %swap3A_645 : vector<1x16xf32> to vector<16xf32>
      %swap3A_647 = vector.shape_cast %mul3A_638 : vector<16xf32> to vector<1x16xf32>
      tpu.vector_store %arg7[%swap3A_643, %swap3A_644], %swap3A_647 {strides = array<i32>} : memref<512x64xf32, #tpu.memory_space<vmem>>, vector<1x16xf32>,
      %mul3A_648 = arith.constant 2.000000e-02 : f32
      %mul3A_649 = vector.broadcast %mul3A_648 : f32 to vector<16xf32>
      %mul3A_650 = arith.mulf %scan3A_622#2, %mul3A_649 : vector<16xf32>
      %mul3A_651 = arith.constant 2 : i32
      %mul3A_652 = arith.muli %add3A_536, %mul3A_651 : i32
      %add3A_653 = arith.constant 1 : i32
      %add3A_654 = arith.addi %mul3A_652, %add3A_653 : i32
      %swap3A_655 = arith.index_cast %add3A_654 : i32 to index
      %swap3A_656 = arith.constant 32 : index
      %swap3A_657 = tpu.vector_load %arg7[%swap3A_655, %swap3A_656] {strides = array<i32>} : memref<512x64xf32, #tpu.memory_space<vmem>>, vector<1x16xf32>,
      %swap3A_658 = vector.shape_cast %swap3A_657 : vector<1x16xf32> to vector<16xf32>
      %swap3A_659 = vector.shape_cast %mul3A_650 : vector<16xf32> to vector<1x16xf32>
      tpu.vector_store %arg7[%swap3A_655, %swap3A_656], %swap3A_659 {strides = array<i32>} : memref<512x64xf32, #tpu.memory_space<vmem>>, vector<1x16xf32>,
      %mul3A_660 = arith.constant 2.000000e-02 : f32
      %mul3A_661 = vector.broadcast %mul3A_660 : f32 to vector<16xf32>
      %mul3A_662 = arith.mulf %scan3A_622#3, %mul3A_661 : vector<16xf32>
      %mul3A_663 = arith.constant 2 : i32
      %mul3A_664 = arith.muli %add3A_536, %mul3A_663 : i32
      %add3A_665 = arith.constant 1 : i32
      %add3A_666 = arith.addi %mul3A_664, %add3A_665 : i32
      %swap3A_667 = arith.index_cast %add3A_666 : i32 to index
      %swap3A_668 = arith.constant 48 : index
      %swap3A_669 = tpu.vector_load %arg7[%swap3A_667, %swap3A_668] {strides = array<i32>} : memref<512x64xf32, #tpu.memory_space<vmem>>, vector<1x16xf32>,
      %swap3A_670 = vector.shape_cast %swap3A_669 : vector<1x16xf32> to vector<16xf32>
      %swap3A_671 = vector.shape_cast %mul3A_662 : vector<16xf32> to vector<1x16xf32>
      tpu.vector_store %arg7[%swap3A_667, %swap3A_668], %swap3A_671 {strides = array<i32>} : memref<512x64xf32, #tpu.memory_space<vmem>>, vector<1x16xf32>,
      %add3A_672 = arith.constant 8 : i32
      %add3A_673 = arith.addi %add3A_536, %add3A_672 : i32
      %lt3A_674 = arith.constant 256 : i32
      %lt3A_675 = arith.cmpi slt, %add3A_673, %lt3A_674 : i32
      %convert_element_type3A_676 = arith.extui %lt3A_675 : i1 to i32
      %cond3A_677 = arith.constant 0 : i32
      %cond3A_678 = arith.cmpi ne, %convert_element_type3A_676, %cond3A_677 : i32
      scf.if %cond3A_678 {
        %dma_start3A_1255 = arith.constant 3 : i32
        %dma_start3A_1256 = arith.constant 0 : i32
        %dma_start3A_1257 = arith.constant 0 : i32
        %dma_start3A_1258 = tpu.memref_slice %arg6[%dma_start3A_1255, %dma_start3A_1256, %dma_start3A_1257] : memref<8x100x64xf32, #tpu.memory_space<vmem>> -> memref<1x100x64xf32, #tpu.memory_space<vmem>>
        %dma_start3A_1259 = tpu.memref_squeeze %dma_start3A_1258 : memref<1x100x64xf32, #tpu.memory_space<vmem>> -> memref<100x64xf32, #tpu.memory_space<vmem>>
        %dma_start3A_1260 = arith.constant 0 : i32
        %dma_start3A_1261 = tpu.memref_slice %arg5[%add3A_673, %dma_start3A_1260] : memref<256x100xi32, #tpu.memory_space<vmem>> -> memref<1x100xi32, #tpu.memory_space<vmem>>
        %dma_start3A_1262 = tpu.memref_squeeze %dma_start3A_1261 : memref<1x100xi32, #tpu.memory_space<vmem>> -> memref<100xi32, #tpu.memory_space<vmem>>
        %dma_start3A_1263 = arith.constant 0 : i32
        %dma_start3A_1264 = arith.constant 0 : i32
        %dma_start3A_1265 = tpu.memref_slice %arg3[%dma_start3A_1263, %dma_start3A_1264] : memref<1015808x64xf32, #tpu.memory_space<hbm>> -> memref<1015808x64xf32, #tpu.memory_space<hbm>>
        tpu.enqueue_indirect_dma source(%dma_start3A_1265 : memref<1015808x64xf32, #tpu.memory_space<hbm>>) target(%dma_start3A_1259 : memref<100x64xf32, #tpu.memory_space<vmem>>) offsets(%dma_start3A_1262 : memref<100xi32, #tpu.memory_space<vmem>>) semaphore(%arg11 : memref<!tpu.dma_semaphore, #tpu.memory_space<semaphore_mem>>)
      } else {
      }
      %add3A_679 = arith.constant 4 : i32
      %add3A_680 = arith.addi %add3A_108, %add3A_679 : i32
      %dma_wait3A_681 = arith.constant 4 : i32
      %dma_wait3A_682 = arith.constant 0 : i32
      %dma_wait3A_683 = arith.constant 0 : i32
      %dma_wait3A_684 = tpu.memref_slice %arg6[%dma_wait3A_681, %dma_wait3A_682, %dma_wait3A_683] : memref<8x100x64xf32, #tpu.memory_space<vmem>> -> memref<1x100x64xf32, #tpu.memory_space<vmem>>
      %dma_wait3A_685 = tpu.memref_squeeze %dma_wait3A_684 : memref<1x100x64xf32, #tpu.memory_space<vmem>> -> memref<100x64xf32, #tpu.memory_space<vmem>>
      %dma_wait3A_686 = arith.constant 0 : i32
      %dma_wait3A_687 = tpu.memref_slice %arg5[%add3A_680, %dma_wait3A_686] : memref<256x100xi32, #tpu.memory_space<vmem>> -> memref<1x100xi32, #tpu.memory_space<vmem>>
      %dma_wait3A_688 = tpu.memref_squeeze %dma_wait3A_687 : memref<1x100xi32, #tpu.memory_space<vmem>> -> memref<100xi32, #tpu.memory_space<vmem>>
      %dma_wait3A_689 = arith.constant 0 : i32
      %dma_wait3A_690 = arith.constant 0 : i32
      %dma_wait3A_691 = tpu.memref_slice %arg3[%dma_wait3A_689, %dma_wait3A_690] : memref<1015808x64xf32, #tpu.memory_space<hbm>> -> memref<1015808x64xf32, #tpu.memory_space<hbm>>
      tpu.wait_indirect_dma semaphore(%arg12 : memref<!tpu.dma_semaphore, #tpu.memory_space<semaphore_mem>>) src(%dma_wait3A_691 : memref<1015808x64xf32, #tpu.memory_space<hbm>>) dst(%dma_wait3A_685 : memref<100x64xf32, #tpu.memory_space<vmem>>)
      %broadcast_in_dim3A_692 = arith.constant 0.000000e+00 : f32
      %broadcast_in_dim3A_693 = vector.broadcast %broadcast_in_dim3A_692 : f32 to vector<16xf32>
      %broadcast_in_dim3A_694 = arith.constant 0.000000e+00 : f32
      %broadcast_in_dim3A_695 = vector.broadcast %broadcast_in_dim3A_694 : f32 to vector<16xf32>
      %broadcast_in_dim3A_696 = arith.constant 0.000000e+00 : f32
      %broadcast_in_dim3A_697 = vector.broadcast %broadcast_in_dim3A_696 : f32 to vector<16xf32>
      %broadcast_in_dim3A_698 = arith.constant 0.000000e+00 : f32
      %broadcast_in_dim3A_699 = vector.broadcast %broadcast_in_dim3A_698 : f32 to vector<16xf32>
      %scan3A_700 = arith.constant 0 : i32
      %scan3A_701 = arith.constant 50 : i32
      %scan3A_702 = arith.addi %scan3A_700, %scan3A_701 : i32
      %scan3A_703 = arith.constant 2 : i32
      %scan3A_704:4 = scf.for %scan3A_1255 = %scan3A_700 to %scan3A_702 step %scan3A_703 iter_args(%scan3A_1256 = %broadcast_in_dim3A_693, %scan3A_1257 = %broadcast_in_dim3A_695, %scan3A_1258 = %broadcast_in_dim3A_697, %scan3A_1259 = %broadcast_in_dim3A_699) -> (vector<16xf32>, vector<16xf32>, vector<16xf32>, vector<16xf32>)  : i32 {
        %add3A_1260 = arith.constant 0 : i32
        %add3A_1261 = arith.addi %add3A_1260, %scan3A_1255 : i32
        %get3A = arith.constant 4 : i32
        %get3A_1262 = arith.index_cast %get3A : i32 to index
        %get3A_1263 = arith.index_cast %add3A_1261 : i32 to index
        %get3A_1264 = arith.constant 0 : index
        %get3A_1265 = tpu.vector_load %arg6[%get3A_1262, %get3A_1263, %get3A_1264] {strides = array<i32>} : memref<8x100x64xf32, #tpu.memory_space<vmem>>, vector<1x1x16xf32>,
        %get3A_1266 = vector.shape_cast %get3A_1265 : vector<1x1x16xf32> to vector<16xf32>
        %add3A_1267 = arith.addf %scan3A_1256, %get3A_1266 : vector<16xf32>
        %add3A_1268 = arith.constant 0 : i32
        %add3A_1269 = arith.addi %add3A_1268, %scan3A_1255 : i32
        %get3A_1270 = arith.constant 4 : i32
        %get3A_1271 = arith.index_cast %get3A_1270 : i32 to index
        %get3A_1272 = arith.index_cast %add3A_1269 : i32 to index
        %get3A_1273 = arith.constant 16 : index
        %get3A_1274 = tpu.vector_load %arg6[%get3A_1271, %get3A_1272, %get3A_1273] {strides = array<i32>} : memref<8x100x64xf32, #tpu.memory_space<vmem>>, vector<1x1x16xf32>,
        %get3A_1275 = vector.shape_cast %get3A_1274 : vector<1x1x16xf32> to vector<16xf32>
        %add3A_1276 = arith.addf %scan3A_1257, %get3A_1275 : vector<16xf32>
        %add3A_1277 = arith.constant 0 : i32
        %add3A_1278 = arith.addi %add3A_1277, %scan3A_1255 : i32
        %get3A_1279 = arith.constant 4 : i32
        %get3A_1280 = arith.index_cast %get3A_1279 : i32 to index
        %get3A_1281 = arith.index_cast %add3A_1278 : i32 to index
        %get3A_1282 = arith.constant 32 : index
        %get3A_1283 = tpu.vector_load %arg6[%get3A_1280, %get3A_1281, %get3A_1282] {strides = array<i32>} : memref<8x100x64xf32, #tpu.memory_space<vmem>>, vector<1x1x16xf32>,
        %get3A_1284 = vector.shape_cast %get3A_1283 : vector<1x1x16xf32> to vector<16xf32>
        %add3A_1285 = arith.addf %scan3A_1258, %get3A_1284 : vector<16xf32>
        %add3A_1286 = arith.constant 0 : i32
        %add3A_1287 = arith.addi %add3A_1286, %scan3A_1255 : i32
        %get3A_1288 = arith.constant 4 : i32
        %get3A_1289 = arith.index_cast %get3A_1288 : i32 to index
        %get3A_1290 = arith.index_cast %add3A_1287 : i32 to index
        %get3A_1291 = arith.constant 48 : index
        %get3A_1292 = tpu.vector_load %arg6[%get3A_1289, %get3A_1290, %get3A_1291] {strides = array<i32>} : memref<8x100x64xf32, #tpu.memory_space<vmem>>, vector<1x1x16xf32>,
        %get3A_1293 = vector.shape_cast %get3A_1292 : vector<1x1x16xf32> to vector<16xf32>
        %add3A_1294 = arith.addf %scan3A_1259, %get3A_1293 : vector<16xf32>
        %scan3A_1295 = arith.constant 1 : i32
        %scan3A_1296 = arith.addi %scan3A_1255, %scan3A_1295 : i32
        %add3A_1297 = arith.constant 0 : i32
        %add3A_1298 = arith.addi %add3A_1297, %scan3A_1296 : i32
        %get3A_1299 = arith.constant 4 : i32
        %get3A_1300 = arith.index_cast %get3A_1299 : i32 to index
        %get3A_1301 = arith.index_cast %add3A_1298 : i32 to index
        %get3A_1302 = arith.constant 0 : index
        %get3A_1303 = tpu.vector_load %arg6[%get3A_1300, %get3A_1301, %get3A_1302] {strides = array<i32>} : memref<8x100x64xf32, #tpu.memory_space<vmem>>, vector<1x1x16xf32>,
        %get3A_1304 = vector.shape_cast %get3A_1303 : vector<1x1x16xf32> to vector<16xf32>
        %add3A_1305 = arith.addf %add3A_1267, %get3A_1304 : vector<16xf32>
        %add3A_1306 = arith.constant 0 : i32
        %add3A_1307 = arith.addi %add3A_1306, %scan3A_1296 : i32
        %get3A_1308 = arith.constant 4 : i32
        %get3A_1309 = arith.index_cast %get3A_1308 : i32 to index
        %get3A_1310 = arith.index_cast %add3A_1307 : i32 to index
        %get3A_1311 = arith.constant 16 : index
        %get3A_1312 = tpu.vector_load %arg6[%get3A_1309, %get3A_1310, %get3A_1311] {strides = array<i32>} : memref<8x100x64xf32, #tpu.memory_space<vmem>>, vector<1x1x16xf32>,
        %get3A_1313 = vector.shape_cast %get3A_1312 : vector<1x1x16xf32> to vector<16xf32>
        %add3A_1314 = arith.addf %add3A_1276, %get3A_1313 : vector<16xf32>
        %add3A_1315 = arith.constant 0 : i32
        %add3A_1316 = arith.addi %add3A_1315, %scan3A_1296 : i32
        %get3A_1317 = arith.constant 4 : i32
        %get3A_1318 = arith.index_cast %get3A_1317 : i32 to index
        %get3A_1319 = arith.index_cast %add3A_1316 : i32 to index
        %get3A_1320 = arith.constant 32 : index
        %get3A_1321 = tpu.vector_load %arg6[%get3A_1318, %get3A_1319, %get3A_1320] {strides = array<i32>} : memref<8x100x64xf32, #tpu.memory_space<vmem>>, vector<1x1x16xf32>,
        %get3A_1322 = vector.shape_cast %get3A_1321 : vector<1x1x16xf32> to vector<16xf32>
        %add3A_1323 = arith.addf %add3A_1285, %get3A_1322 : vector<16xf32>
        %add3A_1324 = arith.constant 0 : i32
        %add3A_1325 = arith.addi %add3A_1324, %scan3A_1296 : i32
        %get3A_1326 = arith.constant 4 : i32
        %get3A_1327 = arith.index_cast %get3A_1326 : i32 to index
        %get3A_1328 = arith.index_cast %add3A_1325 : i32 to index
        %get3A_1329 = arith.constant 48 : index
        %get3A_1330 = tpu.vector_load %arg6[%get3A_1327, %get3A_1328, %get3A_1329] {strides = array<i32>} : memref<8x100x64xf32, #tpu.memory_space<vmem>>, vector<1x1x16xf32>,
        %get3A_1331 = vector.shape_cast %get3A_1330 : vector<1x1x16xf32> to vector<16xf32>
        %add3A_1332 = arith.addf %add3A_1294, %get3A_1331 : vector<16xf32>
        scf.yield %add3A_1305, %add3A_1314, %add3A_1323, %add3A_1332 : vector<16xf32>, vector<16xf32>, vector<16xf32>, vector<16xf32>
      }
      %scan3A_705 = arith.constant 50 : i32
      %mul3A_706 = arith.constant 2.000000e-02 : f32
      %mul3A_707 = vector.broadcast %mul3A_706 : f32 to vector<16xf32>
      %mul3A_708 = arith.mulf %scan3A_704#0, %mul3A_707 : vector<16xf32>
      %mul3A_709 = arith.constant 2 : i32
      %mul3A_710 = arith.muli %add3A_680, %mul3A_709 : i32
      %add3A_711 = arith.constant 0 : i32
      %add3A_712 = arith.addi %mul3A_710, %add3A_711 : i32
      %swap3A_713 = arith.index_cast %add3A_712 : i32 to index
      %swap3A_714 = arith.constant 0 : index
      %swap3A_715 = tpu.vector_load %arg7[%swap3A_713, %swap3A_714] {strides = array<i32>} : memref<512x64xf32, #tpu.memory_space<vmem>>, vector<1x16xf32>,
      %swap3A_716 = vector.shape_cast %swap3A_715 : vector<1x16xf32> to vector<16xf32>
      %swap3A_717 = vector.shape_cast %mul3A_708 : vector<16xf32> to vector<1x16xf32>
      tpu.vector_store %arg7[%swap3A_713, %swap3A_714], %swap3A_717 {strides = array<i32>} : memref<512x64xf32, #tpu.memory_space<vmem>>, vector<1x16xf32>,
      %mul3A_718 = arith.constant 2.000000e-02 : f32
      %mul3A_719 = vector.broadcast %mul3A_718 : f32 to vector<16xf32>
      %mul3A_720 = arith.mulf %scan3A_704#1, %mul3A_719 : vector<16xf32>
      %mul3A_721 = arith.constant 2 : i32
      %mul3A_722 = arith.muli %add3A_680, %mul3A_721 : i32
      %add3A_723 = arith.constant 0 : i32
      %add3A_724 = arith.addi %mul3A_722, %add3A_723 : i32
      %swap3A_725 = arith.index_cast %add3A_724 : i32 to index
      %swap3A_726 = arith.constant 16 : index
      %swap3A_727 = tpu.vector_load %arg7[%swap3A_725, %swap3A_726] {strides = array<i32>} : memref<512x64xf32, #tpu.memory_space<vmem>>, vector<1x16xf32>,
      %swap3A_728 = vector.shape_cast %swap3A_727 : vector<1x16xf32> to vector<16xf32>
      %swap3A_729 = vector.shape_cast %mul3A_720 : vector<16xf32> to vector<1x16xf32>
      tpu.vector_store %arg7[%swap3A_725, %swap3A_726], %swap3A_729 {strides = array<i32>} : memref<512x64xf32, #tpu.memory_space<vmem>>, vector<1x16xf32>,
      %mul3A_730 = arith.constant 2.000000e-02 : f32
      %mul3A_731 = vector.broadcast %mul3A_730 : f32 to vector<16xf32>
      %mul3A_732 = arith.mulf %scan3A_704#2, %mul3A_731 : vector<16xf32>
      %mul3A_733 = arith.constant 2 : i32
      %mul3A_734 = arith.muli %add3A_680, %mul3A_733 : i32
      %add3A_735 = arith.constant 0 : i32
      %add3A_736 = arith.addi %mul3A_734, %add3A_735 : i32
      %swap3A_737 = arith.index_cast %add3A_736 : i32 to index
      %swap3A_738 = arith.constant 32 : index
      %swap3A_739 = tpu.vector_load %arg7[%swap3A_737, %swap3A_738] {strides = array<i32>} : memref<512x64xf32, #tpu.memory_space<vmem>>, vector<1x16xf32>,
      %swap3A_740 = vector.shape_cast %swap3A_739 : vector<1x16xf32> to vector<16xf32>
      %swap3A_741 = vector.shape_cast %mul3A_732 : vector<16xf32> to vector<1x16xf32>
      tpu.vector_store %arg7[%swap3A_737, %swap3A_738], %swap3A_741 {strides = array<i32>} : memref<512x64xf32, #tpu.memory_space<vmem>>, vector<1x16xf32>,
      %mul3A_742 = arith.constant 2.000000e-02 : f32
      %mul3A_743 = vector.broadcast %mul3A_742 : f32 to vector<16xf32>
      %mul3A_744 = arith.mulf %scan3A_704#3, %mul3A_743 : vector<16xf32>
      %mul3A_745 = arith.constant 2 : i32
      %mul3A_746 = arith.muli %add3A_680, %mul3A_745 : i32
      %add3A_747 = arith.constant 0 : i32
      %add3A_748 = arith.addi %mul3A_746, %add3A_747 : i32
      %swap3A_749 = arith.index_cast %add3A_748 : i32 to index
      %swap3A_750 = arith.constant 48 : index
      %swap3A_751 = tpu.vector_load %arg7[%swap3A_749, %swap3A_750] {strides = array<i32>} : memref<512x64xf32, #tpu.memory_space<vmem>>, vector<1x16xf32>,
      %swap3A_752 = vector.shape_cast %swap3A_751 : vector<1x16xf32> to vector<16xf32>
      %swap3A_753 = vector.shape_cast %mul3A_744 : vector<16xf32> to vector<1x16xf32>
      tpu.vector_store %arg7[%swap3A_749, %swap3A_750], %swap3A_753 {strides = array<i32>} : memref<512x64xf32, #tpu.memory_space<vmem>>, vector<1x16xf32>,
      %broadcast_in_dim3A_754 = arith.constant 0.000000e+00 : f32
      %broadcast_in_dim3A_755 = vector.broadcast %broadcast_in_dim3A_754 : f32 to vector<16xf32>
      %broadcast_in_dim3A_756 = arith.constant 0.000000e+00 : f32
      %broadcast_in_dim3A_757 = vector.broadcast %broadcast_in_dim3A_756 : f32 to vector<16xf32>
      %broadcast_in_dim3A_758 = arith.constant 0.000000e+00 : f32
      %broadcast_in_dim3A_759 = vector.broadcast %broadcast_in_dim3A_758 : f32 to vector<16xf32>
      %broadcast_in_dim3A_760 = arith.constant 0.000000e+00 : f32
      %broadcast_in_dim3A_761 = vector.broadcast %broadcast_in_dim3A_760 : f32 to vector<16xf32>
      %scan3A_762 = arith.constant 0 : i32
      %scan3A_763 = arith.constant 50 : i32
      %scan3A_764 = arith.addi %scan3A_762, %scan3A_763 : i32
      %scan3A_765 = arith.constant 2 : i32
      %scan3A_766:4 = scf.for %scan3A_1255 = %scan3A_762 to %scan3A_764 step %scan3A_765 iter_args(%scan3A_1256 = %broadcast_in_dim3A_755, %scan3A_1257 = %broadcast_in_dim3A_757, %scan3A_1258 = %broadcast_in_dim3A_759, %scan3A_1259 = %broadcast_in_dim3A_761) -> (vector<16xf32>, vector<16xf32>, vector<16xf32>, vector<16xf32>)  : i32 {
        %add3A_1260 = arith.constant 50 : i32
        %add3A_1261 = arith.addi %add3A_1260, %scan3A_1255 : i32
        %get3A = arith.constant 4 : i32
        %get3A_1262 = arith.index_cast %get3A : i32 to index
        %get3A_1263 = arith.index_cast %add3A_1261 : i32 to index
        %get3A_1264 = arith.constant 0 : index
        %get3A_1265 = tpu.vector_load %arg6[%get3A_1262, %get3A_1263, %get3A_1264] {strides = array<i32>} : memref<8x100x64xf32, #tpu.memory_space<vmem>>, vector<1x1x16xf32>,
        %get3A_1266 = vector.shape_cast %get3A_1265 : vector<1x1x16xf32> to vector<16xf32>
        %add3A_1267 = arith.addf %scan3A_1256, %get3A_1266 : vector<16xf32>
        %add3A_1268 = arith.constant 50 : i32
        %add3A_1269 = arith.addi %add3A_1268, %scan3A_1255 : i32
        %get3A_1270 = arith.constant 4 : i32
        %get3A_1271 = arith.index_cast %get3A_1270 : i32 to index
        %get3A_1272 = arith.index_cast %add3A_1269 : i32 to index
        %get3A_1273 = arith.constant 16 : index
        %get3A_1274 = tpu.vector_load %arg6[%get3A_1271, %get3A_1272, %get3A_1273] {strides = array<i32>} : memref<8x100x64xf32, #tpu.memory_space<vmem>>, vector<1x1x16xf32>,
        %get3A_1275 = vector.shape_cast %get3A_1274 : vector<1x1x16xf32> to vector<16xf32>
        %add3A_1276 = arith.addf %scan3A_1257, %get3A_1275 : vector<16xf32>
        %add3A_1277 = arith.constant 50 : i32
        %add3A_1278 = arith.addi %add3A_1277, %scan3A_1255 : i32
        %get3A_1279 = arith.constant 4 : i32
        %get3A_1280 = arith.index_cast %get3A_1279 : i32 to index
        %get3A_1281 = arith.index_cast %add3A_1278 : i32 to index
        %get3A_1282 = arith.constant 32 : index
        %get3A_1283 = tpu.vector_load %arg6[%get3A_1280, %get3A_1281, %get3A_1282] {strides = array<i32>} : memref<8x100x64xf32, #tpu.memory_space<vmem>>, vector<1x1x16xf32>,
        %get3A_1284 = vector.shape_cast %get3A_1283 : vector<1x1x16xf32> to vector<16xf32>
        %add3A_1285 = arith.addf %scan3A_1258, %get3A_1284 : vector<16xf32>
        %add3A_1286 = arith.constant 50 : i32
        %add3A_1287 = arith.addi %add3A_1286, %scan3A_1255 : i32
        %get3A_1288 = arith.constant 4 : i32
        %get3A_1289 = arith.index_cast %get3A_1288 : i32 to index
        %get3A_1290 = arith.index_cast %add3A_1287 : i32 to index
        %get3A_1291 = arith.constant 48 : index
        %get3A_1292 = tpu.vector_load %arg6[%get3A_1289, %get3A_1290, %get3A_1291] {strides = array<i32>} : memref<8x100x64xf32, #tpu.memory_space<vmem>>, vector<1x1x16xf32>,
        %get3A_1293 = vector.shape_cast %get3A_1292 : vector<1x1x16xf32> to vector<16xf32>
        %add3A_1294 = arith.addf %scan3A_1259, %get3A_1293 : vector<16xf32>
        %scan3A_1295 = arith.constant 1 : i32
        %scan3A_1296 = arith.addi %scan3A_1255, %scan3A_1295 : i32
        %add3A_1297 = arith.constant 50 : i32
        %add3A_1298 = arith.addi %add3A_1297, %scan3A_1296 : i32
        %get3A_1299 = arith.constant 4 : i32
        %get3A_1300 = arith.index_cast %get3A_1299 : i32 to index
        %get3A_1301 = arith.index_cast %add3A_1298 : i32 to index
        %get3A_1302 = arith.constant 0 : index
        %get3A_1303 = tpu.vector_load %arg6[%get3A_1300, %get3A_1301, %get3A_1302] {strides = array<i32>} : memref<8x100x64xf32, #tpu.memory_space<vmem>>, vector<1x1x16xf32>,
        %get3A_1304 = vector.shape_cast %get3A_1303 : vector<1x1x16xf32> to vector<16xf32>
        %add3A_1305 = arith.addf %add3A_1267, %get3A_1304 : vector<16xf32>
        %add3A_1306 = arith.constant 50 : i32
        %add3A_1307 = arith.addi %add3A_1306, %scan3A_1296 : i32
        %get3A_1308 = arith.constant 4 : i32
        %get3A_1309 = arith.index_cast %get3A_1308 : i32 to index
        %get3A_1310 = arith.index_cast %add3A_1307 : i32 to index
        %get3A_1311 = arith.constant 16 : index
        %get3A_1312 = tpu.vector_load %arg6[%get3A_1309, %get3A_1310, %get3A_1311] {strides = array<i32>} : memref<8x100x64xf32, #tpu.memory_space<vmem>>, vector<1x1x16xf32>,
        %get3A_1313 = vector.shape_cast %get3A_1312 : vector<1x1x16xf32> to vector<16xf32>
        %add3A_1314 = arith.addf %add3A_1276, %get3A_1313 : vector<16xf32>
        %add3A_1315 = arith.constant 50 : i32
        %add3A_1316 = arith.addi %add3A_1315, %scan3A_1296 : i32
        %get3A_1317 = arith.constant 4 : i32
        %get3A_1318 = arith.index_cast %get3A_1317 : i32 to index
        %get3A_1319 = arith.index_cast %add3A_1316 : i32 to index
        %get3A_1320 = arith.constant 32 : index
        %get3A_1321 = tpu.vector_load %arg6[%get3A_1318, %get3A_1319, %get3A_1320] {strides = array<i32>} : memref<8x100x64xf32, #tpu.memory_space<vmem>>, vector<1x1x16xf32>,
        %get3A_1322 = vector.shape_cast %get3A_1321 : vector<1x1x16xf32> to vector<16xf32>
        %add3A_1323 = arith.addf %add3A_1285, %get3A_1322 : vector<16xf32>
        %add3A_1324 = arith.constant 50 : i32
        %add3A_1325 = arith.addi %add3A_1324, %scan3A_1296 : i32
        %get3A_1326 = arith.constant 4 : i32
        %get3A_1327 = arith.index_cast %get3A_1326 : i32 to index
        %get3A_1328 = arith.index_cast %add3A_1325 : i32 to index
        %get3A_1329 = arith.constant 48 : index
        %get3A_1330 = tpu.vector_load %arg6[%get3A_1327, %get3A_1328, %get3A_1329] {strides = array<i32>} : memref<8x100x64xf32, #tpu.memory_space<vmem>>, vector<1x1x16xf32>,
        %get3A_1331 = vector.shape_cast %get3A_1330 : vector<1x1x16xf32> to vector<16xf32>
        %add3A_1332 = arith.addf %add3A_1294, %get3A_1331 : vector<16xf32>
        scf.yield %add3A_1305, %add3A_1314, %add3A_1323, %add3A_1332 : vector<16xf32>, vector<16xf32>, vector<16xf32>, vector<16xf32>
      }
      %scan3A_767 = arith.constant 50 : i32
      %mul3A_768 = arith.constant 2.000000e-02 : f32
      %mul3A_769 = vector.broadcast %mul3A_768 : f32 to vector<16xf32>
      %mul3A_770 = arith.mulf %scan3A_766#0, %mul3A_769 : vector<16xf32>
      %mul3A_771 = arith.constant 2 : i32
      %mul3A_772 = arith.muli %add3A_680, %mul3A_771 : i32
      %add3A_773 = arith.constant 1 : i32
      %add3A_774 = arith.addi %mul3A_772, %add3A_773 : i32
      %swap3A_775 = arith.index_cast %add3A_774 : i32 to index
      %swap3A_776 = arith.constant 0 : index
      %swap3A_777 = tpu.vector_load %arg7[%swap3A_775, %swap3A_776] {strides = array<i32>} : memref<512x64xf32, #tpu.memory_space<vmem>>, vector<1x16xf32>,
      %swap3A_778 = vector.shape_cast %swap3A_777 : vector<1x16xf32> to vector<16xf32>
      %swap3A_779 = vector.shape_cast %mul3A_770 : vector<16xf32> to vector<1x16xf32>
      tpu.vector_store %arg7[%swap3A_775, %swap3A_776], %swap3A_779 {strides = array<i32>} : memref<512x64xf32, #tpu.memory_space<vmem>>, vector<1x16xf32>,
      %mul3A_780 = arith.constant 2.000000e-02 : f32
      %mul3A_781 = vector.broadcast %mul3A_780 : f32 to vector<16xf32>
      %mul3A_782 = arith.mulf %scan3A_766#1, %mul3A_781 : vector<16xf32>
      %mul3A_783 = arith.constant 2 : i32
      %mul3A_784 = arith.muli %add3A_680, %mul3A_783 : i32
      %add3A_785 = arith.constant 1 : i32
      %add3A_786 = arith.addi %mul3A_784, %add3A_785 : i32
      %swap3A_787 = arith.index_cast %add3A_786 : i32 to index
      %swap3A_788 = arith.constant 16 : index
      %swap3A_789 = tpu.vector_load %arg7[%swap3A_787, %swap3A_788] {strides = array<i32>} : memref<512x64xf32, #tpu.memory_space<vmem>>, vector<1x16xf32>,
      %swap3A_790 = vector.shape_cast %swap3A_789 : vector<1x16xf32> to vector<16xf32>
      %swap3A_791 = vector.shape_cast %mul3A_782 : vector<16xf32> to vector<1x16xf32>
      tpu.vector_store %arg7[%swap3A_787, %swap3A_788], %swap3A_791 {strides = array<i32>} : memref<512x64xf32, #tpu.memory_space<vmem>>, vector<1x16xf32>,
      %mul3A_792 = arith.constant 2.000000e-02 : f32
      %mul3A_793 = vector.broadcast %mul3A_792 : f32 to vector<16xf32>
      %mul3A_794 = arith.mulf %scan3A_766#2, %mul3A_793 : vector<16xf32>
      %mul3A_795 = arith.constant 2 : i32
      %mul3A_796 = arith.muli %add3A_680, %mul3A_795 : i32
      %add3A_797 = arith.constant 1 : i32
      %add3A_798 = arith.addi %mul3A_796, %add3A_797 : i32
      %swap3A_799 = arith.index_cast %add3A_798 : i32 to index
      %swap3A_800 = arith.constant 32 : index
      %swap3A_801 = tpu.vector_load %arg7[%swap3A_799, %swap3A_800] {strides = array<i32>} : memref<512x64xf32, #tpu.memory_space<vmem>>, vector<1x16xf32>,
      %swap3A_802 = vector.shape_cast %swap3A_801 : vector<1x16xf32> to vector<16xf32>
      %swap3A_803 = vector.shape_cast %mul3A_794 : vector<16xf32> to vector<1x16xf32>
      tpu.vector_store %arg7[%swap3A_799, %swap3A_800], %swap3A_803 {strides = array<i32>} : memref<512x64xf32, #tpu.memory_space<vmem>>, vector<1x16xf32>,
      %mul3A_804 = arith.constant 2.000000e-02 : f32
      %mul3A_805 = vector.broadcast %mul3A_804 : f32 to vector<16xf32>
      %mul3A_806 = arith.mulf %scan3A_766#3, %mul3A_805 : vector<16xf32>
      %mul3A_807 = arith.constant 2 : i32
      %mul3A_808 = arith.muli %add3A_680, %mul3A_807 : i32
      %add3A_809 = arith.constant 1 : i32
      %add3A_810 = arith.addi %mul3A_808, %add3A_809 : i32
      %swap3A_811 = arith.index_cast %add3A_810 : i32 to index
      %swap3A_812 = arith.constant 48 : index
      %swap3A_813 = tpu.vector_load %arg7[%swap3A_811, %swap3A_812] {strides = array<i32>} : memref<512x64xf32, #tpu.memory_space<vmem>>, vector<1x16xf32>,
      %swap3A_814 = vector.shape_cast %swap3A_813 : vector<1x16xf32> to vector<16xf32>
      %swap3A_815 = vector.shape_cast %mul3A_806 : vector<16xf32> to vector<1x16xf32>
      tpu.vector_store %arg7[%swap3A_811, %swap3A_812], %swap3A_815 {strides = array<i32>} : memref<512x64xf32, #tpu.memory_space<vmem>>, vector<1x16xf32>,
      %add3A_816 = arith.constant 8 : i32
      %add3A_817 = arith.addi %add3A_680, %add3A_816 : i32
      %lt3A_818 = arith.constant 256 : i32
      %lt3A_819 = arith.cmpi slt, %add3A_817, %lt3A_818 : i32
      %convert_element_type3A_820 = arith.extui %lt3A_819 : i1 to i32
      %cond3A_821 = arith.constant 0 : i32
      %cond3A_822 = arith.cmpi ne, %convert_element_type3A_820, %cond3A_821 : i32
      scf.if %cond3A_822 {
        %dma_start3A_1255 = arith.constant 4 : i32
        %dma_start3A_1256 = arith.constant 0 : i32
        %dma_start3A_1257 = arith.constant 0 : i32
        %dma_start3A_1258 = tpu.memref_slice %arg6[%dma_start3A_1255, %dma_start3A_1256, %dma_start3A_1257] : memref<8x100x64xf32, #tpu.memory_space<vmem>> -> memref<1x100x64xf32, #tpu.memory_space<vmem>>
        %dma_start3A_1259 = tpu.memref_squeeze %dma_start3A_1258 : memref<1x100x64xf32, #tpu.memory_space<vmem>> -> memref<100x64xf32, #tpu.memory_space<vmem>>
        %dma_start3A_1260 = arith.constant 0 : i32
        %dma_start3A_1261 = tpu.memref_slice %arg5[%add3A_817, %dma_start3A_1260] : memref<256x100xi32, #tpu.memory_space<vmem>> -> memref<1x100xi32, #tpu.memory_space<vmem>>
        %dma_start3A_1262 = tpu.memref_squeeze %dma_start3A_1261 : memref<1x100xi32, #tpu.memory_space<vmem>> -> memref<100xi32, #tpu.memory_space<vmem>>
        %dma_start3A_1263 = arith.constant 0 : i32
        %dma_start3A_1264 = arith.constant 0 : i32
        %dma_start3A_1265 = tpu.memref_slice %arg3[%dma_start3A_1263, %dma_start3A_1264] : memref<1015808x64xf32, #tpu.memory_space<hbm>> -> memref<1015808x64xf32, #tpu.memory_space<hbm>>
        tpu.enqueue_indirect_dma source(%dma_start3A_1265 : memref<1015808x64xf32, #tpu.memory_space<hbm>>) target(%dma_start3A_1259 : memref<100x64xf32, #tpu.memory_space<vmem>>) offsets(%dma_start3A_1262 : memref<100xi32, #tpu.memory_space<vmem>>) semaphore(%arg12 : memref<!tpu.dma_semaphore, #tpu.memory_space<semaphore_mem>>)
      } else {
      }
      %add3A_823 = arith.constant 5 : i32
      %add3A_824 = arith.addi %add3A_108, %add3A_823 : i32
      %dma_wait3A_825 = arith.constant 5 : i32
      %dma_wait3A_826 = arith.constant 0 : i32
      %dma_wait3A_827 = arith.constant 0 : i32
      %dma_wait3A_828 = tpu.memref_slice %arg6[%dma_wait3A_825, %dma_wait3A_826, %dma_wait3A_827] : memref<8x100x64xf32, #tpu.memory_space<vmem>> -> memref<1x100x64xf32, #tpu.memory_space<vmem>>
      %dma_wait3A_829 = tpu.memref_squeeze %dma_wait3A_828 : memref<1x100x64xf32, #tpu.memory_space<vmem>> -> memref<100x64xf32, #tpu.memory_space<vmem>>
      %dma_wait3A_830 = arith.constant 0 : i32
      %dma_wait3A_831 = tpu.memref_slice %arg5[%add3A_824, %dma_wait3A_830] : memref<256x100xi32, #tpu.memory_space<vmem>> -> memref<1x100xi32, #tpu.memory_space<vmem>>
      %dma_wait3A_832 = tpu.memref_squeeze %dma_wait3A_831 : memref<1x100xi32, #tpu.memory_space<vmem>> -> memref<100xi32, #tpu.memory_space<vmem>>
      %dma_wait3A_833 = arith.constant 0 : i32
      %dma_wait3A_834 = arith.constant 0 : i32
      %dma_wait3A_835 = tpu.memref_slice %arg3[%dma_wait3A_833, %dma_wait3A_834] : memref<1015808x64xf32, #tpu.memory_space<hbm>> -> memref<1015808x64xf32, #tpu.memory_space<hbm>>
      tpu.wait_indirect_dma semaphore(%arg13 : memref<!tpu.dma_semaphore, #tpu.memory_space<semaphore_mem>>) src(%dma_wait3A_835 : memref<1015808x64xf32, #tpu.memory_space<hbm>>) dst(%dma_wait3A_829 : memref<100x64xf32, #tpu.memory_space<vmem>>)
      %broadcast_in_dim3A_836 = arith.constant 0.000000e+00 : f32
      %broadcast_in_dim3A_837 = vector.broadcast %broadcast_in_dim3A_836 : f32 to vector<16xf32>
      %broadcast_in_dim3A_838 = arith.constant 0.000000e+00 : f32
      %broadcast_in_dim3A_839 = vector.broadcast %broadcast_in_dim3A_838 : f32 to vector<16xf32>
      %broadcast_in_dim3A_840 = arith.constant 0.000000e+00 : f32
      %broadcast_in_dim3A_841 = vector.broadcast %broadcast_in_dim3A_840 : f32 to vector<16xf32>
      %broadcast_in_dim3A_842 = arith.constant 0.000000e+00 : f32
      %broadcast_in_dim3A_843 = vector.broadcast %broadcast_in_dim3A_842 : f32 to vector<16xf32>
      %scan3A_844 = arith.constant 0 : i32
      %scan3A_845 = arith.constant 50 : i32
      %scan3A_846 = arith.addi %scan3A_844, %scan3A_845 : i32
      %scan3A_847 = arith.constant 2 : i32
      %scan3A_848:4 = scf.for %scan3A_1255 = %scan3A_844 to %scan3A_846 step %scan3A_847 iter_args(%scan3A_1256 = %broadcast_in_dim3A_837, %scan3A_1257 = %broadcast_in_dim3A_839, %scan3A_1258 = %broadcast_in_dim3A_841, %scan3A_1259 = %broadcast_in_dim3A_843) -> (vector<16xf32>, vector<16xf32>, vector<16xf32>, vector<16xf32>)  : i32 {
        %add3A_1260 = arith.constant 0 : i32
        %add3A_1261 = arith.addi %add3A_1260, %scan3A_1255 : i32
        %get3A = arith.constant 5 : i32
        %get3A_1262 = arith.index_cast %get3A : i32 to index
        %get3A_1263 = arith.index_cast %add3A_1261 : i32 to index
        %get3A_1264 = arith.constant 0 : index
        %get3A_1265 = tpu.vector_load %arg6[%get3A_1262, %get3A_1263, %get3A_1264] {strides = array<i32>} : memref<8x100x64xf32, #tpu.memory_space<vmem>>, vector<1x1x16xf32>,
        %get3A_1266 = vector.shape_cast %get3A_1265 : vector<1x1x16xf32> to vector<16xf32>
        %add3A_1267 = arith.addf %scan3A_1256, %get3A_1266 : vector<16xf32>
        %add3A_1268 = arith.constant 0 : i32
        %add3A_1269 = arith.addi %add3A_1268, %scan3A_1255 : i32
        %get3A_1270 = arith.constant 5 : i32
        %get3A_1271 = arith.index_cast %get3A_1270 : i32 to index
        %get3A_1272 = arith.index_cast %add3A_1269 : i32 to index
        %get3A_1273 = arith.constant 16 : index
        %get3A_1274 = tpu.vector_load %arg6[%get3A_1271, %get3A_1272, %get3A_1273] {strides = array<i32>} : memref<8x100x64xf32, #tpu.memory_space<vmem>>, vector<1x1x16xf32>,
        %get3A_1275 = vector.shape_cast %get3A_1274 : vector<1x1x16xf32> to vector<16xf32>
        %add3A_1276 = arith.addf %scan3A_1257, %get3A_1275 : vector<16xf32>
        %add3A_1277 = arith.constant 0 : i32
        %add3A_1278 = arith.addi %add3A_1277, %scan3A_1255 : i32
        %get3A_1279 = arith.constant 5 : i32
        %get3A_1280 = arith.index_cast %get3A_1279 : i32 to index
        %get3A_1281 = arith.index_cast %add3A_1278 : i32 to index
        %get3A_1282 = arith.constant 32 : index
        %get3A_1283 = tpu.vector_load %arg6[%get3A_1280, %get3A_1281, %get3A_1282] {strides = array<i32>} : memref<8x100x64xf32, #tpu.memory_space<vmem>>, vector<1x1x16xf32>,
        %get3A_1284 = vector.shape_cast %get3A_1283 : vector<1x1x16xf32> to vector<16xf32>
        %add3A_1285 = arith.addf %scan3A_1258, %get3A_1284 : vector<16xf32>
        %add3A_1286 = arith.constant 0 : i32
        %add3A_1287 = arith.addi %add3A_1286, %scan3A_1255 : i32
        %get3A_1288 = arith.constant 5 : i32
        %get3A_1289 = arith.index_cast %get3A_1288 : i32 to index
        %get3A_1290 = arith.index_cast %add3A_1287 : i32 to index
        %get3A_1291 = arith.constant 48 : index
        %get3A_1292 = tpu.vector_load %arg6[%get3A_1289, %get3A_1290, %get3A_1291] {strides = array<i32>} : memref<8x100x64xf32, #tpu.memory_space<vmem>>, vector<1x1x16xf32>,
        %get3A_1293 = vector.shape_cast %get3A_1292 : vector<1x1x16xf32> to vector<16xf32>
        %add3A_1294 = arith.addf %scan3A_1259, %get3A_1293 : vector<16xf32>
        %scan3A_1295 = arith.constant 1 : i32
        %scan3A_1296 = arith.addi %scan3A_1255, %scan3A_1295 : i32
        %add3A_1297 = arith.constant 0 : i32
        %add3A_1298 = arith.addi %add3A_1297, %scan3A_1296 : i32
        %get3A_1299 = arith.constant 5 : i32
        %get3A_1300 = arith.index_cast %get3A_1299 : i32 to index
        %get3A_1301 = arith.index_cast %add3A_1298 : i32 to index
        %get3A_1302 = arith.constant 0 : index
        %get3A_1303 = tpu.vector_load %arg6[%get3A_1300, %get3A_1301, %get3A_1302] {strides = array<i32>} : memref<8x100x64xf32, #tpu.memory_space<vmem>>, vector<1x1x16xf32>,
        %get3A_1304 = vector.shape_cast %get3A_1303 : vector<1x1x16xf32> to vector<16xf32>
        %add3A_1305 = arith.addf %add3A_1267, %get3A_1304 : vector<16xf32>
        %add3A_1306 = arith.constant 0 : i32
        %add3A_1307 = arith.addi %add3A_1306, %scan3A_1296 : i32
        %get3A_1308 = arith.constant 5 : i32
        %get3A_1309 = arith.index_cast %get3A_1308 : i32 to index
        %get3A_1310 = arith.index_cast %add3A_1307 : i32 to index
        %get3A_1311 = arith.constant 16 : index
        %get3A_1312 = tpu.vector_load %arg6[%get3A_1309, %get3A_1310, %get3A_1311] {strides = array<i32>} : memref<8x100x64xf32, #tpu.memory_space<vmem>>, vector<1x1x16xf32>,
        %get3A_1313 = vector.shape_cast %get3A_1312 : vector<1x1x16xf32> to vector<16xf32>
        %add3A_1314 = arith.addf %add3A_1276, %get3A_1313 : vector<16xf32>
        %add3A_1315 = arith.constant 0 : i32
        %add3A_1316 = arith.addi %add3A_1315, %scan3A_1296 : i32
        %get3A_1317 = arith.constant 5 : i32
        %get3A_1318 = arith.index_cast %get3A_1317 : i32 to index
        %get3A_1319 = arith.index_cast %add3A_1316 : i32 to index
        %get3A_1320 = arith.constant 32 : index
        %get3A_1321 = tpu.vector_load %arg6[%get3A_1318, %get3A_1319, %get3A_1320] {strides = array<i32>} : memref<8x100x64xf32, #tpu.memory_space<vmem>>, vector<1x1x16xf32>,
        %get3A_1322 = vector.shape_cast %get3A_1321 : vector<1x1x16xf32> to vector<16xf32>
        %add3A_1323 = arith.addf %add3A_1285, %get3A_1322 : vector<16xf32>
        %add3A_1324 = arith.constant 0 : i32
        %add3A_1325 = arith.addi %add3A_1324, %scan3A_1296 : i32
        %get3A_1326 = arith.constant 5 : i32
        %get3A_1327 = arith.index_cast %get3A_1326 : i32 to index
        %get3A_1328 = arith.index_cast %add3A_1325 : i32 to index
        %get3A_1329 = arith.constant 48 : index
        %get3A_1330 = tpu.vector_load %arg6[%get3A_1327, %get3A_1328, %get3A_1329] {strides = array<i32>} : memref<8x100x64xf32, #tpu.memory_space<vmem>>, vector<1x1x16xf32>,
        %get3A_1331 = vector.shape_cast %get3A_1330 : vector<1x1x16xf32> to vector<16xf32>
        %add3A_1332 = arith.addf %add3A_1294, %get3A_1331 : vector<16xf32>
        scf.yield %add3A_1305, %add3A_1314, %add3A_1323, %add3A_1332 : vector<16xf32>, vector<16xf32>, vector<16xf32>, vector<16xf32>
      }
      %scan3A_849 = arith.constant 50 : i32
      %mul3A_850 = arith.constant 2.000000e-02 : f32
      %mul3A_851 = vector.broadcast %mul3A_850 : f32 to vector<16xf32>
      %mul3A_852 = arith.mulf %scan3A_848#0, %mul3A_851 : vector<16xf32>
      %mul3A_853 = arith.constant 2 : i32
      %mul3A_854 = arith.muli %add3A_824, %mul3A_853 : i32
      %add3A_855 = arith.constant 0 : i32
      %add3A_856 = arith.addi %mul3A_854, %add3A_855 : i32
      %swap3A_857 = arith.index_cast %add3A_856 : i32 to index
      %swap3A_858 = arith.constant 0 : index
      %swap3A_859 = tpu.vector_load %arg7[%swap3A_857, %swap3A_858] {strides = array<i32>} : memref<512x64xf32, #tpu.memory_space<vmem>>, vector<1x16xf32>,
      %swap3A_860 = vector.shape_cast %swap3A_859 : vector<1x16xf32> to vector<16xf32>
      %swap3A_861 = vector.shape_cast %mul3A_852 : vector<16xf32> to vector<1x16xf32>
      tpu.vector_store %arg7[%swap3A_857, %swap3A_858], %swap3A_861 {strides = array<i32>} : memref<512x64xf32, #tpu.memory_space<vmem>>, vector<1x16xf32>,
      %mul3A_862 = arith.constant 2.000000e-02 : f32
      %mul3A_863 = vector.broadcast %mul3A_862 : f32 to vector<16xf32>
      %mul3A_864 = arith.mulf %scan3A_848#1, %mul3A_863 : vector<16xf32>
      %mul3A_865 = arith.constant 2 : i32
      %mul3A_866 = arith.muli %add3A_824, %mul3A_865 : i32
      %add3A_867 = arith.constant 0 : i32
      %add3A_868 = arith.addi %mul3A_866, %add3A_867 : i32
      %swap3A_869 = arith.index_cast %add3A_868 : i32 to index
      %swap3A_870 = arith.constant 16 : index
      %swap3A_871 = tpu.vector_load %arg7[%swap3A_869, %swap3A_870] {strides = array<i32>} : memref<512x64xf32, #tpu.memory_space<vmem>>, vector<1x16xf32>,
      %swap3A_872 = vector.shape_cast %swap3A_871 : vector<1x16xf32> to vector<16xf32>
      %swap3A_873 = vector.shape_cast %mul3A_864 : vector<16xf32> to vector<1x16xf32>
      tpu.vector_store %arg7[%swap3A_869, %swap3A_870], %swap3A_873 {strides = array<i32>} : memref<512x64xf32, #tpu.memory_space<vmem>>, vector<1x16xf32>,
      %mul3A_874 = arith.constant 2.000000e-02 : f32
      %mul3A_875 = vector.broadcast %mul3A_874 : f32 to vector<16xf32>
      %mul3A_876 = arith.mulf %scan3A_848#2, %mul3A_875 : vector<16xf32>
      %mul3A_877 = arith.constant 2 : i32
      %mul3A_878 = arith.muli %add3A_824, %mul3A_877 : i32
      %add3A_879 = arith.constant 0 : i32
      %add3A_880 = arith.addi %mul3A_878, %add3A_879 : i32
      %swap3A_881 = arith.index_cast %add3A_880 : i32 to index
      %swap3A_882 = arith.constant 32 : index
      %swap3A_883 = tpu.vector_load %arg7[%swap3A_881, %swap3A_882] {strides = array<i32>} : memref<512x64xf32, #tpu.memory_space<vmem>>, vector<1x16xf32>,
      %swap3A_884 = vector.shape_cast %swap3A_883 : vector<1x16xf32> to vector<16xf32>
      %swap3A_885 = vector.shape_cast %mul3A_876 : vector<16xf32> to vector<1x16xf32>
      tpu.vector_store %arg7[%swap3A_881, %swap3A_882], %swap3A_885 {strides = array<i32>} : memref<512x64xf32, #tpu.memory_space<vmem>>, vector<1x16xf32>,
      %mul3A_886 = arith.constant 2.000000e-02 : f32
      %mul3A_887 = vector.broadcast %mul3A_886 : f32 to vector<16xf32>
      %mul3A_888 = arith.mulf %scan3A_848#3, %mul3A_887 : vector<16xf32>
      %mul3A_889 = arith.constant 2 : i32
      %mul3A_890 = arith.muli %add3A_824, %mul3A_889 : i32
      %add3A_891 = arith.constant 0 : i32
      %add3A_892 = arith.addi %mul3A_890, %add3A_891 : i32
      %swap3A_893 = arith.index_cast %add3A_892 : i32 to index
      %swap3A_894 = arith.constant 48 : index
      %swap3A_895 = tpu.vector_load %arg7[%swap3A_893, %swap3A_894] {strides = array<i32>} : memref<512x64xf32, #tpu.memory_space<vmem>>, vector<1x16xf32>,
      %swap3A_896 = vector.shape_cast %swap3A_895 : vector<1x16xf32> to vector<16xf32>
      %swap3A_897 = vector.shape_cast %mul3A_888 : vector<16xf32> to vector<1x16xf32>
      tpu.vector_store %arg7[%swap3A_893, %swap3A_894], %swap3A_897 {strides = array<i32>} : memref<512x64xf32, #tpu.memory_space<vmem>>, vector<1x16xf32>,
      %broadcast_in_dim3A_898 = arith.constant 0.000000e+00 : f32
      %broadcast_in_dim3A_899 = vector.broadcast %broadcast_in_dim3A_898 : f32 to vector<16xf32>
      %broadcast_in_dim3A_900 = arith.constant 0.000000e+00 : f32
      %broadcast_in_dim3A_901 = vector.broadcast %broadcast_in_dim3A_900 : f32 to vector<16xf32>
      %broadcast_in_dim3A_902 = arith.constant 0.000000e+00 : f32
      %broadcast_in_dim3A_903 = vector.broadcast %broadcast_in_dim3A_902 : f32 to vector<16xf32>
      %broadcast_in_dim3A_904 = arith.constant 0.000000e+00 : f32
      %broadcast_in_dim3A_905 = vector.broadcast %broadcast_in_dim3A_904 : f32 to vector<16xf32>
      %scan3A_906 = arith.constant 0 : i32
      %scan3A_907 = arith.constant 50 : i32
      %scan3A_908 = arith.addi %scan3A_906, %scan3A_907 : i32
      %scan3A_909 = arith.constant 2 : i32
      %scan3A_910:4 = scf.for %scan3A_1255 = %scan3A_906 to %scan3A_908 step %scan3A_909 iter_args(%scan3A_1256 = %broadcast_in_dim3A_899, %scan3A_1257 = %broadcast_in_dim3A_901, %scan3A_1258 = %broadcast_in_dim3A_903, %scan3A_1259 = %broadcast_in_dim3A_905) -> (vector<16xf32>, vector<16xf32>, vector<16xf32>, vector<16xf32>)  : i32 {
        %add3A_1260 = arith.constant 50 : i32
        %add3A_1261 = arith.addi %add3A_1260, %scan3A_1255 : i32
        %get3A = arith.constant 5 : i32
        %get3A_1262 = arith.index_cast %get3A : i32 to index
        %get3A_1263 = arith.index_cast %add3A_1261 : i32 to index
        %get3A_1264 = arith.constant 0 : index
        %get3A_1265 = tpu.vector_load %arg6[%get3A_1262, %get3A_1263, %get3A_1264] {strides = array<i32>} : memref<8x100x64xf32, #tpu.memory_space<vmem>>, vector<1x1x16xf32>,
        %get3A_1266 = vector.shape_cast %get3A_1265 : vector<1x1x16xf32> to vector<16xf32>
        %add3A_1267 = arith.addf %scan3A_1256, %get3A_1266 : vector<16xf32>
        %add3A_1268 = arith.constant 50 : i32
        %add3A_1269 = arith.addi %add3A_1268, %scan3A_1255 : i32
        %get3A_1270 = arith.constant 5 : i32
        %get3A_1271 = arith.index_cast %get3A_1270 : i32 to index
        %get3A_1272 = arith.index_cast %add3A_1269 : i32 to index
        %get3A_1273 = arith.constant 16 : index
        %get3A_1274 = tpu.vector_load %arg6[%get3A_1271, %get3A_1272, %get3A_1273] {strides = array<i32>} : memref<8x100x64xf32, #tpu.memory_space<vmem>>, vector<1x1x16xf32>,
        %get3A_1275 = vector.shape_cast %get3A_1274 : vector<1x1x16xf32> to vector<16xf32>
        %add3A_1276 = arith.addf %scan3A_1257, %get3A_1275 : vector<16xf32>
        %add3A_1277 = arith.constant 50 : i32
        %add3A_1278 = arith.addi %add3A_1277, %scan3A_1255 : i32
        %get3A_1279 = arith.constant 5 : i32
        %get3A_1280 = arith.index_cast %get3A_1279 : i32 to index
        %get3A_1281 = arith.index_cast %add3A_1278 : i32 to index
        %get3A_1282 = arith.constant 32 : index
        %get3A_1283 = tpu.vector_load %arg6[%get3A_1280, %get3A_1281, %get3A_1282] {strides = array<i32>} : memref<8x100x64xf32, #tpu.memory_space<vmem>>, vector<1x1x16xf32>,
        %get3A_1284 = vector.shape_cast %get3A_1283 : vector<1x1x16xf32> to vector<16xf32>
        %add3A_1285 = arith.addf %scan3A_1258, %get3A_1284 : vector<16xf32>
        %add3A_1286 = arith.constant 50 : i32
        %add3A_1287 = arith.addi %add3A_1286, %scan3A_1255 : i32
        %get3A_1288 = arith.constant 5 : i32
        %get3A_1289 = arith.index_cast %get3A_1288 : i32 to index
        %get3A_1290 = arith.index_cast %add3A_1287 : i32 to index
        %get3A_1291 = arith.constant 48 : index
        %get3A_1292 = tpu.vector_load %arg6[%get3A_1289, %get3A_1290, %get3A_1291] {strides = array<i32>} : memref<8x100x64xf32, #tpu.memory_space<vmem>>, vector<1x1x16xf32>,
        %get3A_1293 = vector.shape_cast %get3A_1292 : vector<1x1x16xf32> to vector<16xf32>
        %add3A_1294 = arith.addf %scan3A_1259, %get3A_1293 : vector<16xf32>
        %scan3A_1295 = arith.constant 1 : i32
        %scan3A_1296 = arith.addi %scan3A_1255, %scan3A_1295 : i32
        %add3A_1297 = arith.constant 50 : i32
        %add3A_1298 = arith.addi %add3A_1297, %scan3A_1296 : i32
        %get3A_1299 = arith.constant 5 : i32
        %get3A_1300 = arith.index_cast %get3A_1299 : i32 to index
        %get3A_1301 = arith.index_cast %add3A_1298 : i32 to index
        %get3A_1302 = arith.constant 0 : index
        %get3A_1303 = tpu.vector_load %arg6[%get3A_1300, %get3A_1301, %get3A_1302] {strides = array<i32>} : memref<8x100x64xf32, #tpu.memory_space<vmem>>, vector<1x1x16xf32>,
        %get3A_1304 = vector.shape_cast %get3A_1303 : vector<1x1x16xf32> to vector<16xf32>
        %add3A_1305 = arith.addf %add3A_1267, %get3A_1304 : vector<16xf32>
        %add3A_1306 = arith.constant 50 : i32
        %add3A_1307 = arith.addi %add3A_1306, %scan3A_1296 : i32
        %get3A_1308 = arith.constant 5 : i32
        %get3A_1309 = arith.index_cast %get3A_1308 : i32 to index
        %get3A_1310 = arith.index_cast %add3A_1307 : i32 to index
        %get3A_1311 = arith.constant 16 : index
        %get3A_1312 = tpu.vector_load %arg6[%get3A_1309, %get3A_1310, %get3A_1311] {strides = array<i32>} : memref<8x100x64xf32, #tpu.memory_space<vmem>>, vector<1x1x16xf32>,
        %get3A_1313 = vector.shape_cast %get3A_1312 : vector<1x1x16xf32> to vector<16xf32>
        %add3A_1314 = arith.addf %add3A_1276, %get3A_1313 : vector<16xf32>
        %add3A_1315 = arith.constant 50 : i32
        %add3A_1316 = arith.addi %add3A_1315, %scan3A_1296 : i32
        %get3A_1317 = arith.constant 5 : i32
        %get3A_1318 = arith.index_cast %get3A_1317 : i32 to index
        %get3A_1319 = arith.index_cast %add3A_1316 : i32 to index
        %get3A_1320 = arith.constant 32 : index
        %get3A_1321 = tpu.vector_load %arg6[%get3A_1318, %get3A_1319, %get3A_1320] {strides = array<i32>} : memref<8x100x64xf32, #tpu.memory_space<vmem>>, vector<1x1x16xf32>,
        %get3A_1322 = vector.shape_cast %get3A_1321 : vector<1x1x16xf32> to vector<16xf32>
        %add3A_1323 = arith.addf %add3A_1285, %get3A_1322 : vector<16xf32>
        %add3A_1324 = arith.constant 50 : i32
        %add3A_1325 = arith.addi %add3A_1324, %scan3A_1296 : i32
        %get3A_1326 = arith.constant 5 : i32
        %get3A_1327 = arith.index_cast %get3A_1326 : i32 to index
        %get3A_1328 = arith.index_cast %add3A_1325 : i32 to index
        %get3A_1329 = arith.constant 48 : index
        %get3A_1330 = tpu.vector_load %arg6[%get3A_1327, %get3A_1328, %get3A_1329] {strides = array<i32>} : memref<8x100x64xf32, #tpu.memory_space<vmem>>, vector<1x1x16xf32>,
        %get3A_1331 = vector.shape_cast %get3A_1330 : vector<1x1x16xf32> to vector<16xf32>
        %add3A_1332 = arith.addf %add3A_1294, %get3A_1331 : vector<16xf32>
        scf.yield %add3A_1305, %add3A_1314, %add3A_1323, %add3A_1332 : vector<16xf32>, vector<16xf32>, vector<16xf32>, vector<16xf32>
      }
      %scan3A_911 = arith.constant 50 : i32
      %mul3A_912 = arith.constant 2.000000e-02 : f32
      %mul3A_913 = vector.broadcast %mul3A_912 : f32 to vector<16xf32>
      %mul3A_914 = arith.mulf %scan3A_910#0, %mul3A_913 : vector<16xf32>
      %mul3A_915 = arith.constant 2 : i32
      %mul3A_916 = arith.muli %add3A_824, %mul3A_915 : i32
      %add3A_917 = arith.constant 1 : i32
      %add3A_918 = arith.addi %mul3A_916, %add3A_917 : i32
      %swap3A_919 = arith.index_cast %add3A_918 : i32 to index
      %swap3A_920 = arith.constant 0 : index
      %swap3A_921 = tpu.vector_load %arg7[%swap3A_919, %swap3A_920] {strides = array<i32>} : memref<512x64xf32, #tpu.memory_space<vmem>>, vector<1x16xf32>,
      %swap3A_922 = vector.shape_cast %swap3A_921 : vector<1x16xf32> to vector<16xf32>
      %swap3A_923 = vector.shape_cast %mul3A_914 : vector<16xf32> to vector<1x16xf32>
      tpu.vector_store %arg7[%swap3A_919, %swap3A_920], %swap3A_923 {strides = array<i32>} : memref<512x64xf32, #tpu.memory_space<vmem>>, vector<1x16xf32>,
      %mul3A_924 = arith.constant 2.000000e-02 : f32
      %mul3A_925 = vector.broadcast %mul3A_924 : f32 to vector<16xf32>
      %mul3A_926 = arith.mulf %scan3A_910#1, %mul3A_925 : vector<16xf32>
      %mul3A_927 = arith.constant 2 : i32
      %mul3A_928 = arith.muli %add3A_824, %mul3A_927 : i32
      %add3A_929 = arith.constant 1 : i32
      %add3A_930 = arith.addi %mul3A_928, %add3A_929 : i32
      %swap3A_931 = arith.index_cast %add3A_930 : i32 to index
      %swap3A_932 = arith.constant 16 : index
      %swap3A_933 = tpu.vector_load %arg7[%swap3A_931, %swap3A_932] {strides = array<i32>} : memref<512x64xf32, #tpu.memory_space<vmem>>, vector<1x16xf32>,
      %swap3A_934 = vector.shape_cast %swap3A_933 : vector<1x16xf32> to vector<16xf32>
      %swap3A_935 = vector.shape_cast %mul3A_926 : vector<16xf32> to vector<1x16xf32>
      tpu.vector_store %arg7[%swap3A_931, %swap3A_932], %swap3A_935 {strides = array<i32>} : memref<512x64xf32, #tpu.memory_space<vmem>>, vector<1x16xf32>,
      %mul3A_936 = arith.constant 2.000000e-02 : f32
      %mul3A_937 = vector.broadcast %mul3A_936 : f32 to vector<16xf32>
      %mul3A_938 = arith.mulf %scan3A_910#2, %mul3A_937 : vector<16xf32>
      %mul3A_939 = arith.constant 2 : i32
      %mul3A_940 = arith.muli %add3A_824, %mul3A_939 : i32
      %add3A_941 = arith.constant 1 : i32
      %add3A_942 = arith.addi %mul3A_940, %add3A_941 : i32
      %swap3A_943 = arith.index_cast %add3A_942 : i32 to index
      %swap3A_944 = arith.constant 32 : index
      %swap3A_945 = tpu.vector_load %arg7[%swap3A_943, %swap3A_944] {strides = array<i32>} : memref<512x64xf32, #tpu.memory_space<vmem>>, vector<1x16xf32>,
      %swap3A_946 = vector.shape_cast %swap3A_945 : vector<1x16xf32> to vector<16xf32>
      %swap3A_947 = vector.shape_cast %mul3A_938 : vector<16xf32> to vector<1x16xf32>
      tpu.vector_store %arg7[%swap3A_943, %swap3A_944], %swap3A_947 {strides = array<i32>} : memref<512x64xf32, #tpu.memory_space<vmem>>, vector<1x16xf32>,
      %mul3A_948 = arith.constant 2.000000e-02 : f32
      %mul3A_949 = vector.broadcast %mul3A_948 : f32 to vector<16xf32>
      %mul3A_950 = arith.mulf %scan3A_910#3, %mul3A_949 : vector<16xf32>
      %mul3A_951 = arith.constant 2 : i32
      %mul3A_952 = arith.muli %add3A_824, %mul3A_951 : i32
      %add3A_953 = arith.constant 1 : i32
      %add3A_954 = arith.addi %mul3A_952, %add3A_953 : i32
      %swap3A_955 = arith.index_cast %add3A_954 : i32 to index
      %swap3A_956 = arith.constant 48 : index
      %swap3A_957 = tpu.vector_load %arg7[%swap3A_955, %swap3A_956] {strides = array<i32>} : memref<512x64xf32, #tpu.memory_space<vmem>>, vector<1x16xf32>,
      %swap3A_958 = vector.shape_cast %swap3A_957 : vector<1x16xf32> to vector<16xf32>
      %swap3A_959 = vector.shape_cast %mul3A_950 : vector<16xf32> to vector<1x16xf32>
      tpu.vector_store %arg7[%swap3A_955, %swap3A_956], %swap3A_959 {strides = array<i32>} : memref<512x64xf32, #tpu.memory_space<vmem>>, vector<1x16xf32>,
      %add3A_960 = arith.constant 8 : i32
      %add3A_961 = arith.addi %add3A_824, %add3A_960 : i32
      %lt3A_962 = arith.constant 256 : i32
      %lt3A_963 = arith.cmpi slt, %add3A_961, %lt3A_962 : i32
      %convert_element_type3A_964 = arith.extui %lt3A_963 : i1 to i32
      %cond3A_965 = arith.constant 0 : i32
      %cond3A_966 = arith.cmpi ne, %convert_element_type3A_964, %cond3A_965 : i32
      scf.if %cond3A_966 {
        %dma_start3A_1255 = arith.constant 5 : i32
        %dma_start3A_1256 = arith.constant 0 : i32
        %dma_start3A_1257 = arith.constant 0 : i32
        %dma_start3A_1258 = tpu.memref_slice %arg6[%dma_start3A_1255, %dma_start3A_1256, %dma_start3A_1257] : memref<8x100x64xf32, #tpu.memory_space<vmem>> -> memref<1x100x64xf32, #tpu.memory_space<vmem>>
        %dma_start3A_1259 = tpu.memref_squeeze %dma_start3A_1258 : memref<1x100x64xf32, #tpu.memory_space<vmem>> -> memref<100x64xf32, #tpu.memory_space<vmem>>
        %dma_start3A_1260 = arith.constant 0 : i32
        %dma_start3A_1261 = tpu.memref_slice %arg5[%add3A_961, %dma_start3A_1260] : memref<256x100xi32, #tpu.memory_space<vmem>> -> memref<1x100xi32, #tpu.memory_space<vmem>>
        %dma_start3A_1262 = tpu.memref_squeeze %dma_start3A_1261 : memref<1x100xi32, #tpu.memory_space<vmem>> -> memref<100xi32, #tpu.memory_space<vmem>>
        %dma_start3A_1263 = arith.constant 0 : i32
        %dma_start3A_1264 = arith.constant 0 : i32
        %dma_start3A_1265 = tpu.memref_slice %arg3[%dma_start3A_1263, %dma_start3A_1264] : memref<1015808x64xf32, #tpu.memory_space<hbm>> -> memref<1015808x64xf32, #tpu.memory_space<hbm>>
        tpu.enqueue_indirect_dma source(%dma_start3A_1265 : memref<1015808x64xf32, #tpu.memory_space<hbm>>) target(%dma_start3A_1259 : memref<100x64xf32, #tpu.memory_space<vmem>>) offsets(%dma_start3A_1262 : memref<100xi32, #tpu.memory_space<vmem>>) semaphore(%arg13 : memref<!tpu.dma_semaphore, #tpu.memory_space<semaphore_mem>>)
      } else {
      }
      %add3A_967 = arith.constant 6 : i32
      %add3A_968 = arith.addi %add3A_108, %add3A_967 : i32
      %dma_wait3A_969 = arith.constant 6 : i32
      %dma_wait3A_970 = arith.constant 0 : i32
      %dma_wait3A_971 = arith.constant 0 : i32
      %dma_wait3A_972 = tpu.memref_slice %arg6[%dma_wait3A_969, %dma_wait3A_970, %dma_wait3A_971] : memref<8x100x64xf32, #tpu.memory_space<vmem>> -> memref<1x100x64xf32, #tpu.memory_space<vmem>>
      %dma_wait3A_973 = tpu.memref_squeeze %dma_wait3A_972 : memref<1x100x64xf32, #tpu.memory_space<vmem>> -> memref<100x64xf32, #tpu.memory_space<vmem>>
      %dma_wait3A_974 = arith.constant 0 : i32
      %dma_wait3A_975 = tpu.memref_slice %arg5[%add3A_968, %dma_wait3A_974] : memref<256x100xi32, #tpu.memory_space<vmem>> -> memref<1x100xi32, #tpu.memory_space<vmem>>
      %dma_wait3A_976 = tpu.memref_squeeze %dma_wait3A_975 : memref<1x100xi32, #tpu.memory_space<vmem>> -> memref<100xi32, #tpu.memory_space<vmem>>
      %dma_wait3A_977 = arith.constant 0 : i32
      %dma_wait3A_978 = arith.constant 0 : i32
      %dma_wait3A_979 = tpu.memref_slice %arg3[%dma_wait3A_977, %dma_wait3A_978] : memref<1015808x64xf32, #tpu.memory_space<hbm>> -> memref<1015808x64xf32, #tpu.memory_space<hbm>>
      tpu.wait_indirect_dma semaphore(%arg14 : memref<!tpu.dma_semaphore, #tpu.memory_space<semaphore_mem>>) src(%dma_wait3A_979 : memref<1015808x64xf32, #tpu.memory_space<hbm>>) dst(%dma_wait3A_973 : memref<100x64xf32, #tpu.memory_space<vmem>>)
      %broadcast_in_dim3A_980 = arith.constant 0.000000e+00 : f32
      %broadcast_in_dim3A_981 = vector.broadcast %broadcast_in_dim3A_980 : f32 to vector<16xf32>
      %broadcast_in_dim3A_982 = arith.constant 0.000000e+00 : f32
      %broadcast_in_dim3A_983 = vector.broadcast %broadcast_in_dim3A_982 : f32 to vector<16xf32>
      %broadcast_in_dim3A_984 = arith.constant 0.000000e+00 : f32
      %broadcast_in_dim3A_985 = vector.broadcast %broadcast_in_dim3A_984 : f32 to vector<16xf32>
      %broadcast_in_dim3A_986 = arith.constant 0.000000e+00 : f32
      %broadcast_in_dim3A_987 = vector.broadcast %broadcast_in_dim3A_986 : f32 to vector<16xf32>
      %scan3A_988 = arith.constant 0 : i32
      %scan3A_989 = arith.constant 50 : i32
      %scan3A_990 = arith.addi %scan3A_988, %scan3A_989 : i32
      %scan3A_991 = arith.constant 2 : i32
      %scan3A_992:4 = scf.for %scan3A_1255 = %scan3A_988 to %scan3A_990 step %scan3A_991 iter_args(%scan3A_1256 = %broadcast_in_dim3A_981, %scan3A_1257 = %broadcast_in_dim3A_983, %scan3A_1258 = %broadcast_in_dim3A_985, %scan3A_1259 = %broadcast_in_dim3A_987) -> (vector<16xf32>, vector<16xf32>, vector<16xf32>, vector<16xf32>)  : i32 {
        %add3A_1260 = arith.constant 0 : i32
        %add3A_1261 = arith.addi %add3A_1260, %scan3A_1255 : i32
        %get3A = arith.constant 6 : i32
        %get3A_1262 = arith.index_cast %get3A : i32 to index
        %get3A_1263 = arith.index_cast %add3A_1261 : i32 to index
        %get3A_1264 = arith.constant 0 : index
        %get3A_1265 = tpu.vector_load %arg6[%get3A_1262, %get3A_1263, %get3A_1264] {strides = array<i32>} : memref<8x100x64xf32, #tpu.memory_space<vmem>>, vector<1x1x16xf32>,
        %get3A_1266 = vector.shape_cast %get3A_1265 : vector<1x1x16xf32> to vector<16xf32>
        %add3A_1267 = arith.addf %scan3A_1256, %get3A_1266 : vector<16xf32>
        %add3A_1268 = arith.constant 0 : i32
        %add3A_1269 = arith.addi %add3A_1268, %scan3A_1255 : i32
        %get3A_1270 = arith.constant 6 : i32
        %get3A_1271 = arith.index_cast %get3A_1270 : i32 to index
        %get3A_1272 = arith.index_cast %add3A_1269 : i32 to index
        %get3A_1273 = arith.constant 16 : index
        %get3A_1274 = tpu.vector_load %arg6[%get3A_1271, %get3A_1272, %get3A_1273] {strides = array<i32>} : memref<8x100x64xf32, #tpu.memory_space<vmem>>, vector<1x1x16xf32>,
        %get3A_1275 = vector.shape_cast %get3A_1274 : vector<1x1x16xf32> to vector<16xf32>
        %add3A_1276 = arith.addf %scan3A_1257, %get3A_1275 : vector<16xf32>
        %add3A_1277 = arith.constant 0 : i32
        %add3A_1278 = arith.addi %add3A_1277, %scan3A_1255 : i32
        %get3A_1279 = arith.constant 6 : i32
        %get3A_1280 = arith.index_cast %get3A_1279 : i32 to index
        %get3A_1281 = arith.index_cast %add3A_1278 : i32 to index
        %get3A_1282 = arith.constant 32 : index
        %get3A_1283 = tpu.vector_load %arg6[%get3A_1280, %get3A_1281, %get3A_1282] {strides = array<i32>} : memref<8x100x64xf32, #tpu.memory_space<vmem>>, vector<1x1x16xf32>,
        %get3A_1284 = vector.shape_cast %get3A_1283 : vector<1x1x16xf32> to vector<16xf32>
        %add3A_1285 = arith.addf %scan3A_1258, %get3A_1284 : vector<16xf32>
        %add3A_1286 = arith.constant 0 : i32
        %add3A_1287 = arith.addi %add3A_1286, %scan3A_1255 : i32
        %get3A_1288 = arith.constant 6 : i32
        %get3A_1289 = arith.index_cast %get3A_1288 : i32 to index
        %get3A_1290 = arith.index_cast %add3A_1287 : i32 to index
        %get3A_1291 = arith.constant 48 : index
        %get3A_1292 = tpu.vector_load %arg6[%get3A_1289, %get3A_1290, %get3A_1291] {strides = array<i32>} : memref<8x100x64xf32, #tpu.memory_space<vmem>>, vector<1x1x16xf32>,
        %get3A_1293 = vector.shape_cast %get3A_1292 : vector<1x1x16xf32> to vector<16xf32>
        %add3A_1294 = arith.addf %scan3A_1259, %get3A_1293 : vector<16xf32>
        %scan3A_1295 = arith.constant 1 : i32
        %scan3A_1296 = arith.addi %scan3A_1255, %scan3A_1295 : i32
        %add3A_1297 = arith.constant 0 : i32
        %add3A_1298 = arith.addi %add3A_1297, %scan3A_1296 : i32
        %get3A_1299 = arith.constant 6 : i32
        %get3A_1300 = arith.index_cast %get3A_1299 : i32 to index
        %get3A_1301 = arith.index_cast %add3A_1298 : i32 to index
        %get3A_1302 = arith.constant 0 : index
        %get3A_1303 = tpu.vector_load %arg6[%get3A_1300, %get3A_1301, %get3A_1302] {strides = array<i32>} : memref<8x100x64xf32, #tpu.memory_space<vmem>>, vector<1x1x16xf32>,
        %get3A_1304 = vector.shape_cast %get3A_1303 : vector<1x1x16xf32> to vector<16xf32>
        %add3A_1305 = arith.addf %add3A_1267, %get3A_1304 : vector<16xf32>
        %add3A_1306 = arith.constant 0 : i32
        %add3A_1307 = arith.addi %add3A_1306, %scan3A_1296 : i32
        %get3A_1308 = arith.constant 6 : i32
        %get3A_1309 = arith.index_cast %get3A_1308 : i32 to index
        %get3A_1310 = arith.index_cast %add3A_1307 : i32 to index
        %get3A_1311 = arith.constant 16 : index
        %get3A_1312 = tpu.vector_load %arg6[%get3A_1309, %get3A_1310, %get3A_1311] {strides = array<i32>} : memref<8x100x64xf32, #tpu.memory_space<vmem>>, vector<1x1x16xf32>,
        %get3A_1313 = vector.shape_cast %get3A_1312 : vector<1x1x16xf32> to vector<16xf32>
        %add3A_1314 = arith.addf %add3A_1276, %get3A_1313 : vector<16xf32>
        %add3A_1315 = arith.constant 0 : i32
        %add3A_1316 = arith.addi %add3A_1315, %scan3A_1296 : i32
        %get3A_1317 = arith.constant 6 : i32
        %get3A_1318 = arith.index_cast %get3A_1317 : i32 to index
        %get3A_1319 = arith.index_cast %add3A_1316 : i32 to index
        %get3A_1320 = arith.constant 32 : index
        %get3A_1321 = tpu.vector_load %arg6[%get3A_1318, %get3A_1319, %get3A_1320] {strides = array<i32>} : memref<8x100x64xf32, #tpu.memory_space<vmem>>, vector<1x1x16xf32>,
        %get3A_1322 = vector.shape_cast %get3A_1321 : vector<1x1x16xf32> to vector<16xf32>
        %add3A_1323 = arith.addf %add3A_1285, %get3A_1322 : vector<16xf32>
        %add3A_1324 = arith.constant 0 : i32
        %add3A_1325 = arith.addi %add3A_1324, %scan3A_1296 : i32
        %get3A_1326 = arith.constant 6 : i32
        %get3A_1327 = arith.index_cast %get3A_1326 : i32 to index
        %get3A_1328 = arith.index_cast %add3A_1325 : i32 to index
        %get3A_1329 = arith.constant 48 : index
        %get3A_1330 = tpu.vector_load %arg6[%get3A_1327, %get3A_1328, %get3A_1329] {strides = array<i32>} : memref<8x100x64xf32, #tpu.memory_space<vmem>>, vector<1x1x16xf32>,
        %get3A_1331 = vector.shape_cast %get3A_1330 : vector<1x1x16xf32> to vector<16xf32>
        %add3A_1332 = arith.addf %add3A_1294, %get3A_1331 : vector<16xf32>
        scf.yield %add3A_1305, %add3A_1314, %add3A_1323, %add3A_1332 : vector<16xf32>, vector<16xf32>, vector<16xf32>, vector<16xf32>
      }
      %scan3A_993 = arith.constant 50 : i32
      %mul3A_994 = arith.constant 2.000000e-02 : f32
      %mul3A_995 = vector.broadcast %mul3A_994 : f32 to vector<16xf32>
      %mul3A_996 = arith.mulf %scan3A_992#0, %mul3A_995 : vector<16xf32>
      %mul3A_997 = arith.constant 2 : i32
      %mul3A_998 = arith.muli %add3A_968, %mul3A_997 : i32
      %add3A_999 = arith.constant 0 : i32
      %add3A_1000 = arith.addi %mul3A_998, %add3A_999 : i32
      %swap3A_1001 = arith.index_cast %add3A_1000 : i32 to index
      %swap3A_1002 = arith.constant 0 : index
      %swap3A_1003 = tpu.vector_load %arg7[%swap3A_1001, %swap3A_1002] {strides = array<i32>} : memref<512x64xf32, #tpu.memory_space<vmem>>, vector<1x16xf32>,
      %swap3A_1004 = vector.shape_cast %swap3A_1003 : vector<1x16xf32> to vector<16xf32>
      %swap3A_1005 = vector.shape_cast %mul3A_996 : vector<16xf32> to vector<1x16xf32>
      tpu.vector_store %arg7[%swap3A_1001, %swap3A_1002], %swap3A_1005 {strides = array<i32>} : memref<512x64xf32, #tpu.memory_space<vmem>>, vector<1x16xf32>,
      %mul3A_1006 = arith.constant 2.000000e-02 : f32
      %mul3A_1007 = vector.broadcast %mul3A_1006 : f32 to vector<16xf32>
      %mul3A_1008 = arith.mulf %scan3A_992#1, %mul3A_1007 : vector<16xf32>
      %mul3A_1009 = arith.constant 2 : i32
      %mul3A_1010 = arith.muli %add3A_968, %mul3A_1009 : i32
      %add3A_1011 = arith.constant 0 : i32
      %add3A_1012 = arith.addi %mul3A_1010, %add3A_1011 : i32
      %swap3A_1013 = arith.index_cast %add3A_1012 : i32 to index
      %swap3A_1014 = arith.constant 16 : index
      %swap3A_1015 = tpu.vector_load %arg7[%swap3A_1013, %swap3A_1014] {strides = array<i32>} : memref<512x64xf32, #tpu.memory_space<vmem>>, vector<1x16xf32>,
      %swap3A_1016 = vector.shape_cast %swap3A_1015 : vector<1x16xf32> to vector<16xf32>
      %swap3A_1017 = vector.shape_cast %mul3A_1008 : vector<16xf32> to vector<1x16xf32>
      tpu.vector_store %arg7[%swap3A_1013, %swap3A_1014], %swap3A_1017 {strides = array<i32>} : memref<512x64xf32, #tpu.memory_space<vmem>>, vector<1x16xf32>,
      %mul3A_1018 = arith.constant 2.000000e-02 : f32
      %mul3A_1019 = vector.broadcast %mul3A_1018 : f32 to vector<16xf32>
      %mul3A_1020 = arith.mulf %scan3A_992#2, %mul3A_1019 : vector<16xf32>
      %mul3A_1021 = arith.constant 2 : i32
      %mul3A_1022 = arith.muli %add3A_968, %mul3A_1021 : i32
      %add3A_1023 = arith.constant 0 : i32
      %add3A_1024 = arith.addi %mul3A_1022, %add3A_1023 : i32
      %swap3A_1025 = arith.index_cast %add3A_1024 : i32 to index
      %swap3A_1026 = arith.constant 32 : index
      %swap3A_1027 = tpu.vector_load %arg7[%swap3A_1025, %swap3A_1026] {strides = array<i32>} : memref<512x64xf32, #tpu.memory_space<vmem>>, vector<1x16xf32>,
      %swap3A_1028 = vector.shape_cast %swap3A_1027 : vector<1x16xf32> to vector<16xf32>
      %swap3A_1029 = vector.shape_cast %mul3A_1020 : vector<16xf32> to vector<1x16xf32>
      tpu.vector_store %arg7[%swap3A_1025, %swap3A_1026], %swap3A_1029 {strides = array<i32>} : memref<512x64xf32, #tpu.memory_space<vmem>>, vector<1x16xf32>,
      %mul3A_1030 = arith.constant 2.000000e-02 : f32
      %mul3A_1031 = vector.broadcast %mul3A_1030 : f32 to vector<16xf32>
      %mul3A_1032 = arith.mulf %scan3A_992#3, %mul3A_1031 : vector<16xf32>
      %mul3A_1033 = arith.constant 2 : i32
      %mul3A_1034 = arith.muli %add3A_968, %mul3A_1033 : i32
      %add3A_1035 = arith.constant 0 : i32
      %add3A_1036 = arith.addi %mul3A_1034, %add3A_1035 : i32
      %swap3A_1037 = arith.index_cast %add3A_1036 : i32 to index
      %swap3A_1038 = arith.constant 48 : index
      %swap3A_1039 = tpu.vector_load %arg7[%swap3A_1037, %swap3A_1038] {strides = array<i32>} : memref<512x64xf32, #tpu.memory_space<vmem>>, vector<1x16xf32>,
      %swap3A_1040 = vector.shape_cast %swap3A_1039 : vector<1x16xf32> to vector<16xf32>
      %swap3A_1041 = vector.shape_cast %mul3A_1032 : vector<16xf32> to vector<1x16xf32>
      tpu.vector_store %arg7[%swap3A_1037, %swap3A_1038], %swap3A_1041 {strides = array<i32>} : memref<512x64xf32, #tpu.memory_space<vmem>>, vector<1x16xf32>,
      %broadcast_in_dim3A_1042 = arith.constant 0.000000e+00 : f32
      %broadcast_in_dim3A_1043 = vector.broadcast %broadcast_in_dim3A_1042 : f32 to vector<16xf32>
      %broadcast_in_dim3A_1044 = arith.constant 0.000000e+00 : f32
      %broadcast_in_dim3A_1045 = vector.broadcast %broadcast_in_dim3A_1044 : f32 to vector<16xf32>
      %broadcast_in_dim3A_1046 = arith.constant 0.000000e+00 : f32
      %broadcast_in_dim3A_1047 = vector.broadcast %broadcast_in_dim3A_1046 : f32 to vector<16xf32>
      %broadcast_in_dim3A_1048 = arith.constant 0.000000e+00 : f32
      %broadcast_in_dim3A_1049 = vector.broadcast %broadcast_in_dim3A_1048 : f32 to vector<16xf32>
      %scan3A_1050 = arith.constant 0 : i32
      %scan3A_1051 = arith.constant 50 : i32
      %scan3A_1052 = arith.addi %scan3A_1050, %scan3A_1051 : i32
      %scan3A_1053 = arith.constant 2 : i32
      %scan3A_1054:4 = scf.for %scan3A_1255 = %scan3A_1050 to %scan3A_1052 step %scan3A_1053 iter_args(%scan3A_1256 = %broadcast_in_dim3A_1043, %scan3A_1257 = %broadcast_in_dim3A_1045, %scan3A_1258 = %broadcast_in_dim3A_1047, %scan3A_1259 = %broadcast_in_dim3A_1049) -> (vector<16xf32>, vector<16xf32>, vector<16xf32>, vector<16xf32>)  : i32 {
        %add3A_1260 = arith.constant 50 : i32
        %add3A_1261 = arith.addi %add3A_1260, %scan3A_1255 : i32
        %get3A = arith.constant 6 : i32
        %get3A_1262 = arith.index_cast %get3A : i32 to index
        %get3A_1263 = arith.index_cast %add3A_1261 : i32 to index
        %get3A_1264 = arith.constant 0 : index
        %get3A_1265 = tpu.vector_load %arg6[%get3A_1262, %get3A_1263, %get3A_1264] {strides = array<i32>} : memref<8x100x64xf32, #tpu.memory_space<vmem>>, vector<1x1x16xf32>,
        %get3A_1266 = vector.shape_cast %get3A_1265 : vector<1x1x16xf32> to vector<16xf32>
        %add3A_1267 = arith.addf %scan3A_1256, %get3A_1266 : vector<16xf32>
        %add3A_1268 = arith.constant 50 : i32
        %add3A_1269 = arith.addi %add3A_1268, %scan3A_1255 : i32
        %get3A_1270 = arith.constant 6 : i32
        %get3A_1271 = arith.index_cast %get3A_1270 : i32 to index
        %get3A_1272 = arith.index_cast %add3A_1269 : i32 to index
        %get3A_1273 = arith.constant 16 : index
        %get3A_1274 = tpu.vector_load %arg6[%get3A_1271, %get3A_1272, %get3A_1273] {strides = array<i32>} : memref<8x100x64xf32, #tpu.memory_space<vmem>>, vector<1x1x16xf32>,
        %get3A_1275 = vector.shape_cast %get3A_1274 : vector<1x1x16xf32> to vector<16xf32>
        %add3A_1276 = arith.addf %scan3A_1257, %get3A_1275 : vector<16xf32>
        %add3A_1277 = arith.constant 50 : i32
        %add3A_1278 = arith.addi %add3A_1277, %scan3A_1255 : i32
        %get3A_1279 = arith.constant 6 : i32
        %get3A_1280 = arith.index_cast %get3A_1279 : i32 to index
        %get3A_1281 = arith.index_cast %add3A_1278 : i32 to index
        %get3A_1282 = arith.constant 32 : index
        %get3A_1283 = tpu.vector_load %arg6[%get3A_1280, %get3A_1281, %get3A_1282] {strides = array<i32>} : memref<8x100x64xf32, #tpu.memory_space<vmem>>, vector<1x1x16xf32>,
        %get3A_1284 = vector.shape_cast %get3A_1283 : vector<1x1x16xf32> to vector<16xf32>
        %add3A_1285 = arith.addf %scan3A_1258, %get3A_1284 : vector<16xf32>
        %add3A_1286 = arith.constant 50 : i32
        %add3A_1287 = arith.addi %add3A_1286, %scan3A_1255 : i32
        %get3A_1288 = arith.constant 6 : i32
        %get3A_1289 = arith.index_cast %get3A_1288 : i32 to index
        %get3A_1290 = arith.index_cast %add3A_1287 : i32 to index
        %get3A_1291 = arith.constant 48 : index
        %get3A_1292 = tpu.vector_load %arg6[%get3A_1289, %get3A_1290, %get3A_1291] {strides = array<i32>} : memref<8x100x64xf32, #tpu.memory_space<vmem>>, vector<1x1x16xf32>,
        %get3A_1293 = vector.shape_cast %get3A_1292 : vector<1x1x16xf32> to vector<16xf32>
        %add3A_1294 = arith.addf %scan3A_1259, %get3A_1293 : vector<16xf32>
        %scan3A_1295 = arith.constant 1 : i32
        %scan3A_1296 = arith.addi %scan3A_1255, %scan3A_1295 : i32
        %add3A_1297 = arith.constant 50 : i32
        %add3A_1298 = arith.addi %add3A_1297, %scan3A_1296 : i32
        %get3A_1299 = arith.constant 6 : i32
        %get3A_1300 = arith.index_cast %get3A_1299 : i32 to index
        %get3A_1301 = arith.index_cast %add3A_1298 : i32 to index
        %get3A_1302 = arith.constant 0 : index
        %get3A_1303 = tpu.vector_load %arg6[%get3A_1300, %get3A_1301, %get3A_1302] {strides = array<i32>} : memref<8x100x64xf32, #tpu.memory_space<vmem>>, vector<1x1x16xf32>,
        %get3A_1304 = vector.shape_cast %get3A_1303 : vector<1x1x16xf32> to vector<16xf32>
        %add3A_1305 = arith.addf %add3A_1267, %get3A_1304 : vector<16xf32>
        %add3A_1306 = arith.constant 50 : i32
        %add3A_1307 = arith.addi %add3A_1306, %scan3A_1296 : i32
        %get3A_1308 = arith.constant 6 : i32
        %get3A_1309 = arith.index_cast %get3A_1308 : i32 to index
        %get3A_1310 = arith.index_cast %add3A_1307 : i32 to index
        %get3A_1311 = arith.constant 16 : index
        %get3A_1312 = tpu.vector_load %arg6[%get3A_1309, %get3A_1310, %get3A_1311] {strides = array<i32>} : memref<8x100x64xf32, #tpu.memory_space<vmem>>, vector<1x1x16xf32>,
        %get3A_1313 = vector.shape_cast %get3A_1312 : vector<1x1x16xf32> to vector<16xf32>
        %add3A_1314 = arith.addf %add3A_1276, %get3A_1313 : vector<16xf32>
        %add3A_1315 = arith.constant 50 : i32
        %add3A_1316 = arith.addi %add3A_1315, %scan3A_1296 : i32
        %get3A_1317 = arith.constant 6 : i32
        %get3A_1318 = arith.index_cast %get3A_1317 : i32 to index
        %get3A_1319 = arith.index_cast %add3A_1316 : i32 to index
        %get3A_1320 = arith.constant 32 : index
        %get3A_1321 = tpu.vector_load %arg6[%get3A_1318, %get3A_1319, %get3A_1320] {strides = array<i32>} : memref<8x100x64xf32, #tpu.memory_space<vmem>>, vector<1x1x16xf32>,
        %get3A_1322 = vector.shape_cast %get3A_1321 : vector<1x1x16xf32> to vector<16xf32>
        %add3A_1323 = arith.addf %add3A_1285, %get3A_1322 : vector<16xf32>
        %add3A_1324 = arith.constant 50 : i32
        %add3A_1325 = arith.addi %add3A_1324, %scan3A_1296 : i32
        %get3A_1326 = arith.constant 6 : i32
        %get3A_1327 = arith.index_cast %get3A_1326 : i32 to index
        %get3A_1328 = arith.index_cast %add3A_1325 : i32 to index
        %get3A_1329 = arith.constant 48 : index
        %get3A_1330 = tpu.vector_load %arg6[%get3A_1327, %get3A_1328, %get3A_1329] {strides = array<i32>} : memref<8x100x64xf32, #tpu.memory_space<vmem>>, vector<1x1x16xf32>,
        %get3A_1331 = vector.shape_cast %get3A_1330 : vector<1x1x16xf32> to vector<16xf32>
        %add3A_1332 = arith.addf %add3A_1294, %get3A_1331 : vector<16xf32>
        scf.yield %add3A_1305, %add3A_1314, %add3A_1323, %add3A_1332 : vector<16xf32>, vector<16xf32>, vector<16xf32>, vector<16xf32>
      }
      %scan3A_1055 = arith.constant 50 : i32
      %mul3A_1056 = arith.constant 2.000000e-02 : f32
      %mul3A_1057 = vector.broadcast %mul3A_1056 : f32 to vector<16xf32>
      %mul3A_1058 = arith.mulf %scan3A_1054#0, %mul3A_1057 : vector<16xf32>
      %mul3A_1059 = arith.constant 2 : i32
      %mul3A_1060 = arith.muli %add3A_968, %mul3A_1059 : i32
      %add3A_1061 = arith.constant 1 : i32
      %add3A_1062 = arith.addi %mul3A_1060, %add3A_1061 : i32
      %swap3A_1063 = arith.index_cast %add3A_1062 : i32 to index
      %swap3A_1064 = arith.constant 0 : index
      %swap3A_1065 = tpu.vector_load %arg7[%swap3A_1063, %swap3A_1064] {strides = array<i32>} : memref<512x64xf32, #tpu.memory_space<vmem>>, vector<1x16xf32>,
      %swap3A_1066 = vector.shape_cast %swap3A_1065 : vector<1x16xf32> to vector<16xf32>
      %swap3A_1067 = vector.shape_cast %mul3A_1058 : vector<16xf32> to vector<1x16xf32>
      tpu.vector_store %arg7[%swap3A_1063, %swap3A_1064], %swap3A_1067 {strides = array<i32>} : memref<512x64xf32, #tpu.memory_space<vmem>>, vector<1x16xf32>,
      %mul3A_1068 = arith.constant 2.000000e-02 : f32
      %mul3A_1069 = vector.broadcast %mul3A_1068 : f32 to vector<16xf32>
      %mul3A_1070 = arith.mulf %scan3A_1054#1, %mul3A_1069 : vector<16xf32>
      %mul3A_1071 = arith.constant 2 : i32
      %mul3A_1072 = arith.muli %add3A_968, %mul3A_1071 : i32
      %add3A_1073 = arith.constant 1 : i32
      %add3A_1074 = arith.addi %mul3A_1072, %add3A_1073 : i32
      %swap3A_1075 = arith.index_cast %add3A_1074 : i32 to index
      %swap3A_1076 = arith.constant 16 : index
      %swap3A_1077 = tpu.vector_load %arg7[%swap3A_1075, %swap3A_1076] {strides = array<i32>} : memref<512x64xf32, #tpu.memory_space<vmem>>, vector<1x16xf32>,
      %swap3A_1078 = vector.shape_cast %swap3A_1077 : vector<1x16xf32> to vector<16xf32>
      %swap3A_1079 = vector.shape_cast %mul3A_1070 : vector<16xf32> to vector<1x16xf32>
      tpu.vector_store %arg7[%swap3A_1075, %swap3A_1076], %swap3A_1079 {strides = array<i32>} : memref<512x64xf32, #tpu.memory_space<vmem>>, vector<1x16xf32>,
      %mul3A_1080 = arith.constant 2.000000e-02 : f32
      %mul3A_1081 = vector.broadcast %mul3A_1080 : f32 to vector<16xf32>
      %mul3A_1082 = arith.mulf %scan3A_1054#2, %mul3A_1081 : vector<16xf32>
      %mul3A_1083 = arith.constant 2 : i32
      %mul3A_1084 = arith.muli %add3A_968, %mul3A_1083 : i32
      %add3A_1085 = arith.constant 1 : i32
      %add3A_1086 = arith.addi %mul3A_1084, %add3A_1085 : i32
      %swap3A_1087 = arith.index_cast %add3A_1086 : i32 to index
      %swap3A_1088 = arith.constant 32 : index
      %swap3A_1089 = tpu.vector_load %arg7[%swap3A_1087, %swap3A_1088] {strides = array<i32>} : memref<512x64xf32, #tpu.memory_space<vmem>>, vector<1x16xf32>,
      %swap3A_1090 = vector.shape_cast %swap3A_1089 : vector<1x16xf32> to vector<16xf32>
      %swap3A_1091 = vector.shape_cast %mul3A_1082 : vector<16xf32> to vector<1x16xf32>
      tpu.vector_store %arg7[%swap3A_1087, %swap3A_1088], %swap3A_1091 {strides = array<i32>} : memref<512x64xf32, #tpu.memory_space<vmem>>, vector<1x16xf32>,
      %mul3A_1092 = arith.constant 2.000000e-02 : f32
      %mul3A_1093 = vector.broadcast %mul3A_1092 : f32 to vector<16xf32>
      %mul3A_1094 = arith.mulf %scan3A_1054#3, %mul3A_1093 : vector<16xf32>
      %mul3A_1095 = arith.constant 2 : i32
      %mul3A_1096 = arith.muli %add3A_968, %mul3A_1095 : i32
      %add3A_1097 = arith.constant 1 : i32
      %add3A_1098 = arith.addi %mul3A_1096, %add3A_1097 : i32
      %swap3A_1099 = arith.index_cast %add3A_1098 : i32 to index
      %swap3A_1100 = arith.constant 48 : index
      %swap3A_1101 = tpu.vector_load %arg7[%swap3A_1099, %swap3A_1100] {strides = array<i32>} : memref<512x64xf32, #tpu.memory_space<vmem>>, vector<1x16xf32>,
      %swap3A_1102 = vector.shape_cast %swap3A_1101 : vector<1x16xf32> to vector<16xf32>
      %swap3A_1103 = vector.shape_cast %mul3A_1094 : vector<16xf32> to vector<1x16xf32>
      tpu.vector_store %arg7[%swap3A_1099, %swap3A_1100], %swap3A_1103 {strides = array<i32>} : memref<512x64xf32, #tpu.memory_space<vmem>>, vector<1x16xf32>,
      %add3A_1104 = arith.constant 8 : i32
      %add3A_1105 = arith.addi %add3A_968, %add3A_1104 : i32
      %lt3A_1106 = arith.constant 256 : i32
      %lt3A_1107 = arith.cmpi slt, %add3A_1105, %lt3A_1106 : i32
      %convert_element_type3A_1108 = arith.extui %lt3A_1107 : i1 to i32
      %cond3A_1109 = arith.constant 0 : i32
      %cond3A_1110 = arith.cmpi ne, %convert_element_type3A_1108, %cond3A_1109 : i32
      scf.if %cond3A_1110 {
        %dma_start3A_1255 = arith.constant 6 : i32
        %dma_start3A_1256 = arith.constant 0 : i32
        %dma_start3A_1257 = arith.constant 0 : i32
        %dma_start3A_1258 = tpu.memref_slice %arg6[%dma_start3A_1255, %dma_start3A_1256, %dma_start3A_1257] : memref<8x100x64xf32, #tpu.memory_space<vmem>> -> memref<1x100x64xf32, #tpu.memory_space<vmem>>
        %dma_start3A_1259 = tpu.memref_squeeze %dma_start3A_1258 : memref<1x100x64xf32, #tpu.memory_space<vmem>> -> memref<100x64xf32, #tpu.memory_space<vmem>>
        %dma_start3A_1260 = arith.constant 0 : i32
        %dma_start3A_1261 = tpu.memref_slice %arg5[%add3A_1105, %dma_start3A_1260] : memref<256x100xi32, #tpu.memory_space<vmem>> -> memref<1x100xi32, #tpu.memory_space<vmem>>
        %dma_start3A_1262 = tpu.memref_squeeze %dma_start3A_1261 : memref<1x100xi32, #tpu.memory_space<vmem>> -> memref<100xi32, #tpu.memory_space<vmem>>
        %dma_start3A_1263 = arith.constant 0 : i32
        %dma_start3A_1264 = arith.constant 0 : i32
        %dma_start3A_1265 = tpu.memref_slice %arg3[%dma_start3A_1263, %dma_start3A_1264] : memref<1015808x64xf32, #tpu.memory_space<hbm>> -> memref<1015808x64xf32, #tpu.memory_space<hbm>>
        tpu.enqueue_indirect_dma source(%dma_start3A_1265 : memref<1015808x64xf32, #tpu.memory_space<hbm>>) target(%dma_start3A_1259 : memref<100x64xf32, #tpu.memory_space<vmem>>) offsets(%dma_start3A_1262 : memref<100xi32, #tpu.memory_space<vmem>>) semaphore(%arg14 : memref<!tpu.dma_semaphore, #tpu.memory_space<semaphore_mem>>)
      } else {
      }
      %add3A_1111 = arith.constant 7 : i32
      %add3A_1112 = arith.addi %add3A_108, %add3A_1111 : i32
      %dma_wait3A_1113 = arith.constant 7 : i32
      %dma_wait3A_1114 = arith.constant 0 : i32
      %dma_wait3A_1115 = arith.constant 0 : i32
      %dma_wait3A_1116 = tpu.memref_slice %arg6[%dma_wait3A_1113, %dma_wait3A_1114, %dma_wait3A_1115] : memref<8x100x64xf32, #tpu.memory_space<vmem>> -> memref<1x100x64xf32, #tpu.memory_space<vmem>>
      %dma_wait3A_1117 = tpu.memref_squeeze %dma_wait3A_1116 : memref<1x100x64xf32, #tpu.memory_space<vmem>> -> memref<100x64xf32, #tpu.memory_space<vmem>>
      %dma_wait3A_1118 = arith.constant 0 : i32
      %dma_wait3A_1119 = tpu.memref_slice %arg5[%add3A_1112, %dma_wait3A_1118] : memref<256x100xi32, #tpu.memory_space<vmem>> -> memref<1x100xi32, #tpu.memory_space<vmem>>
      %dma_wait3A_1120 = tpu.memref_squeeze %dma_wait3A_1119 : memref<1x100xi32, #tpu.memory_space<vmem>> -> memref<100xi32, #tpu.memory_space<vmem>>
      %dma_wait3A_1121 = arith.constant 0 : i32
      %dma_wait3A_1122 = arith.constant 0 : i32
      %dma_wait3A_1123 = tpu.memref_slice %arg3[%dma_wait3A_1121, %dma_wait3A_1122] : memref<1015808x64xf32, #tpu.memory_space<hbm>> -> memref<1015808x64xf32, #tpu.memory_space<hbm>>
      tpu.wait_indirect_dma semaphore(%arg15 : memref<!tpu.dma_semaphore, #tpu.memory_space<semaphore_mem>>) src(%dma_wait3A_1123 : memref<1015808x64xf32, #tpu.memory_space<hbm>>) dst(%dma_wait3A_1117 : memref<100x64xf32, #tpu.memory_space<vmem>>)
      %broadcast_in_dim3A_1124 = arith.constant 0.000000e+00 : f32
      %broadcast_in_dim3A_1125 = vector.broadcast %broadcast_in_dim3A_1124 : f32 to vector<16xf32>
      %broadcast_in_dim3A_1126 = arith.constant 0.000000e+00 : f32
      %broadcast_in_dim3A_1127 = vector.broadcast %broadcast_in_dim3A_1126 : f32 to vector<16xf32>
      %broadcast_in_dim3A_1128 = arith.constant 0.000000e+00 : f32
      %broadcast_in_dim3A_1129 = vector.broadcast %broadcast_in_dim3A_1128 : f32 to vector<16xf32>
      %broadcast_in_dim3A_1130 = arith.constant 0.000000e+00 : f32
      %broadcast_in_dim3A_1131 = vector.broadcast %broadcast_in_dim3A_1130 : f32 to vector<16xf32>
      %scan3A_1132 = arith.constant 0 : i32
      %scan3A_1133 = arith.constant 50 : i32
      %scan3A_1134 = arith.addi %scan3A_1132, %scan3A_1133 : i32
      %scan3A_1135 = arith.constant 2 : i32
      %scan3A_1136:4 = scf.for %scan3A_1255 = %scan3A_1132 to %scan3A_1134 step %scan3A_1135 iter_args(%scan3A_1256 = %broadcast_in_dim3A_1125, %scan3A_1257 = %broadcast_in_dim3A_1127, %scan3A_1258 = %broadcast_in_dim3A_1129, %scan3A_1259 = %broadcast_in_dim3A_1131) -> (vector<16xf32>, vector<16xf32>, vector<16xf32>, vector<16xf32>)  : i32 {
        %add3A_1260 = arith.constant 0 : i32
        %add3A_1261 = arith.addi %add3A_1260, %scan3A_1255 : i32
        %get3A = arith.constant 7 : i32
        %get3A_1262 = arith.index_cast %get3A : i32 to index
        %get3A_1263 = arith.index_cast %add3A_1261 : i32 to index
        %get3A_1264 = arith.constant 0 : index
        %get3A_1265 = tpu.vector_load %arg6[%get3A_1262, %get3A_1263, %get3A_1264] {strides = array<i32>} : memref<8x100x64xf32, #tpu.memory_space<vmem>>, vector<1x1x16xf32>,
        %get3A_1266 = vector.shape_cast %get3A_1265 : vector<1x1x16xf32> to vector<16xf32>
        %add3A_1267 = arith.addf %scan3A_1256, %get3A_1266 : vector<16xf32>
        %add3A_1268 = arith.constant 0 : i32
        %add3A_1269 = arith.addi %add3A_1268, %scan3A_1255 : i32
        %get3A_1270 = arith.constant 7 : i32
        %get3A_1271 = arith.index_cast %get3A_1270 : i32 to index
        %get3A_1272 = arith.index_cast %add3A_1269 : i32 to index
        %get3A_1273 = arith.constant 16 : index
        %get3A_1274 = tpu.vector_load %arg6[%get3A_1271, %get3A_1272, %get3A_1273] {strides = array<i32>} : memref<8x100x64xf32, #tpu.memory_space<vmem>>, vector<1x1x16xf32>,
        %get3A_1275 = vector.shape_cast %get3A_1274 : vector<1x1x16xf32> to vector<16xf32>
        %add3A_1276 = arith.addf %scan3A_1257, %get3A_1275 : vector<16xf32>
        %add3A_1277 = arith.constant 0 : i32
        %add3A_1278 = arith.addi %add3A_1277, %scan3A_1255 : i32
        %get3A_1279 = arith.constant 7 : i32
        %get3A_1280 = arith.index_cast %get3A_1279 : i32 to index
        %get3A_1281 = arith.index_cast %add3A_1278 : i32 to index
        %get3A_1282 = arith.constant 32 : index
        %get3A_1283 = tpu.vector_load %arg6[%get3A_1280, %get3A_1281, %get3A_1282] {strides = array<i32>} : memref<8x100x64xf32, #tpu.memory_space<vmem>>, vector<1x1x16xf32>,
        %get3A_1284 = vector.shape_cast %get3A_1283 : vector<1x1x16xf32> to vector<16xf32>
        %add3A_1285 = arith.addf %scan3A_1258, %get3A_1284 : vector<16xf32>
        %add3A_1286 = arith.constant 0 : i32
        %add3A_1287 = arith.addi %add3A_1286, %scan3A_1255 : i32
        %get3A_1288 = arith.constant 7 : i32
        %get3A_1289 = arith.index_cast %get3A_1288 : i32 to index
        %get3A_1290 = arith.index_cast %add3A_1287 : i32 to index
        %get3A_1291 = arith.constant 48 : index
        %get3A_1292 = tpu.vector_load %arg6[%get3A_1289, %get3A_1290, %get3A_1291] {strides = array<i32>} : memref<8x100x64xf32, #tpu.memory_space<vmem>>, vector<1x1x16xf32>,
        %get3A_1293 = vector.shape_cast %get3A_1292 : vector<1x1x16xf32> to vector<16xf32>
        %add3A_1294 = arith.addf %scan3A_1259, %get3A_1293 : vector<16xf32>
        %scan3A_1295 = arith.constant 1 : i32
        %scan3A_1296 = arith.addi %scan3A_1255, %scan3A_1295 : i32
        %add3A_1297 = arith.constant 0 : i32
        %add3A_1298 = arith.addi %add3A_1297, %scan3A_1296 : i32
        %get3A_1299 = arith.constant 7 : i32
        %get3A_1300 = arith.index_cast %get3A_1299 : i32 to index
        %get3A_1301 = arith.index_cast %add3A_1298 : i32 to index
        %get3A_1302 = arith.constant 0 : index
        %get3A_1303 = tpu.vector_load %arg6[%get3A_1300, %get3A_1301, %get3A_1302] {strides = array<i32>} : memref<8x100x64xf32, #tpu.memory_space<vmem>>, vector<1x1x16xf32>,
        %get3A_1304 = vector.shape_cast %get3A_1303 : vector<1x1x16xf32> to vector<16xf32>
        %add3A_1305 = arith.addf %add3A_1267, %get3A_1304 : vector<16xf32>
        %add3A_1306 = arith.constant 0 : i32
        %add3A_1307 = arith.addi %add3A_1306, %scan3A_1296 : i32
        %get3A_1308 = arith.constant 7 : i32
        %get3A_1309 = arith.index_cast %get3A_1308 : i32 to index
        %get3A_1310 = arith.index_cast %add3A_1307 : i32 to index
        %get3A_1311 = arith.constant 16 : index
        %get3A_1312 = tpu.vector_load %arg6[%get3A_1309, %get3A_1310, %get3A_1311] {strides = array<i32>} : memref<8x100x64xf32, #tpu.memory_space<vmem>>, vector<1x1x16xf32>,
        %get3A_1313 = vector.shape_cast %get3A_1312 : vector<1x1x16xf32> to vector<16xf32>
        %add3A_1314 = arith.addf %add3A_1276, %get3A_1313 : vector<16xf32>
        %add3A_1315 = arith.constant 0 : i32
        %add3A_1316 = arith.addi %add3A_1315, %scan3A_1296 : i32
        %get3A_1317 = arith.constant 7 : i32
        %get3A_1318 = arith.index_cast %get3A_1317 : i32 to index
        %get3A_1319 = arith.index_cast %add3A_1316 : i32 to index
        %get3A_1320 = arith.constant 32 : index
        %get3A_1321 = tpu.vector_load %arg6[%get3A_1318, %get3A_1319, %get3A_1320] {strides = array<i32>} : memref<8x100x64xf32, #tpu.memory_space<vmem>>, vector<1x1x16xf32>,
        %get3A_1322 = vector.shape_cast %get3A_1321 : vector<1x1x16xf32> to vector<16xf32>
        %add3A_1323 = arith.addf %add3A_1285, %get3A_1322 : vector<16xf32>
        %add3A_1324 = arith.constant 0 : i32
        %add3A_1325 = arith.addi %add3A_1324, %scan3A_1296 : i32
        %get3A_1326 = arith.constant 7 : i32
        %get3A_1327 = arith.index_cast %get3A_1326 : i32 to index
        %get3A_1328 = arith.index_cast %add3A_1325 : i32 to index
        %get3A_1329 = arith.constant 48 : index
        %get3A_1330 = tpu.vector_load %arg6[%get3A_1327, %get3A_1328, %get3A_1329] {strides = array<i32>} : memref<8x100x64xf32, #tpu.memory_space<vmem>>, vector<1x1x16xf32>,
        %get3A_1331 = vector.shape_cast %get3A_1330 : vector<1x1x16xf32> to vector<16xf32>
        %add3A_1332 = arith.addf %add3A_1294, %get3A_1331 : vector<16xf32>
        scf.yield %add3A_1305, %add3A_1314, %add3A_1323, %add3A_1332 : vector<16xf32>, vector<16xf32>, vector<16xf32>, vector<16xf32>
      }
      %scan3A_1137 = arith.constant 50 : i32
      %mul3A_1138 = arith.constant 2.000000e-02 : f32
      %mul3A_1139 = vector.broadcast %mul3A_1138 : f32 to vector<16xf32>
      %mul3A_1140 = arith.mulf %scan3A_1136#0, %mul3A_1139 : vector<16xf32>
      %mul3A_1141 = arith.constant 2 : i32
      %mul3A_1142 = arith.muli %add3A_1112, %mul3A_1141 : i32
      %add3A_1143 = arith.constant 0 : i32
      %add3A_1144 = arith.addi %mul3A_1142, %add3A_1143 : i32
      %swap3A_1145 = arith.index_cast %add3A_1144 : i32 to index
      %swap3A_1146 = arith.constant 0 : index
      %swap3A_1147 = tpu.vector_load %arg7[%swap3A_1145, %swap3A_1146] {strides = array<i32>} : memref<512x64xf32, #tpu.memory_space<vmem>>, vector<1x16xf32>,
      %swap3A_1148 = vector.shape_cast %swap3A_1147 : vector<1x16xf32> to vector<16xf32>
      %swap3A_1149 = vector.shape_cast %mul3A_1140 : vector<16xf32> to vector<1x16xf32>
      tpu.vector_store %arg7[%swap3A_1145, %swap3A_1146], %swap3A_1149 {strides = array<i32>} : memref<512x64xf32, #tpu.memory_space<vmem>>, vector<1x16xf32>,
      %mul3A_1150 = arith.constant 2.000000e-02 : f32
      %mul3A_1151 = vector.broadcast %mul3A_1150 : f32 to vector<16xf32>
      %mul3A_1152 = arith.mulf %scan3A_1136#1, %mul3A_1151 : vector<16xf32>
      %mul3A_1153 = arith.constant 2 : i32
      %mul3A_1154 = arith.muli %add3A_1112, %mul3A_1153 : i32
      %add3A_1155 = arith.constant 0 : i32
      %add3A_1156 = arith.addi %mul3A_1154, %add3A_1155 : i32
      %swap3A_1157 = arith.index_cast %add3A_1156 : i32 to index
      %swap3A_1158 = arith.constant 16 : index
      %swap3A_1159 = tpu.vector_load %arg7[%swap3A_1157, %swap3A_1158] {strides = array<i32>} : memref<512x64xf32, #tpu.memory_space<vmem>>, vector<1x16xf32>,
      %swap3A_1160 = vector.shape_cast %swap3A_1159 : vector<1x16xf32> to vector<16xf32>
      %swap3A_1161 = vector.shape_cast %mul3A_1152 : vector<16xf32> to vector<1x16xf32>
      tpu.vector_store %arg7[%swap3A_1157, %swap3A_1158], %swap3A_1161 {strides = array<i32>} : memref<512x64xf32, #tpu.memory_space<vmem>>, vector<1x16xf32>,
      %mul3A_1162 = arith.constant 2.000000e-02 : f32
      %mul3A_1163 = vector.broadcast %mul3A_1162 : f32 to vector<16xf32>
      %mul3A_1164 = arith.mulf %scan3A_1136#2, %mul3A_1163 : vector<16xf32>
      %mul3A_1165 = arith.constant 2 : i32
      %mul3A_1166 = arith.muli %add3A_1112, %mul3A_1165 : i32
      %add3A_1167 = arith.constant 0 : i32
      %add3A_1168 = arith.addi %mul3A_1166, %add3A_1167 : i32
      %swap3A_1169 = arith.index_cast %add3A_1168 : i32 to index
      %swap3A_1170 = arith.constant 32 : index
      %swap3A_1171 = tpu.vector_load %arg7[%swap3A_1169, %swap3A_1170] {strides = array<i32>} : memref<512x64xf32, #tpu.memory_space<vmem>>, vector<1x16xf32>,
      %swap3A_1172 = vector.shape_cast %swap3A_1171 : vector<1x16xf32> to vector<16xf32>
      %swap3A_1173 = vector.shape_cast %mul3A_1164 : vector<16xf32> to vector<1x16xf32>
      tpu.vector_store %arg7[%swap3A_1169, %swap3A_1170], %swap3A_1173 {strides = array<i32>} : memref<512x64xf32, #tpu.memory_space<vmem>>, vector<1x16xf32>,
      %mul3A_1174 = arith.constant 2.000000e-02 : f32
      %mul3A_1175 = vector.broadcast %mul3A_1174 : f32 to vector<16xf32>
      %mul3A_1176 = arith.mulf %scan3A_1136#3, %mul3A_1175 : vector<16xf32>
      %mul3A_1177 = arith.constant 2 : i32
      %mul3A_1178 = arith.muli %add3A_1112, %mul3A_1177 : i32
      %add3A_1179 = arith.constant 0 : i32
      %add3A_1180 = arith.addi %mul3A_1178, %add3A_1179 : i32
      %swap3A_1181 = arith.index_cast %add3A_1180 : i32 to index
      %swap3A_1182 = arith.constant 48 : index
      %swap3A_1183 = tpu.vector_load %arg7[%swap3A_1181, %swap3A_1182] {strides = array<i32>} : memref<512x64xf32, #tpu.memory_space<vmem>>, vector<1x16xf32>,
      %swap3A_1184 = vector.shape_cast %swap3A_1183 : vector<1x16xf32> to vector<16xf32>
      %swap3A_1185 = vector.shape_cast %mul3A_1176 : vector<16xf32> to vector<1x16xf32>
      tpu.vector_store %arg7[%swap3A_1181, %swap3A_1182], %swap3A_1185 {strides = array<i32>} : memref<512x64xf32, #tpu.memory_space<vmem>>, vector<1x16xf32>,
      %broadcast_in_dim3A_1186 = arith.constant 0.000000e+00 : f32
      %broadcast_in_dim3A_1187 = vector.broadcast %broadcast_in_dim3A_1186 : f32 to vector<16xf32>
      %broadcast_in_dim3A_1188 = arith.constant 0.000000e+00 : f32
      %broadcast_in_dim3A_1189 = vector.broadcast %broadcast_in_dim3A_1188 : f32 to vector<16xf32>
      %broadcast_in_dim3A_1190 = arith.constant 0.000000e+00 : f32
      %broadcast_in_dim3A_1191 = vector.broadcast %broadcast_in_dim3A_1190 : f32 to vector<16xf32>
      %broadcast_in_dim3A_1192 = arith.constant 0.000000e+00 : f32
      %broadcast_in_dim3A_1193 = vector.broadcast %broadcast_in_dim3A_1192 : f32 to vector<16xf32>
      %scan3A_1194 = arith.constant 0 : i32
      %scan3A_1195 = arith.constant 50 : i32
      %scan3A_1196 = arith.addi %scan3A_1194, %scan3A_1195 : i32
      %scan3A_1197 = arith.constant 2 : i32
      %scan3A_1198:4 = scf.for %scan3A_1255 = %scan3A_1194 to %scan3A_1196 step %scan3A_1197 iter_args(%scan3A_1256 = %broadcast_in_dim3A_1187, %scan3A_1257 = %broadcast_in_dim3A_1189, %scan3A_1258 = %broadcast_in_dim3A_1191, %scan3A_1259 = %broadcast_in_dim3A_1193) -> (vector<16xf32>, vector<16xf32>, vector<16xf32>, vector<16xf32>)  : i32 {
        %add3A_1260 = arith.constant 50 : i32
        %add3A_1261 = arith.addi %add3A_1260, %scan3A_1255 : i32
        %get3A = arith.constant 7 : i32
        %get3A_1262 = arith.index_cast %get3A : i32 to index
        %get3A_1263 = arith.index_cast %add3A_1261 : i32 to index
        %get3A_1264 = arith.constant 0 : index
        %get3A_1265 = tpu.vector_load %arg6[%get3A_1262, %get3A_1263, %get3A_1264] {strides = array<i32>} : memref<8x100x64xf32, #tpu.memory_space<vmem>>, vector<1x1x16xf32>,
        %get3A_1266 = vector.shape_cast %get3A_1265 : vector<1x1x16xf32> to vector<16xf32>
        %add3A_1267 = arith.addf %scan3A_1256, %get3A_1266 : vector<16xf32>
        %add3A_1268 = arith.constant 50 : i32
        %add3A_1269 = arith.addi %add3A_1268, %scan3A_1255 : i32
        %get3A_1270 = arith.constant 7 : i32
        %get3A_1271 = arith.index_cast %get3A_1270 : i32 to index
        %get3A_1272 = arith.index_cast %add3A_1269 : i32 to index
        %get3A_1273 = arith.constant 16 : index
        %get3A_1274 = tpu.vector_load %arg6[%get3A_1271, %get3A_1272, %get3A_1273] {strides = array<i32>} : memref<8x100x64xf32, #tpu.memory_space<vmem>>, vector<1x1x16xf32>,
        %get3A_1275 = vector.shape_cast %get3A_1274 : vector<1x1x16xf32> to vector<16xf32>
        %add3A_1276 = arith.addf %scan3A_1257, %get3A_1275 : vector<16xf32>
        %add3A_1277 = arith.constant 50 : i32
        %add3A_1278 = arith.addi %add3A_1277, %scan3A_1255 : i32
        %get3A_1279 = arith.constant 7 : i32
        %get3A_1280 = arith.index_cast %get3A_1279 : i32 to index
        %get3A_1281 = arith.index_cast %add3A_1278 : i32 to index
        %get3A_1282 = arith.constant 32 : index
        %get3A_1283 = tpu.vector_load %arg6[%get3A_1280, %get3A_1281, %get3A_1282] {strides = array<i32>} : memref<8x100x64xf32, #tpu.memory_space<vmem>>, vector<1x1x16xf32>,
        %get3A_1284 = vector.shape_cast %get3A_1283 : vector<1x1x16xf32> to vector<16xf32>
        %add3A_1285 = arith.addf %scan3A_1258, %get3A_1284 : vector<16xf32>
        %add3A_1286 = arith.constant 50 : i32
        %add3A_1287 = arith.addi %add3A_1286, %scan3A_1255 : i32
        %get3A_1288 = arith.constant 7 : i32
        %get3A_1289 = arith.index_cast %get3A_1288 : i32 to index
        %get3A_1290 = arith.index_cast %add3A_1287 : i32 to index
        %get3A_1291 = arith.constant 48 : index
        %get3A_1292 = tpu.vector_load %arg6[%get3A_1289, %get3A_1290, %get3A_1291] {strides = array<i32>} : memref<8x100x64xf32, #tpu.memory_space<vmem>>, vector<1x1x16xf32>,
        %get3A_1293 = vector.shape_cast %get3A_1292 : vector<1x1x16xf32> to vector<16xf32>
        %add3A_1294 = arith.addf %scan3A_1259, %get3A_1293 : vector<16xf32>
        %scan3A_1295 = arith.constant 1 : i32
        %scan3A_1296 = arith.addi %scan3A_1255, %scan3A_1295 : i32
        %add3A_1297 = arith.constant 50 : i32
        %add3A_1298 = arith.addi %add3A_1297, %scan3A_1296 : i32
        %get3A_1299 = arith.constant 7 : i32
        %get3A_1300 = arith.index_cast %get3A_1299 : i32 to index
        %get3A_1301 = arith.index_cast %add3A_1298 : i32 to index
        %get3A_1302 = arith.constant 0 : index
        %get3A_1303 = tpu.vector_load %arg6[%get3A_1300, %get3A_1301, %get3A_1302] {strides = array<i32>} : memref<8x100x64xf32, #tpu.memory_space<vmem>>, vector<1x1x16xf32>,
        %get3A_1304 = vector.shape_cast %get3A_1303 : vector<1x1x16xf32> to vector<16xf32>
        %add3A_1305 = arith.addf %add3A_1267, %get3A_1304 : vector<16xf32>
        %add3A_1306 = arith.constant 50 : i32
        %add3A_1307 = arith.addi %add3A_1306, %scan3A_1296 : i32
        %get3A_1308 = arith.constant 7 : i32
        %get3A_1309 = arith.index_cast %get3A_1308 : i32 to index
        %get3A_1310 = arith.index_cast %add3A_1307 : i32 to index
        %get3A_1311 = arith.constant 16 : index
        %get3A_1312 = tpu.vector_load %arg6[%get3A_1309, %get3A_1310, %get3A_1311] {strides = array<i32>} : memref<8x100x64xf32, #tpu.memory_space<vmem>>, vector<1x1x16xf32>,
        %get3A_1313 = vector.shape_cast %get3A_1312 : vector<1x1x16xf32> to vector<16xf32>
        %add3A_1314 = arith.addf %add3A_1276, %get3A_1313 : vector<16xf32>
        %add3A_1315 = arith.constant 50 : i32
        %add3A_1316 = arith.addi %add3A_1315, %scan3A_1296 : i32
        %get3A_1317 = arith.constant 7 : i32
        %get3A_1318 = arith.index_cast %get3A_1317 : i32 to index
        %get3A_1319 = arith.index_cast %add3A_1316 : i32 to index
        %get3A_1320 = arith.constant 32 : index
        %get3A_1321 = tpu.vector_load %arg6[%get3A_1318, %get3A_1319, %get3A_1320] {strides = array<i32>} : memref<8x100x64xf32, #tpu.memory_space<vmem>>, vector<1x1x16xf32>,
        %get3A_1322 = vector.shape_cast %get3A_1321 : vector<1x1x16xf32> to vector<16xf32>
        %add3A_1323 = arith.addf %add3A_1285, %get3A_1322 : vector<16xf32>
        %add3A_1324 = arith.constant 50 : i32
        %add3A_1325 = arith.addi %add3A_1324, %scan3A_1296 : i32
        %get3A_1326 = arith.constant 7 : i32
        %get3A_1327 = arith.index_cast %get3A_1326 : i32 to index
        %get3A_1328 = arith.index_cast %add3A_1325 : i32 to index
        %get3A_1329 = arith.constant 48 : index
        %get3A_1330 = tpu.vector_load %arg6[%get3A_1327, %get3A_1328, %get3A_1329] {strides = array<i32>} : memref<8x100x64xf32, #tpu.memory_space<vmem>>, vector<1x1x16xf32>,
        %get3A_1331 = vector.shape_cast %get3A_1330 : vector<1x1x16xf32> to vector<16xf32>
        %add3A_1332 = arith.addf %add3A_1294, %get3A_1331 : vector<16xf32>
        scf.yield %add3A_1305, %add3A_1314, %add3A_1323, %add3A_1332 : vector<16xf32>, vector<16xf32>, vector<16xf32>, vector<16xf32>
      }
      %scan3A_1199 = arith.constant 50 : i32
      %mul3A_1200 = arith.constant 2.000000e-02 : f32
      %mul3A_1201 = vector.broadcast %mul3A_1200 : f32 to vector<16xf32>
      %mul3A_1202 = arith.mulf %scan3A_1198#0, %mul3A_1201 : vector<16xf32>
      %mul3A_1203 = arith.constant 2 : i32
      %mul3A_1204 = arith.muli %add3A_1112, %mul3A_1203 : i32
      %add3A_1205 = arith.constant 1 : i32
      %add3A_1206 = arith.addi %mul3A_1204, %add3A_1205 : i32
      %swap3A_1207 = arith.index_cast %add3A_1206 : i32 to index
      %swap3A_1208 = arith.constant 0 : index
      %swap3A_1209 = tpu.vector_load %arg7[%swap3A_1207, %swap3A_1208] {strides = array<i32>} : memref<512x64xf32, #tpu.memory_space<vmem>>, vector<1x16xf32>,
      %swap3A_1210 = vector.shape_cast %swap3A_1209 : vector<1x16xf32> to vector<16xf32>
      %swap3A_1211 = vector.shape_cast %mul3A_1202 : vector<16xf32> to vector<1x16xf32>
      tpu.vector_store %arg7[%swap3A_1207, %swap3A_1208], %swap3A_1211 {strides = array<i32>} : memref<512x64xf32, #tpu.memory_space<vmem>>, vector<1x16xf32>,
      %mul3A_1212 = arith.constant 2.000000e-02 : f32
      %mul3A_1213 = vector.broadcast %mul3A_1212 : f32 to vector<16xf32>
      %mul3A_1214 = arith.mulf %scan3A_1198#1, %mul3A_1213 : vector<16xf32>
      %mul3A_1215 = arith.constant 2 : i32
      %mul3A_1216 = arith.muli %add3A_1112, %mul3A_1215 : i32
      %add3A_1217 = arith.constant 1 : i32
      %add3A_1218 = arith.addi %mul3A_1216, %add3A_1217 : i32
      %swap3A_1219 = arith.index_cast %add3A_1218 : i32 to index
      %swap3A_1220 = arith.constant 16 : index
      %swap3A_1221 = tpu.vector_load %arg7[%swap3A_1219, %swap3A_1220] {strides = array<i32>} : memref<512x64xf32, #tpu.memory_space<vmem>>, vector<1x16xf32>,
      %swap3A_1222 = vector.shape_cast %swap3A_1221 : vector<1x16xf32> to vector<16xf32>
      %swap3A_1223 = vector.shape_cast %mul3A_1214 : vector<16xf32> to vector<1x16xf32>
      tpu.vector_store %arg7[%swap3A_1219, %swap3A_1220], %swap3A_1223 {strides = array<i32>} : memref<512x64xf32, #tpu.memory_space<vmem>>, vector<1x16xf32>,
      %mul3A_1224 = arith.constant 2.000000e-02 : f32
      %mul3A_1225 = vector.broadcast %mul3A_1224 : f32 to vector<16xf32>
      %mul3A_1226 = arith.mulf %scan3A_1198#2, %mul3A_1225 : vector<16xf32>
      %mul3A_1227 = arith.constant 2 : i32
      %mul3A_1228 = arith.muli %add3A_1112, %mul3A_1227 : i32
      %add3A_1229 = arith.constant 1 : i32
      %add3A_1230 = arith.addi %mul3A_1228, %add3A_1229 : i32
      %swap3A_1231 = arith.index_cast %add3A_1230 : i32 to index
      %swap3A_1232 = arith.constant 32 : index
      %swap3A_1233 = tpu.vector_load %arg7[%swap3A_1231, %swap3A_1232] {strides = array<i32>} : memref<512x64xf32, #tpu.memory_space<vmem>>, vector<1x16xf32>,
      %swap3A_1234 = vector.shape_cast %swap3A_1233 : vector<1x16xf32> to vector<16xf32>
      %swap3A_1235 = vector.shape_cast %mul3A_1226 : vector<16xf32> to vector<1x16xf32>
      tpu.vector_store %arg7[%swap3A_1231, %swap3A_1232], %swap3A_1235 {strides = array<i32>} : memref<512x64xf32, #tpu.memory_space<vmem>>, vector<1x16xf32>,
      %mul3A_1236 = arith.constant 2.000000e-02 : f32
      %mul3A_1237 = vector.broadcast %mul3A_1236 : f32 to vector<16xf32>
      %mul3A_1238 = arith.mulf %scan3A_1198#3, %mul3A_1237 : vector<16xf32>
      %mul3A_1239 = arith.constant 2 : i32
      %mul3A_1240 = arith.muli %add3A_1112, %mul3A_1239 : i32
      %add3A_1241 = arith.constant 1 : i32
      %add3A_1242 = arith.addi %mul3A_1240, %add3A_1241 : i32
      %swap3A_1243 = arith.index_cast %add3A_1242 : i32 to index
      %swap3A_1244 = arith.constant 48 : index
      %swap3A_1245 = tpu.vector_load %arg7[%swap3A_1243, %swap3A_1244] {strides = array<i32>} : memref<512x64xf32, #tpu.memory_space<vmem>>, vector<1x16xf32>,
      %swap3A_1246 = vector.shape_cast %swap3A_1245 : vector<1x16xf32> to vector<16xf32>
      %swap3A_1247 = vector.shape_cast %mul3A_1238 : vector<16xf32> to vector<1x16xf32>
      tpu.vector_store %arg7[%swap3A_1243, %swap3A_1244], %swap3A_1247 {strides = array<i32>} : memref<512x64xf32, #tpu.memory_space<vmem>>, vector<1x16xf32>,
      %add3A_1248 = arith.constant 8 : i32
      %add3A_1249 = arith.addi %add3A_1112, %add3A_1248 : i32
      %lt3A_1250 = arith.constant 256 : i32
      %lt3A_1251 = arith.cmpi slt, %add3A_1249, %lt3A_1250 : i32
      %convert_element_type3A_1252 = arith.extui %lt3A_1251 : i1 to i32
      %cond3A_1253 = arith.constant 0 : i32
      %cond3A_1254 = arith.cmpi ne, %convert_element_type3A_1252, %cond3A_1253 : i32
      scf.if %cond3A_1254 {
        %dma_start3A_1255 = arith.constant 7 : i32
        %dma_start3A_1256 = arith.constant 0 : i32
        %dma_start3A_1257 = arith.constant 0 : i32
        %dma_start3A_1258 = tpu.memref_slice %arg6[%dma_start3A_1255, %dma_start3A_1256, %dma_start3A_1257] : memref<8x100x64xf32, #tpu.memory_space<vmem>> -> memref<1x100x64xf32, #tpu.memory_space<vmem>>
        %dma_start3A_1259 = tpu.memref_squeeze %dma_start3A_1258 : memref<1x100x64xf32, #tpu.memory_space<vmem>> -> memref<100x64xf32, #tpu.memory_space<vmem>>
        %dma_start3A_1260 = arith.constant 0 : i32
        %dma_start3A_1261 = tpu.memref_slice %arg5[%add3A_1249, %dma_start3A_1260] : memref<256x100xi32, #tpu.memory_space<vmem>> -> memref<1x100xi32, #tpu.memory_space<vmem>>
        %dma_start3A_1262 = tpu.memref_squeeze %dma_start3A_1261 : memref<1x100xi32, #tpu.memory_space<vmem>> -> memref<100xi32, #tpu.memory_space<vmem>>
        %dma_start3A_1263 = arith.constant 0 : i32
        %dma_start3A_1264 = arith.constant 0 : i32
        %dma_start3A_1265 = tpu.memref_slice %arg3[%dma_start3A_1263, %dma_start3A_1264] : memref<1015808x64xf32, #tpu.memory_space<hbm>> -> memref<1015808x64xf32, #tpu.memory_space<hbm>>
        tpu.enqueue_indirect_dma source(%dma_start3A_1265 : memref<1015808x64xf32, #tpu.memory_space<hbm>>) target(%dma_start3A_1259 : memref<100x64xf32, #tpu.memory_space<vmem>>) offsets(%dma_start3A_1262 : memref<100xi32, #tpu.memory_space<vmem>>) semaphore(%arg15 : memref<!tpu.dma_semaphore, #tpu.memory_space<semaphore_mem>>)
      } else {
      }
    }
    %scan3A_101 = arith.constant 32 : i32
    %mul3A_102 = arith.constant 512 : i32
    %mul3A_103 = arith.muli %add3A, %mul3A_102 : i32
    "tpu.region"() ({
      %run_scoped3A = tpu.sem_alloc : memref<!tpu.dma_semaphore, #tpu.memory_space<semaphore_mem>>
      %dma_start3A_104 = arith.constant 0 : i32
      %dma_start3A_105 = tpu.memref_slice %arg4[%mul3A_103, %dma_start3A_104] : memref<16384x64xf32, #tpu.memory_space<hbm>> -> memref<512x64xf32, #tpu.memory_space<hbm>>
      %dma_start3A_106 = arith.constant 0 : i32
      %dma_start3A_107 = tpu.memref_slice %arg4[%mul3A_103, %dma_start3A_106] : memref<16384x64xf32, #tpu.memory_space<hbm>> -> memref<512x64xf32, #tpu.memory_space<hbm>>
      tpu.enqueue_dma source(%arg7 : memref<512x64xf32, #tpu.memory_space<vmem>>) target(%dma_start3A_107 : memref<512x64xf32, #tpu.memory_space<hbm>>) target_semaphore(%run_scoped3A : memref<!tpu.dma_semaphore, #tpu.memory_space<semaphore_mem>>)
      %dma_wait3A = arith.constant 0 : i32
      %dma_wait3A_108 = tpu.memref_slice %arg4[%mul3A_103, %dma_wait3A] : memref<16384x64xf32, #tpu.memory_space<hbm>> -> memref<512x64xf32, #tpu.memory_space<hbm>>
      %dma_wait3A_109 = arith.constant 0 : i32
      %dma_wait3A_110 = tpu.memref_slice %arg4[%mul3A_103, %dma_wait3A_109] : memref<16384x64xf32, #tpu.memory_space<hbm>> -> memref<512x64xf32, #tpu.memory_space<hbm>>
      tpu.wait_dma2 semaphore(%run_scoped3A : memref<!tpu.dma_semaphore, #tpu.memory_space<semaphore_mem>>) src(%arg7 : memref<512x64xf32, #tpu.memory_space<vmem>>) dst(%dma_wait3A_110 : memref<512x64xf32, #tpu.memory_space<hbm>>)
      tpu.yield
    }) : () -> ()
    return
  }
}

module attributes {stable_mosaic.version = 14 : i64} {
  func.func @_format_body(%arg0: i32, %arg1: memref<64x16384xf32, #tpu.memory_space<vmem>>, %arg2: memref<8192x128xf32, #tpu.memory_space<vmem>>) attributes {dimension_semantics = [#tpu.dimension_semantics<parallel>], iteration_bounds = array<i64: 62>, scalar_prefetch = 0 : i64, scratch_operands = 0 : i64, tpu.core_type = #tpu.core_type<tc>, window_params = [{transform_indices = @transform_0, window_bounds = array<i64: 64, 16384>}, {transform_indices = @transform_1, window_bounds = array<i64: 8192, 128>}]} {
    %get3A = arith.constant 0 : index
    %get3A_0 = arith.constant 0 : index
    %get3A_1 = vector.load %arg1[%get3A, %get3A_0] : memref<64x16384xf32, #tpu.memory_space<vmem>>, vector<64x8192xf32>
    %transpose3A = tpu.transpose %get3A_1, [1, 0] : vector<64x8192xf32> -> vector<8192x64xf32>
    %get3A_2 = arith.constant 0 : index
    %get3A_3 = arith.constant 8192 : index
    %get3A_4 = vector.load %arg1[%get3A_2, %get3A_3] : memref<64x16384xf32, #tpu.memory_space<vmem>>, vector<64x8192xf32>
    %transpose3A_5 = tpu.transpose %get3A_4, [1, 0] : vector<64x8192xf32> -> vector<8192x64xf32>
    %concatenate3A = tpu.concatenate %transpose3A, %transpose3A_5 in 1 : vector<8192x64xf32>, vector<8192x64xf32> -> vector<8192x128xf32>
    %swap3A = arith.constant 0 : index
    %swap3A_6 = arith.constant 0 : index
    %swap3A_7 = vector.load %arg2[%swap3A, %swap3A_6] : memref<8192x128xf32, #tpu.memory_space<vmem>>, vector<8192x128xf32>
    tpu.vector_store %arg2[%swap3A, %swap3A_6], %concatenate3A {strides = array<i32>} : memref<8192x128xf32, #tpu.memory_space<vmem>>, vector<8192x128xf32>,
    return
  }
  func.func @transform_0(%arg0: i32) -> (i32, i32) {
    %c0_i32 = arith.constant 0 : i32
    %c0_i32_0 = arith.constant 0 : i32
    return %c0_i32, %arg0 : i32, i32
  }
  func.func @transform_1(%arg0: i32) -> (i32, i32) {
    %c0_i32 = arith.constant 0 : i32
    %c0_i32_0 = arith.constant 0 : i32
    return %arg0, %c0_i32 : i32, i32
  }
}

</mosaic_0001>

<sc_bundles>
// kernel: _run.4.cloned.1.call-start
scs
__scs_entry_jumppad:
0x0: {  	(pc) =	sbr.rel $0x88, $3  }
0x1: {  	(tag) =	ssettag $0x0;
	lr =	simm.s32 $0x1  }
0x2: {  	[smem:$0x3F9F] =	sst lr;
	_ =	strace $0xD0000000  }
0x3: {  	_ = 	snop  }
0x4: {  	_ = 	snop  }
0x5: {  	_ = 	snop  }
0x6: {  	_ = 	snop  }
0x7: {  	_ = 	snop  }
__scs_overlays_trampoline_lowered:
0x8: {  	[smem:$0x3FAE] =	sst s0  }
0x9: {  	[smem:$0x3FAF] =	sst s1  }
0xa: {  	[smem:$0x3FB0] =	sst s2  }
0xb: {  	[smem:$0x3FB1] =	sst s3  }
0xc: {  	[smem:$0x3FB2] =	sst s4  }
0xd: {  	[smem:$0x3FB3] =	sst s5  }
0xe: {  	[smem:$0x3FB4] =	sst s6  }
0xf: {  	[smem:$0x3FB5] =	sst s7  }
0x10: {  	[smem:$0x3FB6] =	sst s8  }
0x11: {  	[smem:$0x3FB7] =	sst s9;
	s0 =	simm.s32 @!p0 $0x0  }
0x12: {  	s1 =	sld [smem:$0x3F9D];
	s0 =	simm.s32 @p0 $0x1  }
0x13: {  	[smem:$0x3FB8] =	sst s0;
	s0 =	simm.s32 @!p1 $0x0  }
0x14: {  	s2 =	sld [smem:$0x3F9C];
	s0 =	simm.s32 @p1 $0x1  }
0x15: {  	[smem:$0x3FB9] =	sst s0;
	s0 =	simm.s32 @!p2 $0x0  }
0x16: {  	s3 =	sld [smem:$0x3FDB];
	s0 =	simm.s32 @p2 $0x1  }
0x17: {  	s4 =	simm.s32 $0x1BF5;
	[smem:$0x3FBB] =	sst s0  }
0x18: {  	s0 =	sld [smem:$0x3F9E];
	_ =	swait.ge [sflag:s4], $0x0  }
0x19: {  	s7 =	sld [smem:$0x3F9F]  }
0x1a: {  	s8 =	sadd.s32 $0xFFFFE003, lr  }
0x1b: {  	s9 =	sadd.s32 $0xFFFFFEF7, lr;
	s5 =	simm.s32 $0xFFFFFFFF;
	p2 =	slt.u32 s8, $0xFFFFF086  }
0x1c: {  	p1 =	slt.u32 s9, $0xF7A;
	s5 =	simm.s32 @!p2 $0x0  }
0x1d: {  	s5 =	simm.s32 @p1 $0x1;
	p0 =	seq.s32 s7, s2  }
0x1e: {  	s7 =	smul.u32 @!p0 $0xF7A, s2;
	p2 =	seq.s32 @!p0 s5, $0x0  }
0x1f: {  	s9 =	smul.u32 $0xF7A, s1;
	s8 =	simm.s32 @!p0 $0x1BF5;
	p2 =	por !p2, p0  }
0x20: {  	[sflag:s8] =	ssyncset.s32 @!p0 $0xFFFFF086;
	s6 =	sadd.s32 @!p0 s3, s7;
	s7 =	simm.s32 @!p0 $0x108  }
0x21: {  	s3 =	sadd.s32 s3, s9;
	s6 =	sadd.s32 @!p0 $0x88, s6;
	s7 =	simm.s32 @p2 $0x1082  }
0x22: {  	[simem:s7], [sflag:s8] =	dma.local @!p0 [hbm:s6], $0xF7A  }
0x23: {  	s9 =	sor.u32 $0xD0000000, s2;
	s6 =	simm.s32 $0x108;
	_ =	swait.ge @!p0 [sflag:s8], $0x0  }
0x24: {  	s3 =	sadd.s32 $0x88, s3;
	s6 =	simm.s32 @!p1 $0x1082;
	[sflag:s4] =	ssyncset.s32 $0xFFFFF086  }
0x25: {  	[simem:s6], [sflag:s4] =	dma.local [hbm:s3], $0xF7A  }
0x26: {  	[smem:$0x3F9F] =	sst s1;
	(tag) =	ssettag s2;
	_ =	strace s9  }
0x27: {  	s1 =	sld [smem:$0x3FAF]  }
0x28: {  	s2 =	sld [smem:$0x3FB0]  }
0x29: {  	s4 =	sld [smem:$0x3FB2]  }
0x2a: {  	p0 =	seq.s32 s5, $0x0;
	s5 =	sld [smem:$0x3FB3]  }
0x2b: {  	s6 =	sld [smem:$0x3FB4]  }
0x2c: {  	s7 =	sld [smem:$0x3FB5]  }
0x2d: {  	s3 =	simm.s32 $0x108;
	s8 =	sld [smem:$0x3FB6]  }
0x2e: {  	s3 =	simm.s32 @!p0 $0x1082;
	s9 =	sld [smem:$0x3FB7]  }
0x2f: {  	lr =	sadd.s32 s0, s3;
	s0 =	sld [smem:$0x3FAE]  }
0x30: {  	s3 =	sld [smem:$0x3FB1]  }
0x31: {  	[smem:$0x3FBA] =	sst s10  }
0x32: {  	s10 =	sld [smem:$0x3FB8];
	_ =	sdelay $0x3  }
0x33: {  	p0 =	seq.s32 s10, $0x1;
	s10 =	sld [smem:$0x3FBA];
	_ =	sdelay $0x3  }
0x34: {  	[smem:$0x3FBA] =	sst s10  }
0x35: {  	s10 =	sld [smem:$0x3FB9];
	_ =	sdelay $0x3  }
0x36: {  	p1 =	seq.s32 s10, $0x1;
	s10 =	sld [smem:$0x3FBA];
	_ =	sdelay $0x3  }
0x37: {  	[smem:$0x3FBA] =	sst s10  }
0x38: {  	s10 =	sld [smem:$0x3FBB]  }
0x39: {  	_ = 	snop;
	(pc) =	sbr.ind lr, $3  }
0x3a: {  	_ = 	snop  }
0x3b: {  	_ = 	snop  }
0x3c: {  	p2 =	seq.s32 s10, $0x1;
	s10 =	sld [smem:$0x3FBA]  }
0x3d: {  	_ =	shalt  }
0x3e: {  	_ =	shalt  }
0x3f: {  	_ =	shalt  }
0x40: {  	_ =	shalt  }
0x41: {  	_ =	shalt  }
0x42: {  	_ =	shalt  }
0x43: {  	_ =	shalt  }
0x44: {  	_ =	shalt  }
0x45: {  	_ =	shalt  }
0x46: {  	_ =	shalt  }
0x47: {  	_ =	shalt  }
0x48: {  	_ =	shalt  }
0x49: {  	_ =	shalt  }
0x4a: {  	_ =	shalt  }
0x4b: {  	_ =	shalt  }
0x4c: {  	_ =	shalt  }
0x4d: {  	_ =	shalt  }
0x4e: {  	_ =	shalt  }
0x4f: {  	_ =	shalt  }
0x50: {  	_ =	shalt  }
0x51: {  	_ =	shalt  }
0x52: {  	_ =	shalt  }
0x53: {  	_ =	shalt  }
0x54: {  	_ =	shalt  }
0x55: {  	_ =	shalt  }
0x56: {  	_ =	shalt  }
0x57: {  	_ =	shalt  }
0x58: {  	_ =	shalt  }
0x59: {  	_ =	shalt  }
0x5a: {  	_ =	shalt  }
0x5b: {  	_ =	shalt  }
0x5c: {  	_ =	shalt  }
0x5d: {  	_ =	shalt  }
0x5e: {  	_ =	shalt  }
0x5f: {  	_ =	shalt  }
0x60: {  	_ =	shalt  }
0x61: {  	_ =	shalt  }
0x62: {  	_ =	shalt  }
0x63: {  	_ =	shalt  }
0x64: {  	_ =	shalt  }
0x65: {  	_ =	shalt  }
0x66: {  	_ =	shalt  }
0x67: {  	_ =	shalt  }
0x68: {  	_ =	shalt  }
0x69: {  	_ =	shalt  }
0x6a: {  	_ =	shalt  }
0x6b: {  	_ =	shalt  }
0x6c: {  	_ =	shalt  }
0x6d: {  	_ =	shalt  }
0x6e: {  	_ =	shalt  }
0x6f: {  	_ =	shalt  }
0x70: {  	_ =	shalt  }
0x71: {  	_ =	shalt  }
0x72: {  	_ =	shalt  }
0x73: {  	_ =	shalt  }
0x74: {  	_ =	shalt  }
0x75: {  	_ =	shalt  }
0x76: {  	_ =	shalt  }
0x77: {  	_ =	shalt  }
0x78: {  	_ =	shalt  }
0x79: {  	_ =	shalt  }
0x7a: {  	_ =	shalt  }
0x7b: {  	_ =	shalt  }
0x7c: {  	_ =	shalt  }
0x7d: {  	_ =	shalt  }
0x7e: {  	_ =	shalt  }
0x7f: {  	_ =	shalt  }
0x80: {  	_ =	shalt  }
0x81: {  	_ =	shalt  }
0x82: {  	_ =	shalt  }
0x83: {  	_ =	shalt  }
0x84: {  	_ =	shalt  }
0x85: {  	_ =	shalt  }
0x86: {  	_ =	shalt  }
0x87: {  	_ =	shalt  }
.Lfunc_end0:
.L_simem_size_0:
called_computation_lowered:
.L_overlay_start_0:
0x88: {  	s2 =	sld [smem:$0x3FD9]  }
0x89: {  	s3 =	sld [smem:$0x3FFE];
	_ =	sdelay $0x1  }
0x8a: {  	s1 =	srdreg.scid  }
0x8b: {  	s0 =	sand.u32 $0x1, s1  }
0x8c: {  	s17 =	sshll.u32 s0, $0xA;
	s2 =	sadd.s32 s3, s2  }
0x8d: {  	s2 =	sadd.s32 s2, s17  }
0x8e: {  	[smem:$0x3FC6] =	sst s2  }
0x8f: {  	_ = 	snop  }
0x90: {  	s2 =	sld [smem:$0x3FD0];
	(tm) =	ssettm $0x1  }
0x91: {  	s18 =	sld [smem:$0x3FFB];
	_ =	sdelay $0x3  }
0x92: {  	_ =	strace s18  }
0x93: {  	s3 =	sld [smem:$0x3FFC];
	_ =	sdelay $0x3  }
0x94: {  	_ =	strace s3  }
0x95: {  	s3 =	sld [smem:$0x3FFD];
	_ =	sdelay $0x3  }
0x96: {  	_ =	strace s3  }
0x97: {  	_ =	strace $0x8FFFFFFF  }
0x98: {  	s19 =	sld [smem:$0x3FDB];
	_ =	sdelay $0x1  }
0x99: {  	s4 =	simm.s32 $_scs_section_size  }
0x9a: {  	s5 =	simm.s32 $_size__tile_overlayer_lowered;
	s6 =	simm.s32 $_tile_overlayer_lowered  }
0x9b: {  	s22 =	simm.s32 $0x1BFF;
	s21 =	sshll.u32 s6, $0x1;
	s3 =	sadd.s32 s4, s19  }
0x9c: {  	s7 =	simm.s32 $0x0;
	s20 =	sshll.u32 s5, $0x1;
	s5 =	sadd.s32 s21, s3  }
0x9d: {  	[timem:s7], [sflag:s22] =	dma.local [hbm:s5], s20  }
0x9e: {  	_ =	swait.ge [sflag:s22], s20  }
0x9f: {  	s4 =	ssub.s32 $0x0, s20;
	[sflag:s22] =	ssyncset.done $0x0  }
0xa0: {  	[sflag:s22] =	ssyncadd.s32 s4;
	_ =	sdelay $0x1  }
0xa1: {  	s23 =	simm.s32 $0x1B8B  }
0xa2: {  	_ =	swait.ge [sflag:s23], $0x1  }
0xa3: {  	[sflag:s23] =	ssyncset.done $0x0  }
0xa4: {  	s25 =	simm.s32 $0x1B8E;
	s24 =	sld [smem:$0x3FFE];
	[sflag:s23] =	ssyncadd.s32 $0xFFFFFFFF  }
0xa5: {  	s26 =	simm.s32 $execute0_lowered;
	[smem:$0x3FD2] =	sst s25  }
0xa6: {  	s5 =	sshll.u32 s26, $0x1;
	_ =	strace $0x80000046;
	[dreg:$0x1] =	wrdreg $0xFFFFFFFF  }
0xa7: {  	s28 =	simm.s32 $_size_execute0_lowered;
	s3 =	sadd.s32 s3, s5;
	[dreg:$0x0] =	wrdreg $0x0  }
0xa8: {  	s5 =	sshll.u32 s28, $0x1;
	[dreg:$0x2] =	wrdreg s3  }
0xa9: {  	[dreg:$0x3] =	wrdreg s5  }
0xaa: {  	[dreg:$0x4] =	wrdreg $0xC0  }
0xab: {  	_ =	task [dreg:s7], $0x5FFFF  }
0xac: {  	[dreg:$0x1] =	wrdreg $0xFFFFFFFF  }
0xad: {  	[dreg:$0x0] =	wrdreg $0x60  }
0xae: {  	[dreg:$0x2] =	wrdreg s24  }
0xaf: {  	[dreg:$0x3] =	wrdreg s2  }
0xb0: {  	[dreg:$0x4] =	wrdreg $0x9  }
0xb1: {  	_ =	task.clear_ibuf [dreg:s7], $0x5FFFF;
	_ =	strace $0x90000046  }
0xb2: {  	s29 =	simm.s32 $0x9;
	_ =	strace $0x80000048  }
0xb3: {  	_ =	swait.ge [sflag:s29], $0x1  }
0xb4: {  	[sflag:s29] =	ssyncadd.s32 $0xFFFFFFFF  }
0xb5: {  	_ =	strace $0x90000048  }
0xb6: {  	_ =	sfence  }
0xb7: {  	s30 =	sld [smem:$0x0];
	_ =	sdelay $0x2  }
0xb8: {  	s31 =	sshll.u32 s1, $0xD;
	s1 =	sshrl.u32 s1, $0x2  }
0xb9: {  	s3 =	sand.u32 $0x4000, s31;
	s1 =	sadd.s32 s1, s30  }
0xba: {  	s0 =	sor.u32 s3, s0;
	s1 =	sshll.u32 s1, $0x11  }
0xbb: {  	s0 =	sor.u32 s1, s0  }
0xbc: {  	s0 =	sadd.s32 $0x8F2B, s0  }
0xbd: {  	[sflag:s0] =	ssyncadd.remote.s32 $0x1  }
0xbe: {  	_ =	sfence.sel $0xFFFF  }
0xbf: {  	[dreg:$0x0] =	wrdreg $0xFFFFFFFF;
	(pc) =	sbr.abs _section_cstart, $3  }
0xc0: {  	[dreg:$0x1] =	wrdreg $0xFFFFFFFF  }
0xc1: {  	_ =	task.clear_ibuf [dreg:s7], $0x2FFFF;
	_ =	strace $0x9FFFFFFF  }
0xc2: {  	(tm) =	ssettm $0x7FFFFFFF  }
0xc3: {  	_ =	shalt  }
tec
execute0_lowered:
.L_overlay_start_1:
0x0: {  	(tag) =	ssettag $0x1  }
0x1: {  	s0 =	srdreg.scid;
	s1 =	rddreg [dreg:$0x0]  }
0x2: {  	s2 =	stileid.u32;
	s5 =	rddreg [dreg:$0x1];
	s8 =	simm.s32 $0x64  }
0x3: {  	s16 =	simm.s32 $0x1A0;
	s17 =	simm.s32 $0xCC00;
	s18 =	simm.s32 $0x208  }
0x4: {  	s19 =	simm.s32 $0xE500;
	s20 =	simm.s32 $0x270;
	s21 =	simm.s32 $0xFE00  }
0x5: {  	s22 =	simm.s32 $0x2D8;
	s23 =	simm.s32 $0x11700;
	s24 =	simm.s32 $0x1  }
0x6: {  	s25 =	simm.s32 $0x2;
	s28 =	simm.s32 $0x4;
	s29 =	simm.s32 $0x5  }
0x7: {  	s30 =	simm.s32 $0x6;
	s0 =	sand.u32 $0x1, s0;
	s2 =	sshll.u32 s2, $0x1  }
0x8: {  	s31 =	simm.s32 $0x7;
	s9 =	simm.s32 $0x0;
	s4 =	sor.u32 s0, s2  }
0x9: {  	s2 =	simm.s32 $0x0;
	s0 =	ssub.s32 $0x2, s0;
	s3 =	smul.u32 $0xD00, s4  }
.Ltmp0:
0xa: {  	[smem:$0x7FF] =	sst s2;
	s7 =	sshrl.u32 s0, $0x1;
	(pc) =	sbr.rel .LBB2_1-.Ltmp0, $4  }
0xb: {  	s26 =	sshll.u32 s4, $0xC;
	_ =	strace $0x80000047;
	s0 =	ssub.s32 s0, s7  }
0xc: {  	s5 =	sadd.s32 s5, s26;
	s7 =	simm.s32 $0x9;
	s26 =	simm.s32 $0x3  }
0xd: {  	s6 =	sadd.s32 s3, s1;
	s3 =	sadd.s32 $0x1A400, s1;
	s1 =	simm.s32 $0x8  }
0xe: {  	s4 =	sadd.s32 $0x400, s6;
	s6 =	smax.u32 s0, $0x1;
	s0 =	simm.s32 $0x13000  }
.LBB2_36:
0xf: {  	s9 =	sadd.s32 $0x1, s9  }
0x10: {  	p0 =	sne.s32 s9, s6  }
.Ltmp1:
0x11: {  	_ = 	snop;
	(pc) =	sbr.rel @!p0 .LBB2_37-.Ltmp1, $4  }
0x12: {  	[hbm4b:s5+s2] =	stream.linear.scatter [tilespmem:s0], [sflag:$0x9], $0x8000, $0x38;
	[tilespmem:$0x1B000] =	vst v63  }
0x13: {  	_ =	swait.ge [sflag:s7], $0x8000  }
0x14: {  	[sflag:s7] =	ssyncset.done $0x0  }
0x15: {  	[sflag:s7] =	ssyncadd.s32 $0xFFFF8000  }
.LBB2_1:
0x16: {  	[tilespmem:s2], [sflag:$0x9] =	stream.linear.gather [hbm4b:s4+s2], $0x6800, $0x38;
	[tilespmem:$0x1B000] =	vst v63  }
0x17: {  	_ =	swait.ge [sflag:s7], $0x6800  }
0x18: {  	[sflag:s7] =	ssyncset.done $0x0  }
0x19: {  	s10 =	simm.s32 $0x6800;
	[sflag:s7] =	ssyncadd.s32 $0xFFFF9800  }
0x1a: {  	[tilespmem:s10], [sflag:$0x1] =	stream.indirect.gather [hbm4b:s3+s8], $0x40, s2, s8, $0xb8;
	[tilespmem:$0x1B000] =	vst v63  }
0x1b: {  	s15 =	simm.s32 $0x68;
	s11 =	simm.s32 $0x8100  }
0x1c: {  	[tilespmem:s11], [sflag:$0x2] =	stream.indirect.gather [hbm4b:s3+s8], $0x40, s15, s8, $0xb8;
	[tilespmem:$0x1B000] =	vst v63  }
0x1d: {  	s12 =	simm.s32 $0xD0;
	s13 =	simm.s32 $0x9A00  }
0x1e: {  	[tilespmem:s13], [sflag:$0x3] =	stream.indirect.gather [hbm4b:s3+s8], $0x40, s12, s8, $0xb8;
	[tilespmem:$0x1B000] =	vst v63  }
0x1f: {  	s14 =	simm.s32 $0x138;
	s15 =	simm.s32 $0xB300  }
0x20: {  	[tilespmem:s15], [sflag:$0x4] =	stream.indirect.gather [hbm4b:s3+s8], $0x40, s14, s8, $0xb8;
	[tilespmem:$0x1B000] =	vst v63  }
0x21: {  	_ = 	snop  }
0x22: {  	[tilespmem:s17], [sflag:$0x5] =	stream.indirect.gather [hbm4b:s3+s8], $0x40, s16, s8, $0xb8;
	[tilespmem:$0x1B000] =	vst v63  }
0x23: {  	_ = 	snop  }
0x24: {  	[tilespmem:s19], [sflag:$0x6] =	stream.indirect.gather [hbm4b:s3+s8], $0x40, s18, s8, $0xb8;
	[tilespmem:$0x1B000] =	vst v63  }
0x25: {  	_ = 	snop  }
0x26: {  	[tilespmem:s21], [sflag:$0x7] =	stream.indirect.gather [hbm4b:s3+s8], $0x40, s20, s8, $0xb8;
	[tilespmem:$0x1B000] =	vst v63  }
0x27: {  	s10 =	simm.s32 $0x0  }
0x28: {  	[tilespmem:s23], [sflag:$0x8] =	stream.indirect.gather [hbm4b:s3+s8], $0x40, s22, s8, $0xb8;
	[tilespmem:$0x1B000] =	vst v63  }
.LBB2_2:
0x29: {  	_ =	swait.ge [sflag:s24], $0x1900  }
0x2a: {  	[sflag:s24] =	ssyncset.done $0x0  }
0x2b: {  	s12 =	simm.s32 $0x6840;
	[sflag:s24] =	ssyncadd.s32 $0xFFFFE700  }
0x2c: {  	v1 =	vld [tilespmem:s12+$0x0]  }
0x2d: {  	v2 =	vld [tilespmem:s12+$0x10]  }
0x2e: {  	v0 =	vld [tilespmem:s12+$0xFFFFFFC0]  }
0x2f: {  	v3 =	vld [tilespmem:s12+$0xFFFFFFD0]  }
0x30: {  	v5 =	vld [tilespmem:s12+$0xFFFFFFE0]  }
0x31: {  	v7 =	vld [tilespmem:s12+$0xFFFFFFF0]  }
0x32: {  	v8 =	vimm.f32 $0.0e+00;
	v4 =	vld [tilespmem:s12+$0x20]  }
0x33: {  	s11 =	simm.s32 $0x0;
	v10 =	vimm.f32 $0.0e+00;
	v11 =	vimm.f32 $0.0e+00;
	v9 =	vimm.f32 $0.0e+00;
	v6 =	vld [tilespmem:s12+$0x30];
	s12 =	simm.s32 $0x68C0  }
.LBB2_3:
0x34: {  	v12 =	vld [tilespmem:s12+$0x0]  }
0x35: {  	v8 =	vadd.f32 v0, v8;
	v10 =	vadd.f32 v3, v10;
	s11 =	sadd.s32 $0x2, s11;
	v13 =	vld [tilespmem:s12+$0x10]  }
0x36: {  	v11 =	vadd.f32 v5, v11;
	p0 =	slt.u32 s11, $0x30;
	v0 =	vld [tilespmem:s12+$0xFFFFFFC0];
	v7 =	vadd.f32 v7, v9  }
.Ltmp2:
0x37: {  	v8 =	vadd.f32 v1, v8;
	v10 =	vadd.f32 v2, v10;
	v3 =	vld [tilespmem:s12+$0xFFFFFFD0];
	(pc) =	sbr.rel @p0 .LBB2_3-.Ltmp2, $4  }
0x38: {  	v11 =	vadd.f32 v4, v11;
	v5 =	vld [tilespmem:s12+$0xFFFFFFE0];
	v9 =	vadd.f32 v6, v7  }
0x39: {  	v7 =	vld [tilespmem:s12+$0xFFFFFFF0];
	v1 =	vmov v12  }
0x3a: {  	v4 =	vld [tilespmem:s12+$0x20];
	v2 =	vmov v13  }
0x3b: {  	v6 =	vld [tilespmem:s12+$0x30];
	s12 =	sadd.s32 $0x80, s12  }
0x3c: {  	v0 =	vadd.f32 v0, v8  }
0x3d: {  	v3 =	vadd.f32 v3, v10  }
0x3e: {  	v5 =	vadd.f32 v5, v11;
	v0 =	vadd.f32 v1, v0  }
0x3f: {  	v1 =	vadd.f32 v7, v9;
	v2 =	vadd.f32 v2, v3  }
0x40: {  	s11 =	sshll.u32 s10, $0xC;
	v3 =	vadd.f32 v4, v5;
	v0 =	vmul.f32 $1.999999960e-02, v0  }
0x41: {  	s11 =	sshra.s32 s11, $0x2;
	v1 =	vadd.f32 v6, v1;
	v2 =	vmul.f32 $1.999999960e-02, v2  }
0x42: {  	[tilespmem:s11+$0x13000] =	vst v0;
	v0 =	vmul.f32 $1.999999960e-02, v3  }
0x43: {  	[tilespmem:s11+$0x13010] =	vst v2;
	v1 =	vmul.f32 $1.999999960e-02, v1  }
0x44: {  	[tilespmem:s11+$0x13020] =	vst v0  }
0x45: {  	s13 =	simm.s32 $0x74F0;
	[tilespmem:s11+$0x13030] =	vst v1  }
0x46: {  	v1 =	vld [tilespmem:s13+$0xFFFFFFD0]  }
0x47: {  	v2 =	vld [tilespmem:s13+$0xFFFFFFE0]  }
0x48: {  	v0 =	vld [tilespmem:s13+$0xFFFFFF90]  }
0x49: {  	v3 =	vld [tilespmem:s13+$0xFFFFFFA0]  }
0x4a: {  	v5 =	vld [tilespmem:s13+$0xFFFFFFB0]  }
0x4b: {  	v6 =	vld [tilespmem:s13+$0xFFFFFFC0]  }
0x4c: {  	v8 =	vimm.f32 $0.0e+00;
	v4 =	vld [tilespmem:s13+$0xFFFFFFF0]  }
0x4d: {  	s12 =	simm.s32 $0x0;
	v10 =	vimm.f32 $0.0e+00;
	v11 =	vimm.f32 $0.0e+00;
	v9 =	vimm.f32 $0.0e+00;
	v7 =	vld [tilespmem:s13+$0x0];
	s13 =	simm.s32 $0x7570  }
.LBB2_5:
0x4e: {  	v12 =	vld [tilespmem:s13+$0xFFFFFFD0]  }
0x4f: {  	v8 =	vadd.f32 v0, v8;
	v10 =	vadd.f32 v3, v10;
	s12 =	sadd.s32 $0x2, s12;
	v13 =	vld [tilespmem:s13+$0xFFFFFFE0]  }
0x50: {  	v11 =	vadd.f32 v5, v11;
	p0 =	slt.u32 s12, $0x30;
	v0 =	vld [tilespmem:s13+$0xFFFFFF90];
	v6 =	vadd.f32 v6, v9  }
.Ltmp3:
0x51: {  	v8 =	vadd.f32 v1, v8;
	v10 =	vadd.f32 v2, v10;
	v3 =	vld [tilespmem:s13+$0xFFFFFFA0];
	(pc) =	sbr.rel @p0 .LBB2_5-.Ltmp3, $4  }
0x52: {  	v11 =	vadd.f32 v4, v11;
	v5 =	vld [tilespmem:s13+$0xFFFFFFB0];
	v9 =	vadd.f32 v7, v6  }
0x53: {  	v6 =	vld [tilespmem:s13+$0xFFFFFFC0];
	v1 =	vmov v12  }
0x54: {  	v4 =	vld [tilespmem:s13+$0xFFFFFFF0];
	v2 =	vmov v13  }
0x55: {  	v7 =	vld [tilespmem:s13+$0x0];
	s13 =	sadd.s32 $0x80, s13  }
0x56: {  	v0 =	vadd.f32 v0, v8  }
0x57: {  	v3 =	vadd.f32 v3, v10  }
0x58: {  	v5 =	vadd.f32 v5, v11;
	v0 =	vadd.f32 v1, v0  }
0x59: {  	v1 =	vadd.f32 v6, v9;
	v2 =	vadd.f32 v2, v3  }
0x5a: {  	v3 =	vadd.f32 v4, v5;
	v0 =	vmul.f32 $1.999999960e-02, v0  }
0x5b: {  	p0 =	seq.s32 s10, $0x1F;
	v1 =	vadd.f32 v7, v1;
	v2 =	vmul.f32 $1.999999960e-02, v2  }
0x5c: {  	s12 =	smul.u32 @!p0 $0xD00, s10;
	[tilespmem:s11+$0x13040] =	vst v0;
	v0 =	vmul.f32 $1.999999960e-02, v3  }
0x5d: {  	[tilespmem:s11+$0x13050] =	vst v2;
	v1 =	vmul.f32 $1.999999960e-02, v1  }
0x5e: {  	s12 =	sshra.s32 @!p0 s12, $0x2;
	[tilespmem:s11+$0x13060] =	vst v0  }
0x5f: {  	s14 =	simm.s32 @!p0 $0x64;
	s15 =	simm.s32 @!p0 $0x6800;
	s13 =	sadd.s32 @!p0 $0x340, s12;
	[tilespmem:s11+$0x13070] =	vst v1  }
0x60: {  	[tilespmem:s15], [sflag:$0x1] =	stream.indirect.gather @!p0 [hbm4b:s3+s14], $0x40, s13, s14, $0xb8;
	[tilespmem:$0x1B000] =	vst v63  }
0x61: {  	_ =	swait.ge [sflag:s25], $0x1900  }
0x62: {  	[sflag:s25] =	ssyncset.done $0x0  }
0x63: {  	s15 =	simm.s32 $0x8170;
	[sflag:s25] =	ssyncadd.s32 $0xFFFFE700  }
0x64: {  	v1 =	vld [tilespmem:s15+$0xFFFFFFD0]  }
0x65: {  	v2 =	vld [tilespmem:s15+$0xFFFFFFE0]  }
0x66: {  	v0 =	vld [tilespmem:s15+$0xFFFFFF90]  }
0x67: {  	v3 =	vld [tilespmem:s15+$0xFFFFFFA0]  }
0x68: {  	v5 =	vld [tilespmem:s15+$0xFFFFFFB0]  }
0x69: {  	v6 =	vld [tilespmem:s15+$0xFFFFFFC0]  }
0x6a: {  	v8 =	vimm.f32 $0.0e+00;
	v4 =	vld [tilespmem:s15+$0xFFFFFFF0]  }
0x6b: {  	v10 =	vimm.f32 $0.0e+00;
	v11 =	vimm.f32 $0.0e+00;
	v9 =	vimm.f32 $0.0e+00;
	s13 =	simm.s32 $0x0;
	s14 =	simm.s32 $0x81F0;
	v7 =	vld [tilespmem:s15+$0x0]  }
.LBB2_7:
0x6c: {  	v12 =	vld [tilespmem:s14+$0xFFFFFFD0]  }
0x6d: {  	v8 =	vadd.f32 v0, v8;
	v10 =	vadd.f32 v3, v10;
	s13 =	sadd.s32 $0x2, s13;
	v13 =	vld [tilespmem:s14+$0xFFFFFFE0]  }
0x6e: {  	v11 =	vadd.f32 v5, v11;
	p1 =	slt.u32 s13, $0x30;
	v0 =	vld [tilespmem:s14+$0xFFFFFF90];
	v6 =	vadd.f32 v6, v9  }
.Ltmp4:
0x6f: {  	v8 =	vadd.f32 v1, v8;
	v10 =	vadd.f32 v2, v10;
	v3 =	vld [tilespmem:s14+$0xFFFFFFA0];
	(pc) =	sbr.rel @p1 .LBB2_7-.Ltmp4, $4  }
0x70: {  	v11 =	vadd.f32 v4, v11;
	v5 =	vld [tilespmem:s14+$0xFFFFFFB0];
	v9 =	vadd.f32 v7, v6  }
0x71: {  	v6 =	vld [tilespmem:s14+$0xFFFFFFC0];
	v1 =	vmov v12  }
0x72: {  	v4 =	vld [tilespmem:s14+$0xFFFFFFF0];
	v2 =	vmov v13  }
0x73: {  	v7 =	vld [tilespmem:s14+$0x0];
	s14 =	sadd.s32 $0x80, s14  }
0x74: {  	v0 =	vadd.f32 v0, v8  }
0x75: {  	v3 =	vadd.f32 v3, v10  }
0x76: {  	v5 =	vadd.f32 v5, v11;
	v0 =	vadd.f32 v1, v0  }
0x77: {  	v1 =	vadd.f32 v6, v9;
	v2 =	vadd.f32 v2, v3  }
0x78: {  	v3 =	vadd.f32 v4, v5;
	v0 =	vmul.f32 $1.999999960e-02, v0  }
0x79: {  	v1 =	vadd.f32 v7, v1;
	v2 =	vmul.f32 $1.999999960e-02, v2  }
0x7a: {  	[tilespmem:s11+$0x13080] =	vst v0;
	v0 =	vmul.f32 $1.999999960e-02, v3  }
0x7b: {  	[tilespmem:s11+$0x13090] =	vst v2;
	v1 =	vmul.f32 $1.999999960e-02, v1  }
0x7c: {  	[tilespmem:s11+$0x130A0] =	vst v0  }
0x7d: {  	s14 =	simm.s32 $0x8DF0;
	[tilespmem:s11+$0x130B0] =	vst v1  }
0x7e: {  	v1 =	vld [tilespmem:s14+$0xFFFFFFD0]  }
0x7f: {  	v2 =	vld [tilespmem:s14+$0xFFFFFFE0]  }
0x80: {  	v0 =	vld [tilespmem:s14+$0xFFFFFF90]  }
0x81: {  	v3 =	vld [tilespmem:s14+$0xFFFFFFA0]  }
0x82: {  	v5 =	vld [tilespmem:s14+$0xFFFFFFB0]  }
0x83: {  	v6 =	vld [tilespmem:s14+$0xFFFFFFC0]  }
0x84: {  	v8 =	vimm.f32 $0.0e+00;
	v4 =	vld [tilespmem:s14+$0xFFFFFFF0]  }
0x85: {  	s13 =	simm.s32 $0x0;
	v10 =	vimm.f32 $0.0e+00;
	v11 =	vimm.f32 $0.0e+00;
	v9 =	vimm.f32 $0.0e+00;
	v7 =	vld [tilespmem:s14+$0x0];
	s14 =	simm.s32 $0x8E70  }
.LBB2_9:
0x86: {  	v12 =	vld [tilespmem:s14+$0xFFFFFFD0]  }
0x87: {  	v8 =	vadd.f32 v0, v8;
	v10 =	vadd.f32 v3, v10;
	s13 =	sadd.s32 $0x2, s13;
	v13 =	vld [tilespmem:s14+$0xFFFFFFE0]  }
0x88: {  	v11 =	vadd.f32 v5, v11;
	p1 =	slt.u32 s13, $0x30;
	v0 =	vld [tilespmem:s14+$0xFFFFFF90];
	v6 =	vadd.f32 v6, v9  }
.Ltmp5:
0x89: {  	v8 =	vadd.f32 v1, v8;
	v10 =	vadd.f32 v2, v10;
	v3 =	vld [tilespmem:s14+$0xFFFFFFA0];
	(pc) =	sbr.rel @p1 .LBB2_9-.Ltmp5, $4  }
0x8a: {  	v11 =	vadd.f32 v4, v11;
	v5 =	vld [tilespmem:s14+$0xFFFFFFB0];
	v9 =	vadd.f32 v7, v6  }
0x8b: {  	v6 =	vld [tilespmem:s14+$0xFFFFFFC0];
	v1 =	vmov v12  }
0x8c: {  	v4 =	vld [tilespmem:s14+$0xFFFFFFF0];
	v2 =	vmov v13  }
0x8d: {  	v7 =	vld [tilespmem:s14+$0x0];
	s14 =	sadd.s32 $0x80, s14  }
0x8e: {  	v0 =	vadd.f32 v0, v8  }
0x8f: {  	v3 =	vadd.f32 v3, v10  }
0x90: {  	v5 =	vadd.f32 v5, v11;
	v0 =	vadd.f32 v1, v0  }
0x91: {  	v1 =	vadd.f32 v6, v9;
	v2 =	vadd.f32 v2, v3  }
0x92: {  	v3 =	vadd.f32 v4, v5;
	v0 =	vmul.f32 $1.999999960e-02, v0  }
0x93: {  	v1 =	vadd.f32 v7, v1;
	v2 =	vmul.f32 $1.999999960e-02, v2  }
0x94: {  	[tilespmem:s11+$0x130C0] =	vst v0;
	v0 =	vmul.f32 $1.999999960e-02, v3  }
0x95: {  	[tilespmem:s11+$0x130D0] =	vst v2;
	v1 =	vmul.f32 $1.999999960e-02, v1  }
0x96: {  	[tilespmem:s11+$0x130E0] =	vst v0  }
0x97: {  	s13 =	sadd.s32 @!p0 $0x3A8, s12;
	s14 =	simm.s32 @!p0 $0x64;
	s15 =	simm.s32 @!p0 $0x8100;
	[tilespmem:s11+$0x130F0] =	vst v1  }
0x98: {  	[tilespmem:s15], [sflag:$0x2] =	stream.indirect.gather @!p0 [hbm4b:s3+s14], $0x40, s13, s14, $0xb8;
	[tilespmem:$0x1B000] =	vst v63  }
0x99: {  	_ =	swait.ge [sflag:s26], $0x1900  }
0x9a: {  	[sflag:s26] =	ssyncset.done $0x0  }
0x9b: {  	s15 =	simm.s32 $0x9A70;
	[sflag:s26] =	ssyncadd.s32 $0xFFFFE700  }
0x9c: {  	v1 =	vld [tilespmem:s15+$0xFFFFFFD0]  }
0x9d: {  	v2 =	vld [tilespmem:s15+$0xFFFFFFE0]  }
0x9e: {  	v0 =	vld [tilespmem:s15+$0xFFFFFF90]  }
0x9f: {  	v3 =	vld [tilespmem:s15+$0xFFFFFFA0]  }
0xa0: {  	v5 =	vld [tilespmem:s15+$0xFFFFFFB0]  }
0xa1: {  	v6 =	vld [tilespmem:s15+$0xFFFFFFC0]  }
0xa2: {  	v8 =	vimm.f32 $0.0e+00;
	v4 =	vld [tilespmem:s15+$0xFFFFFFF0]  }
0xa3: {  	v10 =	vimm.f32 $0.0e+00;
	v11 =	vimm.f32 $0.0e+00;
	v9 =	vimm.f32 $0.0e+00;
	s13 =	simm.s32 $0x0;
	s14 =	simm.s32 $0x9AF0;
	v7 =	vld [tilespmem:s15+$0x0]  }
.LBB2_11:
0xa4: {  	v12 =	vld [tilespmem:s14+$0xFFFFFFD0]  }
0xa5: {  	v8 =	vadd.f32 v0, v8;
	v10 =	vadd.f32 v3, v10;
	s13 =	sadd.s32 $0x2, s13;
	v13 =	vld [tilespmem:s14+$0xFFFFFFE0]  }
0xa6: {  	v11 =	vadd.f32 v5, v11;
	p1 =	slt.u32 s13, $0x30;
	v0 =	vld [tilespmem:s14+$0xFFFFFF90];
	v6 =	vadd.f32 v6, v9  }
.Ltmp6:
0xa7: {  	v8 =	vadd.f32 v1, v8;
	v10 =	vadd.f32 v2, v10;
	v3 =	vld [tilespmem:s14+$0xFFFFFFA0];
	(pc) =	sbr.rel @p1 .LBB2_11-.Ltmp6, $4  }
0xa8: {  	v11 =	vadd.f32 v4, v11;
	v5 =	vld [tilespmem:s14+$0xFFFFFFB0];
	v9 =	vadd.f32 v7, v6  }
0xa9: {  	v6 =	vld [tilespmem:s14+$0xFFFFFFC0];
	v1 =	vmov v12  }
0xaa: {  	v4 =	vld [tilespmem:s14+$0xFFFFFFF0];
	v2 =	vmov v13  }
0xab: {  	v7 =	vld [tilespmem:s14+$0x0];
	s14 =	sadd.s32 $0x80, s14  }
0xac: {  	v0 =	vadd.f32 v0, v8  }
0xad: {  	v3 =	vadd.f32 v3, v10  }
0xae: {  	v5 =	vadd.f32 v5, v11;
	v0 =	vadd.f32 v1, v0  }
0xaf: {  	v1 =	vadd.f32 v6, v9;
	v2 =	vadd.f32 v2, v3  }
0xb0: {  	v3 =	vadd.f32 v4, v5;
	v0 =	vmul.f32 $1.999999960e-02, v0  }
0xb1: {  	v1 =	vadd.f32 v7, v1;
	v2 =	vmul.f32 $1.999999960e-02, v2  }
0xb2: {  	[tilespmem:s11+$0x13100] =	vst v0;
	v0 =	vmul.f32 $1.999999960e-02, v3  }
0xb3: {  	[tilespmem:s11+$0x13110] =	vst v2;
	v1 =	vmul.f32 $1.999999960e-02, v1  }
0xb4: {  	[tilespmem:s11+$0x13120] =	vst v0  }
0xb5: {  	s14 =	simm.s32 $0xA6F0;
	[tilespmem:s11+$0x13130] =	vst v1  }
0xb6: {  	v1 =	vld [tilespmem:s14+$0xFFFFFFD0]  }
0xb7: {  	v2 =	vld [tilespmem:s14+$0xFFFFFFE0]  }
0xb8: {  	v0 =	vld [tilespmem:s14+$0xFFFFFF90]  }
0xb9: {  	v3 =	vld [tilespmem:s14+$0xFFFFFFA0]  }
0xba: {  	v5 =	vld [tilespmem:s14+$0xFFFFFFB0]  }
0xbb: {  	v6 =	vld [tilespmem:s14+$0xFFFFFFC0]  }
0xbc: {  	v8 =	vimm.f32 $0.0e+00;
	v4 =	vld [tilespmem:s14+$0xFFFFFFF0]  }
0xbd: {  	s13 =	simm.s32 $0x0;
	v10 =	vimm.f32 $0.0e+00;
	v11 =	vimm.f32 $0.0e+00;
	v9 =	vimm.f32 $0.0e+00;
	v7 =	vld [tilespmem:s14+$0x0];
	s14 =	simm.s32 $0xA770  }
.LBB2_13:
0xbe: {  	v12 =	vld [tilespmem:s14+$0xFFFFFFD0]  }
0xbf: {  	v8 =	vadd.f32 v0, v8;
	v10 =	vadd.f32 v3, v10;
	s13 =	sadd.s32 $0x2, s13;
	v13 =	vld [tilespmem:s14+$0xFFFFFFE0]  }
0xc0: {  	v11 =	vadd.f32 v5, v11;
	p1 =	slt.u32 s13, $0x30;
	v0 =	vld [tilespmem:s14+$0xFFFFFF90];
	v6 =	vadd.f32 v6, v9  }
.Ltmp7:
0xc1: {  	v8 =	vadd.f32 v1, v8;
	v10 =	vadd.f32 v2, v10;
	v3 =	vld [tilespmem:s14+$0xFFFFFFA0];
	(pc) =	sbr.rel @p1 .LBB2_13-.Ltmp7, $4  }
0xc2: {  	v11 =	vadd.f32 v4, v11;
	v5 =	vld [tilespmem:s14+$0xFFFFFFB0];
	v9 =	vadd.f32 v7, v6  }
0xc3: {  	v6 =	vld [tilespmem:s14+$0xFFFFFFC0];
	v1 =	vmov v12  }
0xc4: {  	v4 =	vld [tilespmem:s14+$0xFFFFFFF0];
	v2 =	vmov v13  }
0xc5: {  	v7 =	vld [tilespmem:s14+$0x0];
	s14 =	sadd.s32 $0x80, s14  }
0xc6: {  	v0 =	vadd.f32 v0, v8  }
0xc7: {  	v3 =	vadd.f32 v3, v10  }
0xc8: {  	v5 =	vadd.f32 v5, v11;
	v0 =	vadd.f32 v1, v0  }
0xc9: {  	v1 =	vadd.f32 v6, v9;
	v2 =	vadd.f32 v2, v3  }
0xca: {  	v3 =	vadd.f32 v4, v5;
	v0 =	vmul.f32 $1.999999960e-02, v0  }
0xcb: {  	v1 =	vadd.f32 v7, v1;
	v2 =	vmul.f32 $1.999999960e-02, v2  }
0xcc: {  	[tilespmem:s11+$0x13140] =	vst v0;
	v0 =	vmul.f32 $1.999999960e-02, v3  }
0xcd: {  	[tilespmem:s11+$0x13150] =	vst v2;
	v1 =	vmul.f32 $1.999999960e-02, v1  }
0xce: {  	[tilespmem:s11+$0x13160] =	vst v0  }
0xcf: {  	s13 =	sadd.s32 @!p0 $0x410, s12;
	s14 =	simm.s32 @!p0 $0x64;
	s15 =	simm.s32 @!p0 $0x9A00;
	[tilespmem:s11+$0x13170] =	vst v1  }
0xd0: {  	[tilespmem:s15], [sflag:$0x3] =	stream.indirect.gather @!p0 [hbm4b:s3+s14], $0x40, s13, s14, $0xb8;
	[tilespmem:$0x1B000] =	vst v63  }
0xd1: {  	_ =	swait.ge [sflag:s28], $0x1900  }
0xd2: {  	[sflag:s28] =	ssyncset.done $0x0  }
0xd3: {  	s15 =	simm.s32 $0xB300;
	[sflag:s28] =	ssyncadd.s32 $0xFFFFE700  }
0xd4: {  	v1 =	vld [tilespmem:s15+$0x40]  }
0xd5: {  	v2 =	vld [tilespmem:s15+$0x50]  }
0xd6: {  	v0 =	vld [tilespmem:s15+$0x0]  }
0xd7: {  	v3 =	vld [tilespmem:s15+$0x10]  }
0xd8: {  	v5 =	vld [tilespmem:s15+$0x20]  }
0xd9: {  	v6 =	vld [tilespmem:s15+$0x30]  }
0xda: {  	v8 =	vimm.f32 $0.0e+00;
	v4 =	vld [tilespmem:s15+$0x60]  }
0xdb: {  	v10 =	vimm.f32 $0.0e+00;
	v11 =	vimm.f32 $0.0e+00;
	v9 =	vimm.f32 $0.0e+00;
	s13 =	simm.s32 $0x0;
	s14 =	simm.s32 $0xB380;
	v7 =	vld [tilespmem:s15+$0x70]  }
.LBB2_15:
0xdc: {  	v12 =	vld [tilespmem:s14+$0x40]  }
0xdd: {  	v8 =	vadd.f32 v0, v8;
	v10 =	vadd.f32 v3, v10;
	s13 =	sadd.s32 $0x2, s13;
	v13 =	vld [tilespmem:s14+$0x50]  }
0xde: {  	v11 =	vadd.f32 v5, v11;
	p1 =	slt.u32 s13, $0x30;
	v0 =	vld [tilespmem:s14+$0x0];
	v6 =	vadd.f32 v6, v9  }
.Ltmp8:
0xdf: {  	v8 =	vadd.f32 v1, v8;
	v10 =	vadd.f32 v2, v10;
	v3 =	vld [tilespmem:s14+$0x10];
	(pc) =	sbr.rel @p1 .LBB2_15-.Ltmp8, $4  }
0xe0: {  	v11 =	vadd.f32 v4, v11;
	v5 =	vld [tilespmem:s14+$0x20];
	v9 =	vadd.f32 v7, v6  }
0xe1: {  	v6 =	vld [tilespmem:s14+$0x30];
	v1 =	vmov v12  }
0xe2: {  	v4 =	vld [tilespmem:s14+$0x60];
	v2 =	vmov v13  }
0xe3: {  	v7 =	vld [tilespmem:s14+$0x70];
	s14 =	sadd.s32 $0x80, s14  }
0xe4: {  	v0 =	vadd.f32 v0, v8  }
0xe5: {  	v3 =	vadd.f32 v3, v10  }
0xe6: {  	v5 =	vadd.f32 v5, v11;
	v0 =	vadd.f32 v1, v0  }
0xe7: {  	v1 =	vadd.f32 v6, v9;
	v2 =	vadd.f32 v2, v3  }
0xe8: {  	v3 =	vadd.f32 v4, v5;
	v0 =	vmul.f32 $1.999999960e-02, v0  }
0xe9: {  	v1 =	vadd.f32 v7, v1;
	v2 =	vmul.f32 $1.999999960e-02, v2  }
0xea: {  	[tilespmem:s11+$0x13180] =	vst v0;
	v0 =	vmul.f32 $1.999999960e-02, v3  }
0xeb: {  	[tilespmem:s11+$0x13190] =	vst v2;
	v1 =	vmul.f32 $1.999999960e-02, v1  }
0xec: {  	[tilespmem:s11+$0x131A0] =	vst v0  }
0xed: {  	s14 =	simm.s32 $0xBF80;
	[tilespmem:s11+$0x131B0] =	vst v1  }
0xee: {  	v1 =	vld [tilespmem:s14+$0x40]  }
0xef: {  	v2 =	vld [tilespmem:s14+$0x50]  }
0xf0: {  	v0 =	vld [tilespmem:s14+$0x0]  }
0xf1: {  	v3 =	vld [tilespmem:s14+$0x10]  }
0xf2: {  	v5 =	vld [tilespmem:s14+$0x20]  }
0xf3: {  	v6 =	vld [tilespmem:s14+$0x30]  }
0xf4: {  	v8 =	vimm.f32 $0.0e+00;
	v4 =	vld [tilespmem:s14+$0x60]  }
0xf5: {  	s13 =	simm.s32 $0x0;
	v10 =	vimm.f32 $0.0e+00;
	v11 =	vimm.f32 $0.0e+00;
	v9 =	vimm.f32 $0.0e+00;
	v7 =	vld [tilespmem:s14+$0x70];
	s14 =	simm.s32 $0xC000  }
.LBB2_17:
0xf6: {  	v12 =	vld [tilespmem:s14+$0x40]  }
0xf7: {  	v8 =	vadd.f32 v0, v8;
	v10 =	vadd.f32 v3, v10;
	s13 =	sadd.s32 $0x2, s13;
	v13 =	vld [tilespmem:s14+$0x50]  }
0xf8: {  	v11 =	vadd.f32 v5, v11;
	p1 =	slt.u32 s13, $0x30;
	v0 =	vld [tilespmem:s14+$0x0];
	v6 =	vadd.f32 v6, v9  }
.Ltmp9:
0xf9: {  	v8 =	vadd.f32 v1, v8;
	v10 =	vadd.f32 v2, v10;
	v3 =	vld [tilespmem:s14+$0x10];
	(pc) =	sbr.rel @p1 .LBB2_17-.Ltmp9, $4  }
0xfa: {  	v11 =	vadd.f32 v4, v11;
	v5 =	vld [tilespmem:s14+$0x20];
	v9 =	vadd.f32 v7, v6  }
0xfb: {  	v6 =	vld [tilespmem:s14+$0x30];
	v1 =	vmov v12  }
0xfc: {  	v4 =	vld [tilespmem:s14+$0x60];
	v2 =	vmov v13  }
0xfd: {  	v7 =	vld [tilespmem:s14+$0x70];
	s14 =	sadd.s32 $0x80, s14  }
0xfe: {  	v0 =	vadd.f32 v0, v8  }
0xff: {  	v3 =	vadd.f32 v3, v10  }
0x100: {  	v5 =	vadd.f32 v5, v11;
	v0 =	vadd.f32 v1, v0  }
0x101: {  	v1 =	vadd.f32 v6, v9;
	v2 =	vadd.f32 v2, v3  }
0x102: {  	v3 =	vadd.f32 v4, v5;
	v0 =	vmul.f32 $1.999999960e-02, v0  }
0x103: {  	v1 =	vadd.f32 v7, v1;
	v2 =	vmul.f32 $1.999999960e-02, v2  }
0x104: {  	[tilespmem:s11+$0x131C0] =	vst v0;
	v0 =	vmul.f32 $1.999999960e-02, v3  }
0x105: {  	[tilespmem:s11+$0x131D0] =	vst v2;
	v1 =	vmul.f32 $1.999999960e-02, v1  }
0x106: {  	[tilespmem:s11+$0x131E0] =	vst v0  }
0x107: {  	s13 =	sadd.s32 @!p0 $0x478, s12;
	s14 =	simm.s32 @!p0 $0x64;
	s15 =	simm.s32 @!p0 $0xB300;
	[tilespmem:s11+$0x131F0] =	vst v1  }
0x108: {  	[tilespmem:s15], [sflag:$0x4] =	stream.indirect.gather @!p0 [hbm4b:s3+s14], $0x40, s13, s14, $0xb8;
	[tilespmem:$0x1B000] =	vst v63  }
0x109: {  	_ =	swait.ge [sflag:s29], $0x1900  }
0x10a: {  	[sflag:s29] =	ssyncset.done $0x0  }
0x10b: {  	s15 =	simm.s32 $0xCC00;
	[sflag:s29] =	ssyncadd.s32 $0xFFFFE700  }
0x10c: {  	v1 =	vld [tilespmem:s15+$0x40]  }
0x10d: {  	v2 =	vld [tilespmem:s15+$0x50]  }
0x10e: {  	v0 =	vld [tilespmem:s15+$0x0]  }
0x10f: {  	v3 =	vld [tilespmem:s15+$0x10]  }
0x110: {  	v5 =	vld [tilespmem:s15+$0x20]  }
0x111: {  	v6 =	vld [tilespmem:s15+$0x30]  }
0x112: {  	v8 =	vimm.f32 $0.0e+00;
	v4 =	vld [tilespmem:s15+$0x60]  }
0x113: {  	v10 =	vimm.f32 $0.0e+00;
	v11 =	vimm.f32 $0.0e+00;
	v9 =	vimm.f32 $0.0e+00;
	s13 =	simm.s32 $0x0;
	s14 =	simm.s32 $0xCC80;
	v7 =	vld [tilespmem:s15+$0x70]  }
.LBB2_19:
0x114: {  	v12 =	vld [tilespmem:s14+$0x40]  }
0x115: {  	v8 =	vadd.f32 v0, v8;
	v10 =	vadd.f32 v3, v10;
	s13 =	sadd.s32 $0x2, s13;
	v13 =	vld [tilespmem:s14+$0x50]  }
0x116: {  	v11 =	vadd.f32 v5, v11;
	p1 =	slt.u32 s13, $0x30;
	v0 =	vld [tilespmem:s14+$0x0];
	v6 =	vadd.f32 v6, v9  }
.Ltmp10:
0x117: {  	v8 =	vadd.f32 v1, v8;
	v10 =	vadd.f32 v2, v10;
	v3 =	vld [tilespmem:s14+$0x10];
	(pc) =	sbr.rel @p1 .LBB2_19-.Ltmp10, $4  }
0x118: {  	v11 =	vadd.f32 v4, v11;
	v5 =	vld [tilespmem:s14+$0x20];
	v9 =	vadd.f32 v7, v6  }
0x119: {  	v6 =	vld [tilespmem:s14+$0x30];
	v1 =	vmov v12  }
0x11a: {  	v4 =	vld [tilespmem:s14+$0x60];
	v2 =	vmov v13  }
0x11b: {  	v7 =	vld [tilespmem:s14+$0x70];
	s14 =	sadd.s32 $0x80, s14  }
0x11c: {  	v0 =	vadd.f32 v0, v8  }
0x11d: {  	v3 =	vadd.f32 v3, v10  }
0x11e: {  	v5 =	vadd.f32 v5, v11;
	v0 =	vadd.f32 v1, v0  }
0x11f: {  	v1 =	vadd.f32 v6, v9;
	v2 =	vadd.f32 v2, v3  }
0x120: {  	v3 =	vadd.f32 v4, v5;
	v0 =	vmul.f32 $1.999999960e-02, v0  }
0x121: {  	v1 =	vadd.f32 v7, v1;
	v2 =	vmul.f32 $1.999999960e-02, v2  }
0x122: {  	[tilespmem:s11+$0x13200] =	vst v0;
	v0 =	vmul.f32 $1.999999960e-02, v3  }
0x123: {  	[tilespmem:s11+$0x13210] =	vst v2;
	v1 =	vmul.f32 $1.999999960e-02, v1  }
0x124: {  	[tilespmem:s11+$0x13220] =	vst v0  }
0x125: {  	s14 =	simm.s32 $0xD880;
	[tilespmem:s11+$0x13230] =	vst v1  }
0x126: {  	v1 =	vld [tilespmem:s14+$0x40]  }
0x127: {  	v2 =	vld [tilespmem:s14+$0x50]  }
0x128: {  	v0 =	vld [tilespmem:s14+$0x0]  }
0x129: {  	v3 =	vld [tilespmem:s14+$0x10]  }
0x12a: {  	v5 =	vld [tilespmem:s14+$0x20]  }
0x12b: {  	v6 =	vld [tilespmem:s14+$0x30]  }
0x12c: {  	v8 =	vimm.f32 $0.0e+00;
	v4 =	vld [tilespmem:s14+$0x60]  }
0x12d: {  	s13 =	simm.s32 $0x0;
	v10 =	vimm.f32 $0.0e+00;
	v11 =	vimm.f32 $0.0e+00;
	v9 =	vimm.f32 $0.0e+00;
	v7 =	vld [tilespmem:s14+$0x70];
	s14 =	simm.s32 $0xD900  }
.LBB2_21:
0x12e: {  	v12 =	vld [tilespmem:s14+$0x40]  }
0x12f: {  	v8 =	vadd.f32 v0, v8;
	v10 =	vadd.f32 v3, v10;
	s13 =	sadd.s32 $0x2, s13;
	v13 =	vld [tilespmem:s14+$0x50]  }
0x130: {  	v11 =	vadd.f32 v5, v11;
	p1 =	slt.u32 s13, $0x30;
	v0 =	vld [tilespmem:s14+$0x0];
	v6 =	vadd.f32 v6, v9  }
.Ltmp11:
0x131: {  	v8 =	vadd.f32 v1, v8;
	v10 =	vadd.f32 v2, v10;
	v3 =	vld [tilespmem:s14+$0x10];
	(pc) =	sbr.rel @p1 .LBB2_21-.Ltmp11, $4  }
0x132: {  	v11 =	vadd.f32 v4, v11;
	v5 =	vld [tilespmem:s14+$0x20];
	v9 =	vadd.f32 v7, v6  }
0x133: {  	v6 =	vld [tilespmem:s14+$0x30];
	v1 =	vmov v12  }
0x134: {  	v4 =	vld [tilespmem:s14+$0x60];
	v2 =	vmov v13  }
0x135: {  	v7 =	vld [tilespmem:s14+$0x70];
	s14 =	sadd.s32 $0x80, s14  }
0x136: {  	v0 =	vadd.f32 v0, v8  }
0x137: {  	v3 =	vadd.f32 v3, v10  }
0x138: {  	v5 =	vadd.f32 v5, v11;
	v0 =	vadd.f32 v1, v0  }
0x139: {  	v1 =	vadd.f32 v6, v9;
	v2 =	vadd.f32 v2, v3  }
0x13a: {  	v3 =	vadd.f32 v4, v5;
	v0 =	vmul.f32 $1.999999960e-02, v0  }
0x13b: {  	v1 =	vadd.f32 v7, v1;
	v2 =	vmul.f32 $1.999999960e-02, v2  }
0x13c: {  	[tilespmem:s11+$0x13240] =	vst v0;
	v0 =	vmul.f32 $1.999999960e-02, v3  }
0x13d: {  	[tilespmem:s11+$0x13250] =	vst v2;
	v1 =	vmul.f32 $1.999999960e-02, v1  }
0x13e: {  	[tilespmem:s11+$0x13260] =	vst v0  }
0x13f: {  	s13 =	sadd.s32 @!p0 $0x4E0, s12;
	s14 =	simm.s32 @!p0 $0x64;
	s15 =	simm.s32 @!p0 $0xCC00;
	[tilespmem:s11+$0x13270] =	vst v1  }
0x140: {  	[tilespmem:s15], [sflag:$0x5] =	stream.indirect.gather @!p0 [hbm4b:s3+s14], $0x40, s13, s14, $0xb8;
	[tilespmem:$0x1B000] =	vst v63  }
0x141: {  	_ =	swait.ge [sflag:s30], $0x1900  }
0x142: {  	[sflag:s30] =	ssyncset.done $0x0  }
0x143: {  	s15 =	simm.s32 $0xE500;
	[sflag:s30] =	ssyncadd.s32 $0xFFFFE700  }
0x144: {  	v1 =	vld [tilespmem:s15+$0x40]  }
0x145: {  	v2 =	vld [tilespmem:s15+$0x50]  }
0x146: {  	v0 =	vld [tilespmem:s15+$0x0]  }
0x147: {  	v3 =	vld [tilespmem:s15+$0x10]  }
0x148: {  	v5 =	vld [tilespmem:s15+$0x20]  }
0x149: {  	v6 =	vld [tilespmem:s15+$0x30]  }
0x14a: {  	v8 =	vimm.f32 $0.0e+00;
	v4 =	vld [tilespmem:s15+$0x60]  }
0x14b: {  	v10 =	vimm.f32 $0.0e+00;
	v11 =	vimm.f32 $0.0e+00;
	v9 =	vimm.f32 $0.0e+00;
	s13 =	simm.s32 $0x0;
	s14 =	simm.s32 $0xE580;
	v7 =	vld [tilespmem:s15+$0x70]  }
.LBB2_23:
0x14c: {  	v12 =	vld [tilespmem:s14+$0x40]  }
0x14d: {  	v8 =	vadd.f32 v0, v8;
	v10 =	vadd.f32 v3, v10;
	s13 =	sadd.s32 $0x2, s13;
	v13 =	vld [tilespmem:s14+$0x50]  }
0x14e: {  	v11 =	vadd.f32 v5, v11;
	p1 =	slt.u32 s13, $0x30;
	v0 =	vld [tilespmem:s14+$0x0];
	v6 =	vadd.f32 v6, v9  }
.Ltmp12:
0x14f: {  	v8 =	vadd.f32 v1, v8;
	v10 =	vadd.f32 v2, v10;
	v3 =	vld [tilespmem:s14+$0x10];
	(pc) =	sbr.rel @p1 .LBB2_23-.Ltmp12, $4  }
0x150: {  	v11 =	vadd.f32 v4, v11;
	v5 =	vld [tilespmem:s14+$0x20];
	v9 =	vadd.f32 v7, v6  }
0x151: {  	v6 =	vld [tilespmem:s14+$0x30];
	v1 =	vmov v12  }
0x152: {  	v4 =	vld [tilespmem:s14+$0x60];
	v2 =	vmov v13  }
0x153: {  	v7 =	vld [tilespmem:s14+$0x70];
	s14 =	sadd.s32 $0x80, s14  }
0x154: {  	v0 =	vadd.f32 v0, v8  }
0x155: {  	v3 =	vadd.f32 v3, v10  }
0x156: {  	v5 =	vadd.f32 v5, v11;
	v0 =	vadd.f32 v1, v0  }
0x157: {  	v1 =	vadd.f32 v6, v9;
	v2 =	vadd.f32 v2, v3  }
0x158: {  	v3 =	vadd.f32 v4, v5;
	v0 =	vmul.f32 $1.999999960e-02, v0  }
0x159: {  	v1 =	vadd.f32 v7, v1;
	v2 =	vmul.f32 $1.999999960e-02, v2  }
0x15a: {  	[tilespmem:s11+$0x13280] =	vst v0;
	v0 =	vmul.f32 $1.999999960e-02, v3  }
0x15b: {  	[tilespmem:s11+$0x13290] =	vst v2;
	v1 =	vmul.f32 $1.999999960e-02, v1  }
0x15c: {  	[tilespmem:s11+$0x132A0] =	vst v0  }
0x15d: {  	s14 =	simm.s32 $0xF180;
	[tilespmem:s11+$0x132B0] =	vst v1  }
0x15e: {  	v1 =	vld [tilespmem:s14+$0x40]  }
0x15f: {  	v2 =	vld [tilespmem:s14+$0x50]  }
0x160: {  	v0 =	vld [tilespmem:s14+$0x0]  }
0x161: {  	v3 =	vld [tilespmem:s14+$0x10]  }
0x162: {  	v5 =	vld [tilespmem:s14+$0x20]  }
0x163: {  	v6 =	vld [tilespmem:s14+$0x30]  }
0x164: {  	v8 =	vimm.f32 $0.0e+00;
	v4 =	vld [tilespmem:s14+$0x60]  }
0x165: {  	s13 =	simm.s32 $0x0;
	v10 =	vimm.f32 $0.0e+00;
	v11 =	vimm.f32 $0.0e+00;
	v9 =	vimm.f32 $0.0e+00;
	v7 =	vld [tilespmem:s14+$0x70];
	s14 =	simm.s32 $0xF200  }
.LBB2_25:
0x166: {  	v12 =	vld [tilespmem:s14+$0x40]  }
0x167: {  	v8 =	vadd.f32 v0, v8;
	v10 =	vadd.f32 v3, v10;
	s13 =	sadd.s32 $0x2, s13;
	v13 =	vld [tilespmem:s14+$0x50]  }
0x168: {  	v11 =	vadd.f32 v5, v11;
	p1 =	slt.u32 s13, $0x30;
	v0 =	vld [tilespmem:s14+$0x0];
	v6 =	vadd.f32 v6, v9  }
.Ltmp13:
0x169: {  	v8 =	vadd.f32 v1, v8;
	v10 =	vadd.f32 v2, v10;
	v3 =	vld [tilespmem:s14+$0x10];
	(pc) =	sbr.rel @p1 .LBB2_25-.Ltmp13, $4  }
0x16a: {  	v11 =	vadd.f32 v4, v11;
	v5 =	vld [tilespmem:s14+$0x20];
	v9 =	vadd.f32 v7, v6  }
0x16b: {  	v6 =	vld [tilespmem:s14+$0x30];
	v1 =	vmov v12  }
0x16c: {  	v4 =	vld [tilespmem:s14+$0x60];
	v2 =	vmov v13  }
0x16d: {  	v7 =	vld [tilespmem:s14+$0x70];
	s14 =	sadd.s32 $0x80, s14  }
0x16e: {  	v0 =	vadd.f32 v0, v8  }
0x16f: {  	v3 =	vadd.f32 v3, v10  }
0x170: {  	v5 =	vadd.f32 v5, v11;
	v0 =	vadd.f32 v1, v0  }
0x171: {  	v1 =	vadd.f32 v6, v9;
	v2 =	vadd.f32 v2, v3  }
0x172: {  	v3 =	vadd.f32 v4, v5;
	v0 =	vmul.f32 $1.999999960e-02, v0  }
0x173: {  	v1 =	vadd.f32 v7, v1;
	v2 =	vmul.f32 $1.999999960e-02, v2  }
0x174: {  	[tilespmem:s11+$0x132C0] =	vst v0;
	v0 =	vmul.f32 $1.999999960e-02, v3  }
0x175: {  	[tilespmem:s11+$0x132D0] =	vst v2;
	v1 =	vmul.f32 $1.999999960e-02, v1  }
0x176: {  	[tilespmem:s11+$0x132E0] =	vst v0  }
0x177: {  	s13 =	sadd.s32 @!p0 $0x548, s12;
	s14 =	simm.s32 @!p0 $0x64;
	s15 =	simm.s32 @!p0 $0xE500;
	[tilespmem:s11+$0x132F0] =	vst v1  }
0x178: {  	[tilespmem:s15], [sflag:$0x6] =	stream.indirect.gather @!p0 [hbm4b:s3+s14], $0x40, s13, s14, $0xb8;
	[tilespmem:$0x1B000] =	vst v63  }
0x179: {  	_ =	swait.ge [sflag:s31], $0x1900  }
0x17a: {  	[sflag:s31] =	ssyncset.done $0x0  }
0x17b: {  	s15 =	simm.s32 $0xFE00;
	[sflag:s31] =	ssyncadd.s32 $0xFFFFE700  }
0x17c: {  	v1 =	vld [tilespmem:s15+$0x40]  }
0x17d: {  	v2 =	vld [tilespmem:s15+$0x50]  }
0x17e: {  	v0 =	vld [tilespmem:s15+$0x0]  }
0x17f: {  	v3 =	vld [tilespmem:s15+$0x10]  }
0x180: {  	v5 =	vld [tilespmem:s15+$0x20]  }
0x181: {  	v6 =	vld [tilespmem:s15+$0x30]  }
0x182: {  	v8 =	vimm.f32 $0.0e+00;
	v4 =	vld [tilespmem:s15+$0x60]  }
0x183: {  	v10 =	vimm.f32 $0.0e+00;
	v11 =	vimm.f32 $0.0e+00;
	v9 =	vimm.f32 $0.0e+00;
	s13 =	simm.s32 $0x0;
	s14 =	simm.s32 $0xFE80;
	v7 =	vld [tilespmem:s15+$0x70]  }
.LBB2_27:
0x184: {  	v12 =	vld [tilespmem:s14+$0x40]  }
0x185: {  	v8 =	vadd.f32 v0, v8;
	v10 =	vadd.f32 v3, v10;
	s13 =	sadd.s32 $0x2, s13;
	v13 =	vld [tilespmem:s14+$0x50]  }
0x186: {  	v11 =	vadd.f32 v5, v11;
	p1 =	slt.u32 s13, $0x30;
	v0 =	vld [tilespmem:s14+$0x0];
	v6 =	vadd.f32 v6, v9  }
.Ltmp14:
0x187: {  	v8 =	vadd.f32 v1, v8;
	v10 =	vadd.f32 v2, v10;
	v3 =	vld [tilespmem:s14+$0x10];
	(pc) =	sbr.rel @p1 .LBB2_27-.Ltmp14, $4  }
0x188: {  	v11 =	vadd.f32 v4, v11;
	v5 =	vld [tilespmem:s14+$0x20];
	v9 =	vadd.f32 v7, v6  }
0x189: {  	v6 =	vld [tilespmem:s14+$0x30];
	v1 =	vmov v12  }
0x18a: {  	v4 =	vld [tilespmem:s14+$0x60];
	v2 =	vmov v13  }
0x18b: {  	v7 =	vld [tilespmem:s14+$0x70];
	s14 =	sadd.s32 $0x80, s14  }
0x18c: {  	v0 =	vadd.f32 v0, v8  }
0x18d: {  	v3 =	vadd.f32 v3, v10  }
0x18e: {  	v5 =	vadd.f32 v5, v11;
	v0 =	vadd.f32 v1, v0  }
0x18f: {  	v1 =	vadd.f32 v6, v9;
	v2 =	vadd.f32 v2, v3  }
0x190: {  	v3 =	vadd.f32 v4, v5;
	v0 =	vmul.f32 $1.999999960e-02, v0  }
0x191: {  	v1 =	vadd.f32 v7, v1;
	v2 =	vmul.f32 $1.999999960e-02, v2  }
0x192: {  	[tilespmem:s11+$0x13300] =	vst v0;
	v0 =	vmul.f32 $1.999999960e-02, v3  }
0x193: {  	[tilespmem:s11+$0x13310] =	vst v2;
	v1 =	vmul.f32 $1.999999960e-02, v1  }
0x194: {  	[tilespmem:s11+$0x13320] =	vst v0  }
0x195: {  	s14 =	simm.s32 $0x10A80;
	[tilespmem:s11+$0x13330] =	vst v1  }
0x196: {  	v1 =	vld [tilespmem:s14+$0x40]  }
0x197: {  	v2 =	vld [tilespmem:s14+$0x50]  }
0x198: {  	v0 =	vld [tilespmem:s14+$0x0]  }
0x199: {  	v3 =	vld [tilespmem:s14+$0x10]  }
0x19a: {  	v5 =	vld [tilespmem:s14+$0x20]  }
0x19b: {  	v6 =	vld [tilespmem:s14+$0x30]  }
0x19c: {  	v8 =	vimm.f32 $0.0e+00;
	v4 =	vld [tilespmem:s14+$0x60]  }
0x19d: {  	s13 =	simm.s32 $0x0;
	v10 =	vimm.f32 $0.0e+00;
	v11 =	vimm.f32 $0.0e+00;
	v9 =	vimm.f32 $0.0e+00;
	v7 =	vld [tilespmem:s14+$0x70];
	s14 =	simm.s32 $0x10B00  }
.LBB2_29:
0x19e: {  	v12 =	vld [tilespmem:s14+$0x40]  }
0x19f: {  	v8 =	vadd.f32 v0, v8;
	v10 =	vadd.f32 v3, v10;
	s13 =	sadd.s32 $0x2, s13;
	v13 =	vld [tilespmem:s14+$0x50]  }
0x1a0: {  	v11 =	vadd.f32 v5, v11;
	p1 =	slt.u32 s13, $0x30;
	v0 =	vld [tilespmem:s14+$0x0];
	v6 =	vadd.f32 v6, v9  }
.Ltmp15:
0x1a1: {  	v8 =	vadd.f32 v1, v8;
	v10 =	vadd.f32 v2, v10;
	v3 =	vld [tilespmem:s14+$0x10];
	(pc) =	sbr.rel @p1 .LBB2_29-.Ltmp15, $4  }
0x1a2: {  	v11 =	vadd.f32 v4, v11;
	v5 =	vld [tilespmem:s14+$0x20];
	v9 =	vadd.f32 v7, v6  }
0x1a3: {  	v6 =	vld [tilespmem:s14+$0x30];
	v1 =	vmov v12  }
0x1a4: {  	v4 =	vld [tilespmem:s14+$0x60];
	v2 =	vmov v13  }
0x1a5: {  	v7 =	vld [tilespmem:s14+$0x70];
	s14 =	sadd.s32 $0x80, s14  }
0x1a6: {  	v0 =	vadd.f32 v0, v8  }
0x1a7: {  	v3 =	vadd.f32 v3, v10  }
0x1a8: {  	v5 =	vadd.f32 v5, v11;
	v0 =	vadd.f32 v1, v0  }
0x1a9: {  	v1 =	vadd.f32 v6, v9;
	v2 =	vadd.f32 v2, v3  }
0x1aa: {  	v3 =	vadd.f32 v4, v5;
	v0 =	vmul.f32 $1.999999960e-02, v0  }
0x1ab: {  	v1 =	vadd.f32 v7, v1;
	v2 =	vmul.f32 $1.999999960e-02, v2  }
0x1ac: {  	[tilespmem:s11+$0x13340] =	vst v0;
	v0 =	vmul.f32 $1.999999960e-02, v3  }
0x1ad: {  	[tilespmem:s11+$0x13350] =	vst v2;
	v1 =	vmul.f32 $1.999999960e-02, v1  }
0x1ae: {  	[tilespmem:s11+$0x13360] =	vst v0  }
0x1af: {  	s12 =	sadd.s32 @!p0 $0x5B0, s12;
	s13 =	simm.s32 @!p0 $0x64;
	s14 =	simm.s32 @!p0 $0xFE00;
	[tilespmem:s11+$0x13370] =	vst v1  }
0x1b0: {  	[tilespmem:s14], [sflag:$0x7] =	stream.indirect.gather @!p0 [hbm4b:s3+s13], $0x40, s12, s13, $0xb8;
	[tilespmem:$0x1B000] =	vst v63  }
0x1b1: {  	_ =	swait.ge [sflag:s1], $0x1900  }
0x1b2: {  	[sflag:s1] =	ssyncset.done $0x0  }
0x1b3: {  	s15 =	simm.s32 $0x11700;
	[sflag:s1] =	ssyncadd.s32 $0xFFFFE700  }
0x1b4: {  	v1 =	vld [tilespmem:s15+$0x40]  }
0x1b5: {  	v2 =	vld [tilespmem:s15+$0x50]  }
0x1b6: {  	v0 =	vld [tilespmem:s15+$0x0]  }
0x1b7: {  	v3 =	vld [tilespmem:s15+$0x10]  }
0x1b8: {  	v5 =	vld [tilespmem:s15+$0x20]  }
0x1b9: {  	v6 =	vld [tilespmem:s15+$0x30]  }
0x1ba: {  	v8 =	vimm.f32 $0.0e+00;
	v4 =	vld [tilespmem:s15+$0x60]  }
0x1bb: {  	v10 =	vimm.f32 $0.0e+00;
	v11 =	vimm.f32 $0.0e+00;
	v9 =	vimm.f32 $0.0e+00;
	s12 =	simm.s32 $0x0;
	s13 =	simm.s32 $0x11780;
	v7 =	vld [tilespmem:s15+$0x70]  }
.LBB2_31:
0x1bc: {  	v12 =	vld [tilespmem:s13+$0x40]  }
0x1bd: {  	v8 =	vadd.f32 v0, v8;
	v10 =	vadd.f32 v3, v10;
	s12 =	sadd.s32 $0x2, s12;
	v13 =	vld [tilespmem:s13+$0x50]  }
0x1be: {  	v11 =	vadd.f32 v5, v11;
	p1 =	slt.u32 s12, $0x30;
	v0 =	vld [tilespmem:s13+$0x0];
	v6 =	vadd.f32 v6, v9  }
.Ltmp16:
0x1bf: {  	v8 =	vadd.f32 v1, v8;
	v10 =	vadd.f32 v2, v10;
	v3 =	vld [tilespmem:s13+$0x10];
	(pc) =	sbr.rel @p1 .LBB2_31-.Ltmp16, $4  }
0x1c0: {  	v11 =	vadd.f32 v4, v11;
	v5 =	vld [tilespmem:s13+$0x20];
	v9 =	vadd.f32 v7, v6  }
0x1c1: {  	v6 =	vld [tilespmem:s13+$0x30];
	v1 =	vmov v12  }
0x1c2: {  	v4 =	vld [tilespmem:s13+$0x60];
	v2 =	vmov v13  }
0x1c3: {  	v7 =	vld [tilespmem:s13+$0x70];
	s13 =	sadd.s32 $0x80, s13  }
0x1c4: {  	v0 =	vadd.f32 v0, v8  }
0x1c5: {  	v3 =	vadd.f32 v3, v10  }
0x1c6: {  	v5 =	vadd.f32 v5, v11;
	v0 =	vadd.f32 v1, v0  }
0x1c7: {  	v1 =	vadd.f32 v6, v9;
	v2 =	vadd.f32 v2, v3  }
0x1c8: {  	v3 =	vadd.f32 v4, v5;
	v0 =	vmul.f32 $1.999999960e-02, v0  }
0x1c9: {  	v1 =	vadd.f32 v7, v1;
	v2 =	vmul.f32 $1.999999960e-02, v2  }
0x1ca: {  	[tilespmem:s11+$0x13380] =	vst v0;
	v0 =	vmul.f32 $1.999999960e-02, v3  }
0x1cb: {  	[tilespmem:s11+$0x13390] =	vst v2;
	v1 =	vmul.f32 $1.999999960e-02, v1  }
0x1cc: {  	[tilespmem:s11+$0x133A0] =	vst v0  }
0x1cd: {  	s13 =	simm.s32 $0x12380;
	[tilespmem:s11+$0x133B0] =	vst v1  }
0x1ce: {  	v1 =	vld [tilespmem:s13+$0x40]  }
0x1cf: {  	v2 =	vld [tilespmem:s13+$0x50]  }
0x1d0: {  	v0 =	vld [tilespmem:s13+$0x0]  }
0x1d1: {  	v3 =	vld [tilespmem:s13+$0x10]  }
0x1d2: {  	v5 =	vld [tilespmem:s13+$0x20]  }
0x1d3: {  	v6 =	vld [tilespmem:s13+$0x30]  }
0x1d4: {  	v8 =	vimm.f32 $0.0e+00;
	v4 =	vld [tilespmem:s13+$0x60]  }
0x1d5: {  	s12 =	simm.s32 $0x0;
	v10 =	vimm.f32 $0.0e+00;
	v11 =	vimm.f32 $0.0e+00;
	v9 =	vimm.f32 $0.0e+00;
	v7 =	vld [tilespmem:s13+$0x70];
	s13 =	simm.s32 $0x12400  }
.LBB2_33:
0x1d6: {  	v12 =	vld [tilespmem:s13+$0x40]  }
0x1d7: {  	v8 =	vadd.f32 v0, v8;
	v10 =	vadd.f32 v3, v10;
	s12 =	sadd.s32 $0x2, s12;
	v13 =	vld [tilespmem:s13+$0x50]  }
0x1d8: {  	v11 =	vadd.f32 v5, v11;
	p1 =	slt.u32 s12, $0x30;
	v0 =	vld [tilespmem:s13+$0x0];
	v6 =	vadd.f32 v6, v9  }
.Ltmp17:
0x1d9: {  	v8 =	vadd.f32 v1, v8;
	v10 =	vadd.f32 v2, v10;
	v3 =	vld [tilespmem:s13+$0x10];
	(pc) =	sbr.rel @p1 .LBB2_33-.Ltmp17, $4  }
0x1da: {  	v11 =	vadd.f32 v4, v11;
	v5 =	vld [tilespmem:s13+$0x20];
	v9 =	vadd.f32 v7, v6  }
0x1db: {  	v6 =	vld [tilespmem:s13+$0x30];
	v1 =	vmov v12  }
0x1dc: {  	v4 =	vld [tilespmem:s13+$0x60];
	v2 =	vmov v13  }
0x1dd: {  	v7 =	vld [tilespmem:s13+$0x70];
	s13 =	sadd.s32 $0x80, s13  }
0x1de: {  	v0 =	vadd.f32 v0, v8  }
0x1df: {  	v3 =	vadd.f32 v3, v10  }
0x1e0: {  	v5 =	vadd.f32 v5, v11;
	v0 =	vadd.f32 v1, v0  }
0x1e1: {  	v61 =	vadd.f32 v6, v9;
	v2 =	vadd.f32 v2, v3  }
0x1e2: {  	v62 =	vadd.f32 v4, v5;
	v0 =	vmul.f32 $1.999999960e-02, v0  }
.Ltmp18:
0x1e3: {  	v1 =	vadd.f32 v7, v61;
	v2 =	vmul.f32 $1.999999960e-02, v2;
	(pc) =	sbr.rel @p0 .LBB2_36-.Ltmp18, $4  }
0x1e4: {  	v63 =	vmul.f32 $1.999999960e-02, v62;
	[tilespmem:s11+$0x133C0] =	vst v0  }
0x1e5: {  	[tilespmem:s11+$0x133D0] =	vst v2;
	v1 =	vmul.f32 $1.999999960e-02, v1  }
0x1e6: {  	[tilespmem:s11+$0x133E0] =	vst v63  }
0x1e7: {  	[tilespmem:s11+$0x133F0] =	vst v1  }
0x1e8: {  	s11 =	smul.u32 $0xD00, s10  }
.Ltmp19:
0x1e9: {  	_ = 	snop;
	(pc) =	sbr.rel .LBB2_2-.Ltmp19, $4  }
0x1ea: {  	_ = 	snop  }
0x1eb: {  	s11 =	sshra.s32 s11, $0x2  }
0x1ec: {  	s10 =	sadd.s32 $0x1, s10;
	s11 =	sadd.s32 $0x618, s11  }
0x1ed: {  	[tilespmem:s23], [sflag:$0x8] =	stream.indirect.gather [hbm4b:s3+s8], $0x40, s11, s8, $0xb8;
	[tilespmem:$0x1B000] =	vst v63  }
.LBB2_37:
0x1ee: {  	_ =	sfence.sel $0x180000  }
0x1ef: {  	[bflag:$0x0] =	sbarrier.arrive $0xFFFF  }
0x1f0: {  	_ =	strace $0x90000047  }
0x1f1: {  	s0 =	stileid.u32;
	[bflag:$0x2] =	sbarrier.arrive $0xFFFF  }
0x1f2: {  	p0 =	sne.s32 s0, $0x0;
	s0 =	rddreg [dreg:$0x2]  }
0x1f3: {  	s0 =	sadd.s32 @!p0 $0x100000, s0  }
0x1f4: {  	[sflag:s0] =	ssyncadd.tile.s32 @!p0 $0x1;
	_ =	shalt  }
.Lfunc_end2:
_tile_overlayer_lowered:
.L_overlay_start_2:
0x1f5: {  	(tag) =	ssettag $0x2  }
0x1f6: {  	s0 =	rddreg [dreg:$0x0];
	s2 =	stileid.u32  }
0x1f7: {  	s1 =	rddreg [dreg:$0x1];
	p0 =	sne.s32 s2, $0x0  }
0x1f8: {  	s3 =	rddreg [dreg:$0x2];
	[bflag:$0x3] =	sbarrier.arrive $0xFFFF;
	s2 =	simm.s32 @!p0 $0x1C09  }
0x1f9: {  	[timem:s3], [sflag:s2] =	dma.local @!p0 [hbm:s0], s1  }
0x1fa: {  	s0 =	simm.s32 @!p0 $0x9  }
0x1fb: {  	_ =	swait.ge @!p0 [sflag:s0], s1  }
0x1fc: {  	s1 =	ssub.s32 @!p0 $0x0, s1;
	[sflag:s0] =	ssyncset.done @!p0 $0x0  }
0x1fd: {  	[sflag:s0] =	ssyncadd.s32 @!p0 s1  }
0x1fe: {  	[bflag:$0x3] =	sbarrier.arrive $0xFFFF  }
0x1ff: {  	_ =	shalt  }

</sc_bundles>
